<compile_context>
chip_gen: v7x
topology: tpu7x:2x2x1
jax: 0.10.2.dev20260603
libtpu: 0.0.44.dev20260713+nightly
codegen_flags: <defaults>
</compile_context>

<pallas_src>
import functools

import jax
import jax.numpy as jnp
from jax import lax
from jax.experimental import pallas as pl
from jax.experimental.pallas import tpu as pltpu
from jax.experimental.pallas import tpu_sc as plsc

KNN = 16
QB = 256
QC = 256
DTAB = 128


def _mm(a, w):
    return jnp.dot(a.astype(jnp.bfloat16), w.astype(jnp.bfloat16),
                   preferred_element_type=jnp.float32)


NCH = 32
CH = 128
ROUNDS = 6


def _knn_encode_body(posq_ref, posf_ref, feat_ref,
                     Wenc_ref, benc_ref, Wq_ref, bq_ref, Wk_ref, bk_ref,
                     Wv_ref, bv_ref,
                     nbrT_ref, q_ref, tab_ref, *, n_points):
    b = pl.program_id(0)
    n = n_points

    r = lambda t: t.astype(jnp.bfloat16).astype(jnp.float32)
    pq = posq_ref[0]
    xq = pq[0:1, :]
    yq = pq[1:2, :]
    zq = pq[2:3, :]
    sqq = (xq * xq + yq * yq) + zq * zq
    pf = posf_ref[...]
    xa = pf[:, 0:1]
    ya = pf[:, 1:2]
    za = pf[:, 2:3]
    sqa = (xa * xa + ya * ya) + za * za

    def build_d3():
        dot = (r(xa) * r(xq) + r(ya) * r(yq)) + r(za) * r(zq)
        dT = (sqq + sqa) - 2.0 * dot
        return dT.reshape(NCH, CH, QB)

    d3 = build_d3()
    iwf = lax.broadcasted_iota(jnp.int32, (NCH, CH, QB), 1).astype(jnp.float32)
    fbig = jnp.float32(1e9)

    def chunk_argmin(v):
        ix = iwf
        w = CH
        while w > 1:
            h = w // 2
            t = v[:, h:w] < v[:, :h]
            v = jnp.where(t, v[:, h:w], v[:, :h])
            ix = jnp.where(t, ix[:, h:w], ix[:, :h])
            w = h
        return v, ix

    vals, idxs = [], []
    cb = lax.broadcasted_iota(jnp.int32, (NCH, QB), 0).astype(jnp.float32) * CH
    for _ in range(ROUNDS):
        mc, lst = chunk_argmin(d3)
        d3 = jnp.where(iwf == lst, jnp.inf, d3)
        vals.append(mc.reshape(NCH, QB))
        idxs.append(lst.reshape(NCH, QB) + cb)
    poolv = jnp.concatenate(vals, axis=0)
    pooli = jnp.concatenate(idxs, axis=0)

    cols = []
    pm = None
    for _ in range(KNN):
        pm = jnp.min(poolv, axis=0, keepdims=True)
        psel = jnp.where(poolv == pm, pooli, fbig)
        pidx = jnp.min(psel, axis=0, keepdims=True)
        cols.append(pidx)
        poolv = jnp.where(psel == pidx, jnp.inf, poolv)
    nbrT = jnp.concatenate(cols, axis=0).astype(jnp.int32) + b * n
    nbrT_ref[0] = nbrT

    def chunk_min(v):
        w = CH
        while w > 1:
            h = w // 2
            v = jnp.minimum(v[:, h:w], v[:, :h])
            w = h
        return v

    rem = jnp.min(chunk_min(d3).reshape(NCH, QB), axis=0, keepdims=True)
    bad = jnp.any(rem <= pm)

    @pl.when(bad)
    def _fallback():
        dd = build_d3()
        gf = iwf + cb.reshape(NCH, 1, QB)
        cols2 = []
        for _ in range(KNN):
            m2 = jnp.min(jnp.min(dd, axis=1).reshape(NCH, QB),
                         axis=0, keepdims=True)
            m = m2.reshape(1, 1, QB)
            pick = jnp.where(dd == m, gf, fbig)
            i2 = jnp.min(jnp.min(pick, axis=1).reshape(NCH, QB),
                         axis=0, keepdims=True)
            cols2.append(i2)
            dd = jnp.where(pick == i2.reshape(1, 1, QB), jnp.inf, dd)
        nbrT_ref[0] = jnp.concatenate(cols2, axis=0).astype(jnp.int32) + b * n

    f = feat_ref[...]
    x = _mm(f, Wenc_ref[...]) + benc_ref[...]
    q = _mm(x, Wq_ref[...]) + bq_ref[...]
    k = _mm(x, Wk_ref[...]) + bk_ref[...]
    v = _mm(x, Wv_ref[...]) + bv_ref[...]
    q_ref[...] = q
    qi = pl.program_id(1)
    pblk = posf_ref[pl.ds(qi * QB, QB), :]
    pad = jnp.zeros((QB, DTAB - 64 - 3), jnp.float32)
    tab_ref[...] = jnp.concatenate([k, v, pblk, pad], axis=1)


def _attn_body(q_ref, g_ref, pos_ref, feat_ref,
               Wp1_ref, bp1_ref, Wp2_ref, bp2_ref,
               Wa1_ref, ba1_ref, Wa2_ref, ba2_ref,
               Wdec_ref, bdec_ref, out_ref):
    C = q_ref.shape[1]
    g = g_ref[...]
    g3 = g.reshape(QC, KNN, DTAB)
    k_n = g3[:, :, 0:C]
    v_n = g3[:, :, C:2 * C]
    pos = pos_ref[...]

    rx = pos[:, None, 0:1] - g3[:, :, 2 * C:2 * C + 1]
    ry = pos[:, None, 1:2] - g3[:, :, 2 * C + 1:2 * C + 2]
    rz = pos[:, None, 2:3] - g3[:, :, 2 * C + 2:2 * C + 3]

    r = lambda t: t.astype(jnp.bfloat16).astype(jnp.float32)
    w0 = r(Wp1_ref[0:1, :])
    w1 = r(Wp1_ref[1:2, :])
    w2 = r(Wp1_ref[2:3, :])
    h = (r(rx) * w0 + r(ry) * w1) + r(rz) * w2 + bp1_ref[...]
    h = jnp.maximum(h, 0.0)
    h2 = h.reshape(QC * KNN, C)
    delta = _mm(h2, Wp2_ref[...]) + bp2_ref[...]
    delta3 = delta.reshape(QC, KNN, C)

    q = q_ref[...]
    e3 = (q[:, None, :] - k_n) + delta3
    e2 = e3.reshape(QC * KNN, C)
    a = jnp.maximum(_mm(e2, Wa1_ref[...]) + ba1_ref[...], 0.0)
    gamma = _mm(a, Wa2_ref[...]) + ba2_ref[...]
    g3m = gamma.reshape(QC, KNN, C)

    mx = jnp.max(g3m, axis=1, keepdims=True)
    ex = jnp.exp(g3m - mx)
    sm = jnp.sum(ex, axis=1, keepdims=True)
    alpha = ex / sm
    out = jnp.sum(alpha * (v_n + delta3), axis=1)

    dec = _mm(out, Wdec_ref[...]) + bdec_ref[...]
    out_ref[...] = feat_ref[...] + dec


def _sc_gather(table, idx_flat):
    rows = idx_flat.shape[0]
    info = plsc.get_sparse_core_info()
    nw = info.num_cores * info.num_subcores
    per_w = rows // nw
    chunk = 128
    n_iter = per_w // chunk
    mesh = plsc.VectorSubcoreMesh(core_axis_name="c", subcore_axis_name="s")

    @functools.partial(
        pl.kernel, mesh=mesh,
        out_type=jax.ShapeDtypeStruct((rows, DTAB), jnp.float32),
        scratch_types=[
            pltpu.VMEM((chunk,), jnp.int32),
            pltpu.VMEM((chunk, DTAB), jnp.float32),
            pltpu.SemaphoreType.DMA,
        ],
    )
    def gather_k(tab_hbm, idx_hbm, out_hbm, idx_v, rows_v, sem):
        wid = lax.axis_index("s") * info.num_cores + lax.axis_index("c")
        base = wid * per_w

        def body(i, carry):
            off = base + i * chunk
            pltpu.sync_copy(idx_hbm.at[pl.ds(off, chunk)], idx_v)
            pltpu.async_copy(tab_hbm.at[idx_v], rows_v, sem).wait()
            pltpu.sync_copy(rows_v, out_hbm.at[pl.ds(off, chunk)])
            return carry

        lax.fori_loop(0, n_iter, body, 0)

    return gather_k(table, idx_flat)


def kernel(features, positions, batch, W_enc, b_enc, Wq, bq, Wk, bk, Wv, bv,
           Wp1, bp1, Wp2, bp2, Wa1, ba1, Wa2, ba2, W_dec, b_dec):
    B = features.shape[0]
    h = B // 2
    out0 = _half(features[:h], positions[:h], W_enc, b_enc, Wq, bq, Wk, bk,
                 Wv, bv, Wp1, bp1, Wp2, bp2, Wa1, ba1, Wa2, ba2, W_dec, b_dec)
    out1 = _half(features[h:], positions[h:], W_enc, b_enc, Wq, bq, Wk, bk,
                 Wv, bv, Wp1, bp1, Wp2, bp2, Wa1, ba1, Wa2, ba2, W_dec, b_dec)
    return (jnp.concatenate([out0, out1], axis=0), positions, batch)


def _half(features, positions, W_enc, b_enc, Wq, bq, Wk, bk, Wv, bv,
          Wp1, bp1, Wp2, bp2, Wa1, ba1, Wa2, ba2, W_dec, b_dec):
    B, N, F = features.shape
    C = Wq.shape[0]
    nbq = N // QB

    f2 = features.reshape(B * N, F)
    pos2 = positions.reshape(B * N, 3)
    posT = jnp.transpose(positions, (0, 2, 1))
    b_enc2 = b_enc.reshape(1, C)
    bq2 = bq.reshape(1, C)
    bk2 = bk.reshape(1, C)
    bv2 = bv.reshape(1, C)

    row_spec = lambda w: pl.BlockSpec((QB, w), lambda b, i: (b * nbq + i, 0))
    full = lambda shape: pl.BlockSpec(shape, lambda b, i: tuple(0 for _ in shape))

    nbrT, q, tab = pl.pallas_call(
        functools.partial(_knn_encode_body, n_points=N),
        grid=(B, nbq),
        in_specs=[
            pl.BlockSpec((1, 3, QB), lambda b, i: (b, 0, i)),
            pl.BlockSpec((N, 3), lambda b, i: (b, 0)),
            row_spec(F),
            full((F, C)), full((1, C)),
            full((C, C)), full((1, C)),
            full((C, C)), full((1, C)),
            full((C, C)), full((1, C)),
        ],
        out_specs=[
            pl.BlockSpec((1, KNN, QB), lambda b, i: (b, 0, i)),
            row_spec(C), row_spec(DTAB),
        ],
        out_shape=[
            jax.ShapeDtypeStruct((B, KNN, N), jnp.int32),
            jax.ShapeDtypeStruct((B * N, C), jnp.float32),
            jax.ShapeDtypeStruct((B * N, DTAB), jnp.float32),
        ],
    )(posT, pos2, f2, W_enc, b_enc2, Wq, bq2, Wk, bk2, Wv, bv2)

    nbr_flat = jnp.transpose(nbrT, (0, 2, 1)).reshape(-1)
    gathered = _sc_gather(tab, nbr_flat)

    nqc = (B * N) // QC
    rs = lambda w: pl.BlockSpec((QC, w), lambda i: (i, 0))
    fullc = lambda shape: pl.BlockSpec(shape, lambda i: tuple(0 for _ in shape))
    featout = pl.pallas_call(
        _attn_body,
        grid=(nqc,),
        in_specs=[
            rs(C),
            pl.BlockSpec((QC * KNN, DTAB), lambda i: (i, 0)),
            rs(3),
            rs(F),
            fullc((3, C)), fullc((1, C)),
            fullc((C, C)), fullc((1, C)),
            fullc((C, C)), fullc((1, C)),
            fullc((C, C)), fullc((1, C)),
            fullc((C, F)), fullc((1, F)),
        ],
        out_specs=rs(F),
        out_shape=jax.ShapeDtypeStruct((B * N, F), jnp.float32),
    )(q, gathered, pos2, f2,
      Wp1, bp1.reshape(1, C), Wp2, bp2.reshape(1, C),
      Wa1, ba1.reshape(1, C), Wa2, ba2.reshape(1, C),
      W_dec, b_dec.reshape(1, F))

    return featout.reshape(B, N, F)

# --- scband reference (transcript-rebuilt; emitter-appended) ---
"""Pipeline reference for scband-point-transformer-block-46840913330605 (READ-ONLY COPY).

The authoritative reference and input builder live on the scoring server;
editing this copy changes nothing except your own understanding.
"""

import jax, jax.numpy as jnp
import numpy as np

B, N, F, C, K = 4, 4096, 128, 32, 16

def _uni(key, shape, fan):
    s = 1.0 / np.sqrt(fan)
    return jax.random.uniform(key, shape, jnp.float32, -s, s)

def setup_inputs(seed: int = 0):
    key = jax.random.key(seed)
    ks = jax.random.split(key, 24)
    features = jax.random.normal(ks[0], (B, N, F), dtype=jnp.float32)
    positions = jax.random.uniform(ks[1], (B, N, 3), dtype=jnp.float32)
    batch = jnp.sort(jax.random.randint(ks[2], (B * N,), 0, B)).astype(jnp.int64)
    inp = {"features": features, "positions": positions, "batch": batch}
    inp["W_enc"] = _uni(ks[3], (F, C), F); inp["b_enc"] = _uni(ks[4], (C,), F)
    inp["Wq"] = _uni(ks[5], (C, C), C); inp["bq"] = _uni(ks[6], (C,), C)
    inp["Wk"] = _uni(ks[7], (C, C), C); inp["bk"] = _uni(ks[8], (C,), C)
    inp["Wv"] = _uni(ks[9], (C, C), C); inp["bv"] = _uni(ks[10], (C,), C)
    inp["Wp1"] = _uni(ks[11], (3, C), 3); inp["bp1"] = _uni(ks[12], (C,), 3)
    inp["Wp2"] = _uni(ks[13], (C, C), C); inp["bp2"] = _uni(ks[14], (C,), C)
    inp["Wa1"] = _uni(ks[15], (C, C), C); inp["ba1"] = _uni(ks[16], (C,), C)
    inp["Wa2"] = _uni(ks[17], (C, C), C); inp["ba2"] = _uni(ks[18], (C,), C)
    inp["W_dec"] = _uni(ks[19], (C, F), C); inp["b_dec"] = _uni(ks[20], (F,), C)
    return inp

def reference(features, positions, batch, W_enc, b_enc, Wq, bq, Wk, bk, Wv, bv, Wp1, bp1, Wp2, bp2, Wa1, ba1, Wa2, ba2, W_dec, b_dec):
    # linear_encoder
    x = features @ W_enc + b_enc
    # PointTransformerLayer (vector attention over K nearest neighbors)
    q = x @ Wq + bq
    k = x @ Wk + bk
    v = x @ Wv + bv
    sq = jnp.sum(positions * positions, axis=-1)
    d2 = sq[:, :, None] + sq[:, None, :] - 2.0 * jnp.einsum('bnc,bmc->bnm', positions, positions)
    _, nbr = jax.lax.top_k(-d2, K)  # [B, N, K] nearest neighbors per point
    gather = jax.vmap(lambda a, i: a[i])  # per-batch gather: [N,C],[N,K] -> [N,K,C]
    k_n = gather(k, nbr)
    v_n = gather(v, nbr)
    p_n = gather(positions, nbr)
    rel = positions[:, :, None, :] - p_n  # [B, N, K, 3]
    delta = jax.nn.relu(rel @ Wp1 + bp1) @ Wp2 + bp2  # positional encoding [B,N,K,C]
    e = q[:, :, None, :] - k_n + delta
    gamma = jax.nn.relu(e @ Wa1 + ba1) @ Wa2 + ba2
    alpha = jax.nn.softmax(gamma, axis=2)
    out = jnp.sum(alpha * (v_n + delta), axis=2)  # [B, N, C]
    # linear_decoder + residual
    dec = out @ W_dec + b_dec
    return (features + dec, positions, batch)

if __name__ == "__main__":
    import jax
    _d = setup_inputs()
    print(jax.jit(kernel)(*tuple(_d.values())))

</pallas_src>

<mosaic_0001>
#map = affine_map<(d0, d1) -> (0, 0)>
#map1 = affine_map<(d0, d1) -> (0)>
module attributes {stable_mosaic.version = 14 : i64} {
  func.func @gather_k(%arg0: i32, %arg1: i32, %arg2: memref<8192x128xf32, #tpu.memory_space<hbm>>, %arg3: memref<131072xi32, #tpu.memory_space<hbm>>, %arg4: memref<131072x128xf32, #tpu.memory_space<hbm>>, %arg5: memref<128xi32, #tpu.memory_space<vmem>>, %arg6: memref<128x128xf32, #tpu.memory_space<vmem>>, %arg7: memref<!tpu.dma_semaphore, #tpu.memory_space<semaphore_mem>>) attributes {dimension_semantics = [#tpu.dimension_semantics<core_parallel>, #tpu.dimension_semantics<subcore_parallel>], iteration_bounds = array<i64: 2, 16>, scalar_prefetch = 0 : i64, scratch_operands = 3 : i64, tpu.core_type = #tpu.core_type<sc_vector_subcore>, window_params = [{transform_indices = #map}, {transform_indices = #map1}, {transform_indices = #map}]} {
    %mul3A = arith.constant 2 : i32
    %mul3A_0 = arith.muli %arg1, %mul3A : i32
    %add3A = arith.addi %mul3A_0, %arg0 : i32
    %mul3A_1 = arith.constant 4096 : i32
    %mul3A_2 = arith.muli %add3A, %mul3A_1 : i32
    %scan3A = arith.constant 0 : i32
    %scan3A_3 = arith.constant 0 : i32
    %scan3A_4 = arith.constant 32 : i32
    %scan3A_5 = arith.addi %scan3A_3, %scan3A_4 : i32
    %scan3A_6 = arith.constant 1 : i32
    scf.for %scan3A_8 = %scan3A_3 to %scan3A_5 step %scan3A_6  : i32 {
      %mul3A_9 = arith.constant 128 : i32
      %mul3A_10 = arith.muli %scan3A_8, %mul3A_9 : i32
      %add3A_11 = arith.addi %mul3A_2, %mul3A_10 : i32
      "tpu.region"() ({
        %run_scoped3A = tpu.sem_alloc : memref<!tpu.dma_semaphore, #tpu.memory_space<semaphore_mem>>
        %dma_start3A_16 = tpu.memref_slice %arg3[%add3A_11] : memref<131072xi32, #tpu.memory_space<hbm>> -> memref<128xi32, #tpu.memory_space<hbm>>
        %dma_start3A_17 = tpu.memref_slice %arg3[%add3A_11] : memref<131072xi32, #tpu.memory_space<hbm>> -> memref<128xi32, #tpu.memory_space<hbm>>
        tpu.enqueue_dma source(%dma_start3A_17 : memref<128xi32, #tpu.memory_space<hbm>>) target(%arg5 : memref<128xi32, #tpu.memory_space<vmem>>) target_semaphore(%run_scoped3A : memref<!tpu.dma_semaphore, #tpu.memory_space<semaphore_mem>>)
        %dma_wait3A_18 = tpu.memref_slice %arg3[%add3A_11] : memref<131072xi32, #tpu.memory_space<hbm>> -> memref<128xi32, #tpu.memory_space<hbm>>
        %dma_wait3A_19 = tpu.memref_slice %arg3[%add3A_11] : memref<131072xi32, #tpu.memory_space<hbm>> -> memref<128xi32, #tpu.memory_space<hbm>>
        tpu.wait_dma2 semaphore(%run_scoped3A : memref<!tpu.dma_semaphore, #tpu.memory_space<semaphore_mem>>) src(%dma_wait3A_19 : memref<128xi32, #tpu.memory_space<hbm>>) dst(%arg5 : memref<128xi32, #tpu.memory_space<vmem>>)
        tpu.yield
      }) : () -> ()
      %dma_start3A = arith.constant 0 : i32
      %dma_start3A_12 = arith.constant 0 : i32
      %dma_start3A_13 = tpu.memref_slice %arg2[%dma_start3A, %dma_start3A_12] : memref<8192x128xf32, #tpu.memory_space<hbm>> -> memref<8192x128xf32, #tpu.memory_space<hbm>>
      tpu.enqueue_indirect_dma source(%dma_start3A_13 : memref<8192x128xf32, #tpu.memory_space<hbm>>) target(%arg6 : memref<128x128xf32, #tpu.memory_space<vmem>>) offsets(%arg5 : memref<128xi32, #tpu.memory_space<vmem>>) semaphore(%arg7 : memref<!tpu.dma_semaphore, #tpu.memory_space<semaphore_mem>>)
      %dma_wait3A = arith.constant 0 : i32
      %dma_wait3A_14 = arith.constant 0 : i32
      %dma_wait3A_15 = tpu.memref_slice %arg2[%dma_wait3A, %dma_wait3A_14] : memref<8192x128xf32, #tpu.memory_space<hbm>> -> memref<8192x128xf32, #tpu.memory_space<hbm>>
      tpu.wait_indirect_dma semaphore(%arg7 : memref<!tpu.dma_semaphore, #tpu.memory_space<semaphore_mem>>) src(%dma_wait3A_15 : memref<8192x128xf32, #tpu.memory_space<hbm>>) dst(%arg6 : memref<128x128xf32, #tpu.memory_space<vmem>>)
      "tpu.region"() ({
        %run_scoped3A = tpu.sem_alloc : memref<!tpu.dma_semaphore, #tpu.memory_space<semaphore_mem>>
        %dma_start3A_16 = arith.constant 0 : i32
        %dma_start3A_17 = tpu.memref_slice %arg4[%add3A_11, %dma_start3A_16] : memref<131072x128xf32, #tpu.memory_space<hbm>> -> memref<128x128xf32, #tpu.memory_space<hbm>>
        %dma_start3A_18 = arith.constant 0 : i32
        %dma_start3A_19 = tpu.memref_slice %arg4[%add3A_11, %dma_start3A_18] : memref<131072x128xf32, #tpu.memory_space<hbm>> -> memref<128x128xf32, #tpu.memory_space<hbm>>
        tpu.enqueue_dma source(%arg6 : memref<128x128xf32, #tpu.memory_space<vmem>>) target(%dma_start3A_19 : memref<128x128xf32, #tpu.memory_space<hbm>>) target_semaphore(%run_scoped3A : memref<!tpu.dma_semaphore, #tpu.memory_space<semaphore_mem>>)
        %dma_wait3A_20 = arith.constant 0 : i32
        %dma_wait3A_21 = tpu.memref_slice %arg4[%add3A_11, %dma_wait3A_20] : memref<131072x128xf32, #tpu.memory_space<hbm>> -> memref<128x128xf32, #tpu.memory_space<hbm>>
        %dma_wait3A_22 = arith.constant 0 : i32
        %dma_wait3A_23 = tpu.memref_slice %arg4[%add3A_11, %dma_wait3A_22] : memref<131072x128xf32, #tpu.memory_space<hbm>> -> memref<128x128xf32, #tpu.memory_space<hbm>>
        tpu.wait_dma2 semaphore(%run_scoped3A : memref<!tpu.dma_semaphore, #tpu.memory_space<semaphore_mem>>) src(%arg6 : memref<128x128xf32, #tpu.memory_space<vmem>>) dst(%dma_wait3A_23 : memref<128x128xf32, #tpu.memory_space<hbm>>)
        tpu.yield
      }) : () -> ()
    }
    %scan3A_7 = arith.constant 32 : i32
    return
  }
}

#map = affine_map<(d0, d1) -> (0, 0)>
#map1 = affine_map<(d0, d1) -> (0)>
module attributes {stable_mosaic.version = 14 : i64} {
  func.func @gather_k(%arg0: i32, %arg1: i32, %arg2: memref<8192x128xf32, #tpu.memory_space<hbm>>, %arg3: memref<131072xi32, #tpu.memory_space<hbm>>, %arg4: memref<131072x128xf32, #tpu.memory_space<hbm>>, %arg5: memref<128xi32, #tpu.memory_space<vmem>>, %arg6: memref<128x128xf32, #tpu.memory_space<vmem>>, %arg7: memref<!tpu.dma_semaphore, #tpu.memory_space<semaphore_mem>>) attributes {dimension_semantics = [#tpu.dimension_semantics<core_parallel>, #tpu.dimension_semantics<subcore_parallel>], iteration_bounds = array<i64: 2, 16>, scalar_prefetch = 0 : i64, scratch_operands = 3 : i64, tpu.core_type = #tpu.core_type<sc_vector_subcore>, window_params = [{transform_indices = #map}, {transform_indices = #map1}, {transform_indices = #map}]} {
    %mul3A = arith.constant 2 : i32
    %mul3A_0 = arith.muli %arg1, %mul3A : i32
    %add3A = arith.addi %mul3A_0, %arg0 : i32
    %mul3A_1 = arith.constant 4096 : i32
    %mul3A_2 = arith.muli %add3A, %mul3A_1 : i32
    %scan3A = arith.constant 0 : i32
    %scan3A_3 = arith.constant 0 : i32
    %scan3A_4 = arith.constant 32 : i32
    %scan3A_5 = arith.addi %scan3A_3, %scan3A_4 : i32
    %scan3A_6 = arith.constant 1 : i32
    scf.for %scan3A_8 = %scan3A_3 to %scan3A_5 step %scan3A_6  : i32 {
      %mul3A_9 = arith.constant 128 : i32
      %mul3A_10 = arith.muli %scan3A_8, %mul3A_9 : i32
      %add3A_11 = arith.addi %mul3A_2, %mul3A_10 : i32
      "tpu.region"() ({
        %run_scoped3A = tpu.sem_alloc : memref<!tpu.dma_semaphore, #tpu.memory_space<semaphore_mem>>
        %dma_start3A_16 = tpu.memref_slice %arg3[%add3A_11] : memref<131072xi32, #tpu.memory_space<hbm>> -> memref<128xi32, #tpu.memory_space<hbm>>
        %dma_start3A_17 = tpu.memref_slice %arg3[%add3A_11] : memref<131072xi32, #tpu.memory_space<hbm>> -> memref<128xi32, #tpu.memory_space<hbm>>
        tpu.enqueue_dma source(%dma_start3A_17 : memref<128xi32, #tpu.memory_space<hbm>>) target(%arg5 : memref<128xi32, #tpu.memory_space<vmem>>) target_semaphore(%run_scoped3A : memref<!tpu.dma_semaphore, #tpu.memory_space<semaphore_mem>>)
        %dma_wait3A_18 = tpu.memref_slice %arg3[%add3A_11] : memref<131072xi32, #tpu.memory_space<hbm>> -> memref<128xi32, #tpu.memory_space<hbm>>
        %dma_wait3A_19 = tpu.memref_slice %arg3[%add3A_11] : memref<131072xi32, #tpu.memory_space<hbm>> -> memref<128xi32, #tpu.memory_space<hbm>>
        tpu.wait_dma2 semaphore(%run_scoped3A : memref<!tpu.dma_semaphore, #tpu.memory_space<semaphore_mem>>) src(%dma_wait3A_19 : memref<128xi32, #tpu.memory_space<hbm>>) dst(%arg5 : memref<128xi32, #tpu.memory_space<vmem>>)
        tpu.yield
      }) : () -> ()
      %dma_start3A = arith.constant 0 : i32
      %dma_start3A_12 = arith.constant 0 : i32
      %dma_start3A_13 = tpu.memref_slice %arg2[%dma_start3A, %dma_start3A_12] : memref<8192x128xf32, #tpu.memory_space<hbm>> -> memref<8192x128xf32, #tpu.memory_space<hbm>>
      tpu.enqueue_indirect_dma source(%dma_start3A_13 : memref<8192x128xf32, #tpu.memory_space<hbm>>) target(%arg6 : memref<128x128xf32, #tpu.memory_space<vmem>>) offsets(%arg5 : memref<128xi32, #tpu.memory_space<vmem>>) semaphore(%arg7 : memref<!tpu.dma_semaphore, #tpu.memory_space<semaphore_mem>>)
      %dma_wait3A = arith.constant 0 : i32
      %dma_wait3A_14 = arith.constant 0 : i32
      %dma_wait3A_15 = tpu.memref_slice %arg2[%dma_wait3A, %dma_wait3A_14] : memref<8192x128xf32, #tpu.memory_space<hbm>> -> memref<8192x128xf32, #tpu.memory_space<hbm>>
      tpu.wait_indirect_dma semaphore(%arg7 : memref<!tpu.dma_semaphore, #tpu.memory_space<semaphore_mem>>) src(%dma_wait3A_15 : memref<8192x128xf32, #tpu.memory_space<hbm>>) dst(%arg6 : memref<128x128xf32, #tpu.memory_space<vmem>>)
      "tpu.region"() ({
        %run_scoped3A = tpu.sem_alloc : memref<!tpu.dma_semaphore, #tpu.memory_space<semaphore_mem>>
        %dma_start3A_16 = arith.constant 0 : i32
        %dma_start3A_17 = tpu.memref_slice %arg4[%add3A_11, %dma_start3A_16] : memref<131072x128xf32, #tpu.memory_space<hbm>> -> memref<128x128xf32, #tpu.memory_space<hbm>>
        %dma_start3A_18 = arith.constant 0 : i32
        %dma_start3A_19 = tpu.memref_slice %arg4[%add3A_11, %dma_start3A_18] : memref<131072x128xf32, #tpu.memory_space<hbm>> -> memref<128x128xf32, #tpu.memory_space<hbm>>
        tpu.enqueue_dma source(%arg6 : memref<128x128xf32, #tpu.memory_space<vmem>>) target(%dma_start3A_19 : memref<128x128xf32, #tpu.memory_space<hbm>>) target_semaphore(%run_scoped3A : memref<!tpu.dma_semaphore, #tpu.memory_space<semaphore_mem>>)
        %dma_wait3A_20 = arith.constant 0 : i32
        %dma_wait3A_21 = tpu.memref_slice %arg4[%add3A_11, %dma_wait3A_20] : memref<131072x128xf32, #tpu.memory_space<hbm>> -> memref<128x128xf32, #tpu.memory_space<hbm>>
        %dma_wait3A_22 = arith.constant 0 : i32
        %dma_wait3A_23 = tpu.memref_slice %arg4[%add3A_11, %dma_wait3A_22] : memref<131072x128xf32, #tpu.memory_space<hbm>> -> memref<128x128xf32, #tpu.memory_space<hbm>>
        tpu.wait_dma2 semaphore(%run_scoped3A : memref<!tpu.dma_semaphore, #tpu.memory_space<semaphore_mem>>) src(%arg6 : memref<128x128xf32, #tpu.memory_space<vmem>>) dst(%dma_wait3A_23 : memref<128x128xf32, #tpu.memory_space<hbm>>)
        tpu.yield
      }) : () -> ()
    }
    %scan3A_7 = arith.constant 32 : i32
    return
  }
}

module attributes {stable_mosaic.version = 14 : i64} {
  func.func @_knn_encode_body(%arg0: i32, %arg1: i32, %arg2: memref<1x3x256xf32, #tpu.memory_space<vmem>>, %arg3: memref<4096x3xf32, #tpu.memory_space<vmem>>, %arg4: memref<256x128xf32, #tpu.memory_space<vmem>>, %arg5: memref<128x32xf32, #tpu.memory_space<vmem>>, %arg6: memref<1x32xf32, #tpu.memory_space<vmem>>, %arg7: memref<32x32xf32, #tpu.memory_space<vmem>>, %arg8: memref<1x32xf32, #tpu.memory_space<vmem>>, %arg9: memref<32x32xf32, #tpu.memory_space<vmem>>, %arg10: memref<1x32xf32, #tpu.memory_space<vmem>>, %arg11: memref<32x32xf32, #tpu.memory_space<vmem>>, %arg12: memref<1x32xf32, #tpu.memory_space<vmem>>, %arg13: memref<1x16x256xi32, #tpu.memory_space<vmem>>, %arg14: memref<256x32xf32, #tpu.memory_space<vmem>>, %arg15: memref<256x128xf32, #tpu.memory_space<vmem>>) attributes {dimension_semantics = [#tpu.dimension_semantics<arbitrary>, #tpu.dimension_semantics<arbitrary>], iteration_bounds = array<i64: 2, 16>, scalar_prefetch = 0 : i64, scratch_operands = 0 : i64, tpu.core_type = #tpu.core_type<tc>, window_params = [{transform_indices = @transform_0, window_bounds = array<i64: 1, 3, 256>}, {transform_indices = @transform_1, window_bounds = array<i64: 4096, 3>}, {transform_indices = @transform_2, window_bounds = array<i64: 256, 128>}, {pipeline_mode = #tpu.pipeline_mode<synchronous>, transform_indices = @transform_3, window_bounds = array<i64: 128, 32>}, {pipeline_mode = #tpu.pipeline_mode<synchronous>, transform_indices = @transform_4, window_bounds = array<i64: 1, 32>}, {pipeline_mode = #tpu.pipeline_mode<synchronous>, transform_indices = @transform_5, window_bounds = array<i64: 32, 32>}, {pipeline_mode = #tpu.pipeline_mode<synchronous>, transform_indices = @transform_6, window_bounds = array<i64: 1, 32>}, {pipeline_mode = #tpu.pipeline_mode<synchronous>, transform_indices = @transform_7, window_bounds = array<i64: 32, 32>}, {pipeline_mode = #tpu.pipeline_mode<synchronous>, transform_indices = @transform_8, window_bounds = array<i64: 1, 32>}, {pipeline_mode = #tpu.pipeline_mode<synchronous>, transform_indices = @transform_9, window_bounds = array<i64: 32, 32>}, {pipeline_mode = #tpu.pipeline_mode<synchronous>, transform_indices = @transform_10, window_bounds = array<i64: 1, 32>}, {transform_indices = @transform_11, window_bounds = array<i64: 1, 16, 256>}, {transform_indices = @transform_12, window_bounds = array<i64: 256, 32>}, {transform_indices = @transform_13, window_bounds = array<i64: 256, 128>}]} {
    %get3A = arith.constant 0 : index
    %get3A_0 = arith.constant 0 : index
    %get3A_1 = arith.constant 0 : index
    %get3A_2 = vector.load %arg2[%get3A, %get3A_0, %get3A_1] : memref<1x3x256xf32, #tpu.memory_space<vmem>>, vector<1x3x256xf32>
    %get3A_3 = vector.shape_cast %get3A_2 : vector<1x3x256xf32> to vector<3x256xf32>
    %slice3A = vector.extract_strided_slice %get3A_3 {offsets = [0, 0], sizes = [1, 256], strides = [1, 1]} : vector<3x256xf32> to vector<1x256xf32>
    %slice3A_4 = vector.extract_strided_slice %get3A_3 {offsets = [1, 0], sizes = [1, 256], strides = [1, 1]} : vector<3x256xf32> to vector<1x256xf32>
    %slice3A_5 = vector.extract_strided_slice %get3A_3 {offsets = [2, 0], sizes = [1, 256], strides = [1, 1]} : vector<3x256xf32> to vector<1x256xf32>
    %mul3A = arith.mulf %slice3A, %slice3A : vector<1x256xf32>
    %mul3A_6 = arith.mulf %slice3A_4, %slice3A_4 : vector<1x256xf32>
    %add3A = arith.addf %mul3A, %mul3A_6 : vector<1x256xf32>
    %mul3A_7 = arith.mulf %slice3A_5, %slice3A_5 : vector<1x256xf32>
    %add3A_8 = arith.addf %add3A, %mul3A_7 : vector<1x256xf32>
    %get3A_9 = arith.constant 0 : index
    %get3A_10 = arith.constant 0 : index
    %get3A_11 = vector.load %arg3[%get3A_9, %get3A_10] : memref<4096x3xf32, #tpu.memory_space<vmem>>, vector<4096x3xf32>
    %slice3A_12 = vector.extract_strided_slice %get3A_11 {offsets = [0, 0], sizes = [4096, 1], strides = [1, 1]} : vector<4096x3xf32> to vector<4096x1xf32>
    %slice3A_13 = vector.extract_strided_slice %get3A_11 {offsets = [0, 1], sizes = [4096, 1], strides = [1, 1]} : vector<4096x3xf32> to vector<4096x1xf32>
    %slice3A_14 = vector.extract_strided_slice %get3A_11 {offsets = [0, 2], sizes = [4096, 1], strides = [1, 1]} : vector<4096x3xf32> to vector<4096x1xf32>
    %mul3A_15 = arith.mulf %slice3A_12, %slice3A_12 : vector<4096x1xf32>
    %mul3A_16 = arith.mulf %slice3A_13, %slice3A_13 : vector<4096x1xf32>
    %add3A_17 = arith.addf %mul3A_15, %mul3A_16 : vector<4096x1xf32>
    %mul3A_18 = arith.mulf %slice3A_14, %slice3A_14 : vector<4096x1xf32>
    %add3A_19 = arith.addf %add3A_17, %mul3A_18 : vector<4096x1xf32>
    %convert_element_type3A = arith.truncf %slice3A_12 : vector<4096x1xf32> to vector<4096x1xbf16>
    %convert_element_type3A_20 = arith.extf %convert_element_type3A : vector<4096x1xbf16> to vector<4096x1xf32>
    %convert_element_type3A_21 = arith.truncf %slice3A : vector<1x256xf32> to vector<1x256xbf16>
    %convert_element_type3A_22 = arith.extf %convert_element_type3A_21 : vector<1x256xbf16> to vector<1x256xf32>
    %mul3A_23 = vector.broadcast %convert_element_type3A_20 : vector<4096x1xf32> to vector<4096x256xf32>
    %mul3A_24 = vector.broadcast %convert_element_type3A_22 : vector<1x256xf32> to vector<4096x256xf32>
    %mul3A_25 = arith.mulf %mul3A_23, %mul3A_24 : vector<4096x256xf32>
    %convert_element_type3A_26 = arith.truncf %slice3A_13 : vector<4096x1xf32> to vector<4096x1xbf16>
    %convert_element_type3A_27 = arith.extf %convert_element_type3A_26 : vector<4096x1xbf16> to vector<4096x1xf32>
    %convert_element_type3A_28 = arith.truncf %slice3A_4 : vector<1x256xf32> to vector<1x256xbf16>
    %convert_element_type3A_29 = arith.extf %convert_element_type3A_28 : vector<1x256xbf16> to vector<1x256xf32>
    %mul3A_30 = vector.broadcast %convert_element_type3A_27 : vector<4096x1xf32> to vector<4096x256xf32>
    %mul3A_31 = vector.broadcast %convert_element_type3A_29 : vector<1x256xf32> to vector<4096x256xf32>
    %mul3A_32 = arith.mulf %mul3A_30, %mul3A_31 : vector<4096x256xf32>
    %add3A_33 = arith.addf %mul3A_25, %mul3A_32 : vector<4096x256xf32>
    %convert_element_type3A_34 = arith.truncf %slice3A_14 : vector<4096x1xf32> to vector<4096x1xbf16>
    %convert_element_type3A_35 = arith.extf %convert_element_type3A_34 : vector<4096x1xbf16> to vector<4096x1xf32>
    %convert_element_type3A_36 = arith.truncf %slice3A_5 : vector<1x256xf32> to vector<1x256xbf16>
    %convert_element_type3A_37 = arith.extf %convert_element_type3A_36 : vector<1x256xbf16> to vector<1x256xf32>
    %mul3A_38 = vector.broadcast %convert_element_type3A_35 : vector<4096x1xf32> to vector<4096x256xf32>
    %mul3A_39 = vector.broadcast %convert_element_type3A_37 : vector<1x256xf32> to vector<4096x256xf32>
    %mul3A_40 = arith.mulf %mul3A_38, %mul3A_39 : vector<4096x256xf32>
    %add3A_41 = arith.addf %add3A_33, %mul3A_40 : vector<4096x256xf32>
    %add3A_42 = vector.broadcast %add3A_8 : vector<1x256xf32> to vector<4096x256xf32>
    %add3A_43 = vector.broadcast %add3A_19 : vector<4096x1xf32> to vector<4096x256xf32>
    %add3A_44 = arith.addf %add3A_42, %add3A_43 : vector<4096x256xf32>
    %mul3A_45 = arith.constant 2.000000e+00 : f32
    %mul3A_46 = vector.broadcast %mul3A_45 : f32 to vector<4096x256xf32>
    %mul3A_47 = arith.mulf %mul3A_46, %add3A_41 : vector<4096x256xf32>
    %sub3A = arith.subf %add3A_44, %mul3A_47 : vector<4096x256xf32>
    %reshape3A = vector.shape_cast %sub3A : vector<4096x256xf32> to vector<32x128x256xf32>
    %iota3A = tpu.iota {dimensions = array<i32: 1>} : vector<32x128x256xi32>
    %convert_element_type3A_48 = arith.sitofp %iota3A : vector<32x128x256xi32> to vector<32x128x256xf32>
    %iota3A_49 = tpu.iota {dimensions = array<i32: 0>} : vector<32x256xi32>
    %convert_element_type3A_50 = arith.sitofp %iota3A_49 : vector<32x256xi32> to vector<32x256xf32>
    %mul3A_51 = arith.constant 1.280000e+02 : f32
    %mul3A_52 = vector.broadcast %mul3A_51 : f32 to vector<32x256xf32>
    %mul3A_53 = arith.mulf %convert_element_type3A_50, %mul3A_52 : vector<32x256xf32>
    %slice3A_54 = vector.extract_strided_slice %reshape3A {offsets = [0, 64, 0], sizes = [32, 64, 256], strides = [1, 1, 1]} : vector<32x128x256xf32> to vector<32x64x256xf32>
    %slice3A_55 = vector.extract_strided_slice %reshape3A {offsets = [0, 0, 0], sizes = [32, 64, 256], strides = [1, 1, 1]} : vector<32x128x256xf32> to vector<32x64x256xf32>
    %lt3A = arith.cmpf olt, %slice3A_54, %slice3A_55 : vector<32x64x256xf32>
    %slice3A_56 = vector.extract_strided_slice %reshape3A {offsets = [0, 64, 0], sizes = [32, 64, 256], strides = [1, 1, 1]} : vector<32x128x256xf32> to vector<32x64x256xf32>
    %slice3A_57 = vector.extract_strided_slice %reshape3A {offsets = [0, 0, 0], sizes = [32, 64, 256], strides = [1, 1, 1]} : vector<32x128x256xf32> to vector<32x64x256xf32>
    %select_n3A = arith.select %lt3A, %slice3A_56, %slice3A_57 : vector<32x64x256xi1>, vector<32x64x256xf32>
    %slice3A_58 = vector.extract_strided_slice %convert_element_type3A_48 {offsets = [0, 64, 0], sizes = [32, 64, 256], strides = [1, 1, 1]} : vector<32x128x256xf32> to vector<32x64x256xf32>
    %slice3A_59 = vector.extract_strided_slice %convert_element_type3A_48 {offsets = [0, 0, 0], sizes = [32, 64, 256], strides = [1, 1, 1]} : vector<32x128x256xf32> to vector<32x64x256xf32>
    %select_n3A_60 = arith.select %lt3A, %slice3A_58, %slice3A_59 : vector<32x64x256xi1>, vector<32x64x256xf32>
    %slice3A_61 = vector.extract_strided_slice %select_n3A {offsets = [0, 32, 0], sizes = [32, 32, 256], strides = [1, 1, 1]} : vector<32x64x256xf32> to vector<32x32x256xf32>
    %slice3A_62 = vector.extract_strided_slice %select_n3A {offsets = [0, 0, 0], sizes = [32, 32, 256], strides = [1, 1, 1]} : vector<32x64x256xf32> to vector<32x32x256xf32>
    %lt3A_63 = arith.cmpf olt, %slice3A_61, %slice3A_62 : vector<32x32x256xf32>
    %slice3A_64 = vector.extract_strided_slice %select_n3A {offsets = [0, 32, 0], sizes = [32, 32, 256], strides = [1, 1, 1]} : vector<32x64x256xf32> to vector<32x32x256xf32>
    %slice3A_65 = vector.extract_strided_slice %select_n3A {offsets = [0, 0, 0], sizes = [32, 32, 256], strides = [1, 1, 1]} : vector<32x64x256xf32> to vector<32x32x256xf32>
    %select_n3A_66 = arith.select %lt3A_63, %slice3A_64, %slice3A_65 : vector<32x32x256xi1>, vector<32x32x256xf32>
    %slice3A_67 = vector.extract_strided_slice %select_n3A_60 {offsets = [0, 32, 0], sizes = [32, 32, 256], strides = [1, 1, 1]} : vector<32x64x256xf32> to vector<32x32x256xf32>
    %slice3A_68 = vector.extract_strided_slice %select_n3A_60 {offsets = [0, 0, 0], sizes = [32, 32, 256], strides = [1, 1, 1]} : vector<32x64x256xf32> to vector<32x32x256xf32>
    %select_n3A_69 = arith.select %lt3A_63, %slice3A_67, %slice3A_68 : vector<32x32x256xi1>, vector<32x32x256xf32>
    %slice3A_70 = vector.extract_strided_slice %select_n3A_66 {offsets = [0, 16, 0], sizes = [32, 16, 256], strides = [1, 1, 1]} : vector<32x32x256xf32> to vector<32x16x256xf32>
    %slice3A_71 = vector.extract_strided_slice %select_n3A_66 {offsets = [0, 0, 0], sizes = [32, 16, 256], strides = [1, 1, 1]} : vector<32x32x256xf32> to vector<32x16x256xf32>
    %lt3A_72 = arith.cmpf olt, %slice3A_70, %slice3A_71 : vector<32x16x256xf32>
    %slice3A_73 = vector.extract_strided_slice %select_n3A_66 {offsets = [0, 16, 0], sizes = [32, 16, 256], strides = [1, 1, 1]} : vector<32x32x256xf32> to vector<32x16x256xf32>
    %slice3A_74 = vector.extract_strided_slice %select_n3A_66 {offsets = [0, 0, 0], sizes = [32, 16, 256], strides = [1, 1, 1]} : vector<32x32x256xf32> to vector<32x16x256xf32>
    %select_n3A_75 = arith.select %lt3A_72, %slice3A_73, %slice3A_74 : vector<32x16x256xi1>, vector<32x16x256xf32>
    %slice3A_76 = vector.extract_strided_slice %select_n3A_69 {offsets = [0, 16, 0], sizes = [32, 16, 256], strides = [1, 1, 1]} : vector<32x32x256xf32> to vector<32x16x256xf32>
    %slice3A_77 = vector.extract_strided_slice %select_n3A_69 {offsets = [0, 0, 0], sizes = [32, 16, 256], strides = [1, 1, 1]} : vector<32x32x256xf32> to vector<32x16x256xf32>
    %select_n3A_78 = arith.select %lt3A_72, %slice3A_76, %slice3A_77 : vector<32x16x256xi1>, vector<32x16x256xf32>
    %slice3A_79 = vector.extract_strided_slice %select_n3A_75 {offsets = [0, 8, 0], sizes = [32, 8, 256], strides = [1, 1, 1]} : vector<32x16x256xf32> to vector<32x8x256xf32>
    %slice3A_80 = vector.extract_strided_slice %select_n3A_75 {offsets = [0, 0, 0], sizes = [32, 8, 256], strides = [1, 1, 1]} : vector<32x16x256xf32> to vector<32x8x256xf32>
    %lt3A_81 = arith.cmpf olt, %slice3A_79, %slice3A_80 : vector<32x8x256xf32>
    %slice3A_82 = vector.extract_strided_slice %select_n3A_75 {offsets = [0, 8, 0], sizes = [32, 8, 256], strides = [1, 1, 1]} : vector<32x16x256xf32> to vector<32x8x256xf32>
    %slice3A_83 = vector.extract_strided_slice %select_n3A_75 {offsets = [0, 0, 0], sizes = [32, 8, 256], strides = [1, 1, 1]} : vector<32x16x256xf32> to vector<32x8x256xf32>
    %select_n3A_84 = arith.select %lt3A_81, %slice3A_82, %slice3A_83 : vector<32x8x256xi1>, vector<32x8x256xf32>
    %slice3A_85 = vector.extract_strided_slice %select_n3A_78 {offsets = [0, 8, 0], sizes = [32, 8, 256], strides = [1, 1, 1]} : vector<32x16x256xf32> to vector<32x8x256xf32>
    %slice3A_86 = vector.extract_strided_slice %select_n3A_78 {offsets = [0, 0, 0], sizes = [32, 8, 256], strides = [1, 1, 1]} : vector<32x16x256xf32> to vector<32x8x256xf32>
    %select_n3A_87 = arith.select %lt3A_81, %slice3A_85, %slice3A_86 : vector<32x8x256xi1>, vector<32x8x256xf32>
    %slice3A_88 = vector.extract_strided_slice %select_n3A_84 {offsets = [0, 4, 0], sizes = [32, 4, 256], strides = [1, 1, 1]} : vector<32x8x256xf32> to vector<32x4x256xf32>
    %slice3A_89 = vector.extract_strided_slice %select_n3A_84 {offsets = [0, 0, 0], sizes = [32, 4, 256], strides = [1, 1, 1]} : vector<32x8x256xf32> to vector<32x4x256xf32>
    %lt3A_90 = arith.cmpf olt, %slice3A_88, %slice3A_89 : vector<32x4x256xf32>
    %slice3A_91 = vector.extract_strided_slice %select_n3A_84 {offsets = [0, 4, 0], sizes = [32, 4, 256], strides = [1, 1, 1]} : vector<32x8x256xf32> to vector<32x4x256xf32>
    %slice3A_92 = vector.extract_strided_slice %select_n3A_84 {offsets = [0, 0, 0], sizes = [32, 4, 256], strides = [1, 1, 1]} : vector<32x8x256xf32> to vector<32x4x256xf32>
    %select_n3A_93 = arith.select %lt3A_90, %slice3A_91, %slice3A_92 : vector<32x4x256xi1>, vector<32x4x256xf32>
    %slice3A_94 = vector.extract_strided_slice %select_n3A_87 {offsets = [0, 4, 0], sizes = [32, 4, 256], strides = [1, 1, 1]} : vector<32x8x256xf32> to vector<32x4x256xf32>
    %slice3A_95 = vector.extract_strided_slice %select_n3A_87 {offsets = [0, 0, 0], sizes = [32, 4, 256], strides = [1, 1, 1]} : vector<32x8x256xf32> to vector<32x4x256xf32>
    %select_n3A_96 = arith.select %lt3A_90, %slice3A_94, %slice3A_95 : vector<32x4x256xi1>, vector<32x4x256xf32>
    %slice3A_97 = vector.extract_strided_slice %select_n3A_93 {offsets = [0, 2, 0], sizes = [32, 2, 256], strides = [1, 1, 1]} : vector<32x4x256xf32> to vector<32x2x256xf32>
    %slice3A_98 = vector.extract_strided_slice %select_n3A_93 {offsets = [0, 0, 0], sizes = [32, 2, 256], strides = [1, 1, 1]} : vector<32x4x256xf32> to vector<32x2x256xf32>
    %lt3A_99 = arith.cmpf olt, %slice3A_97, %slice3A_98 : vector<32x2x256xf32>
    %slice3A_100 = vector.extract_strided_slice %select_n3A_93 {offsets = [0, 2, 0], sizes = [32, 2, 256], strides = [1, 1, 1]} : vector<32x4x256xf32> to vector<32x2x256xf32>
    %slice3A_101 = vector.extract_strided_slice %select_n3A_93 {offsets = [0, 0, 0], sizes = [32, 2, 256], strides = [1, 1, 1]} : vector<32x4x256xf32> to vector<32x2x256xf32>
    %select_n3A_102 = arith.select %lt3A_99, %slice3A_100, %slice3A_101 : vector<32x2x256xi1>, vector<32x2x256xf32>
    %slice3A_103 = vector.extract_strided_slice %select_n3A_96 {offsets = [0, 2, 0], sizes = [32, 2, 256], strides = [1, 1, 1]} : vector<32x4x256xf32> to vector<32x2x256xf32>
    %slice3A_104 = vector.extract_strided_slice %select_n3A_96 {offsets = [0, 0, 0], sizes = [32, 2, 256], strides = [1, 1, 1]} : vector<32x4x256xf32> to vector<32x2x256xf32>
    %select_n3A_105 = arith.select %lt3A_99, %slice3A_103, %slice3A_104 : vector<32x2x256xi1>, vector<32x2x256xf32>
    %slice3A_106 = vector.extract_strided_slice %select_n3A_102 {offsets = [0, 1, 0], sizes = [32, 1, 256], strides = [1, 1, 1]} : vector<32x2x256xf32> to vector<32x1x256xf32>
    %slice3A_107 = vector.extract_strided_slice %select_n3A_102 {offsets = [0, 0, 0], sizes = [32, 1, 256], strides = [1, 1, 1]} : vector<32x2x256xf32> to vector<32x1x256xf32>
    %lt3A_108 = arith.cmpf olt, %slice3A_106, %slice3A_107 : vector<32x1x256xf32>
    %slice3A_109 = vector.extract_strided_slice %select_n3A_102 {offsets = [0, 1, 0], sizes = [32, 1, 256], strides = [1, 1, 1]} : vector<32x2x256xf32> to vector<32x1x256xf32>
    %slice3A_110 = vector.extract_strided_slice %select_n3A_102 {offsets = [0, 0, 0], sizes = [32, 1, 256], strides = [1, 1, 1]} : vector<32x2x256xf32> to vector<32x1x256xf32>
    %select_n3A_111 = arith.select %lt3A_108, %slice3A_109, %slice3A_110 : vector<32x1x256xi1>, vector<32x1x256xf32>
    %slice3A_112 = vector.extract_strided_slice %select_n3A_105 {offsets = [0, 1, 0], sizes = [32, 1, 256], strides = [1, 1, 1]} : vector<32x2x256xf32> to vector<32x1x256xf32>
    %slice3A_113 = vector.extract_strided_slice %select_n3A_105 {offsets = [0, 0, 0], sizes = [32, 1, 256], strides = [1, 1, 1]} : vector<32x2x256xf32> to vector<32x1x256xf32>
    %select_n3A_114 = arith.select %lt3A_108, %slice3A_112, %slice3A_113 : vector<32x1x256xi1>, vector<32x1x256xf32>
    %eq3A = vector.broadcast %select_n3A_114 : vector<32x1x256xf32> to vector<32x128x256xf32>
    %eq3A_115 = arith.cmpf oeq, %convert_element_type3A_48, %eq3A : vector<32x128x256xf32>
    %jit3A = arith.constant 0x7F800000 : f32
    %broadcast_in_dim3A = vector.broadcast %jit3A : f32 to vector<32x128x256xf32>
    %select_n3A_116 = arith.select %eq3A_115, %broadcast_in_dim3A, %reshape3A : vector<32x128x256xi1>, vector<32x128x256xf32>
    %reshape3A_117 = vector.shape_cast %select_n3A_111 : vector<32x1x256xf32> to vector<32x256xf32>
    %reshape3A_118 = vector.shape_cast %select_n3A_114 : vector<32x1x256xf32> to vector<32x256xf32>
    %add3A_119 = arith.addf %reshape3A_118, %mul3A_53 : vector<32x256xf32>
    %slice3A_120 = vector.extract_strided_slice %select_n3A_116 {offsets = [0, 64, 0], sizes = [32, 64, 256], strides = [1, 1, 1]} : vector<32x128x256xf32> to vector<32x64x256xf32>
    %slice3A_121 = vector.extract_strided_slice %select_n3A_116 {offsets = [0, 0, 0], sizes = [32, 64, 256], strides = [1, 1, 1]} : vector<32x128x256xf32> to vector<32x64x256xf32>
    %lt3A_122 = arith.cmpf olt, %slice3A_120, %slice3A_121 : vector<32x64x256xf32>
    %slice3A_123 = vector.extract_strided_slice %select_n3A_116 {offsets = [0, 64, 0], sizes = [32, 64, 256], strides = [1, 1, 1]} : vector<32x128x256xf32> to vector<32x64x256xf32>
    %slice3A_124 = vector.extract_strided_slice %select_n3A_116 {offsets = [0, 0, 0], sizes = [32, 64, 256], strides = [1, 1, 1]} : vector<32x128x256xf32> to vector<32x64x256xf32>
    %select_n3A_125 = arith.select %lt3A_122, %slice3A_123, %slice3A_124 : vector<32x64x256xi1>, vector<32x64x256xf32>
    %slice3A_126 = vector.extract_strided_slice %convert_element_type3A_48 {offsets = [0, 64, 0], sizes = [32, 64, 256], strides = [1, 1, 1]} : vector<32x128x256xf32> to vector<32x64x256xf32>
    %slice3A_127 = vector.extract_strided_slice %convert_element_type3A_48 {offsets = [0, 0, 0], sizes = [32, 64, 256], strides = [1, 1, 1]} : vector<32x128x256xf32> to vector<32x64x256xf32>
    %select_n3A_128 = arith.select %lt3A_122, %slice3A_126, %slice3A_127 : vector<32x64x256xi1>, vector<32x64x256xf32>
    %slice3A_129 = vector.extract_strided_slice %select_n3A_125 {offsets = [0, 32, 0], sizes = [32, 32, 256], strides = [1, 1, 1]} : vector<32x64x256xf32> to vector<32x32x256xf32>
    %slice3A_130 = vector.extract_strided_slice %select_n3A_125 {offsets = [0, 0, 0], sizes = [32, 32, 256], strides = [1, 1, 1]} : vector<32x64x256xf32> to vector<32x32x256xf32>
    %lt3A_131 = arith.cmpf olt, %slice3A_129, %slice3A_130 : vector<32x32x256xf32>
    %slice3A_132 = vector.extract_strided_slice %select_n3A_125 {offsets = [0, 32, 0], sizes = [32, 32, 256], strides = [1, 1, 1]} : vector<32x64x256xf32> to vector<32x32x256xf32>
    %slice3A_133 = vector.extract_strided_slice %select_n3A_125 {offsets = [0, 0, 0], sizes = [32, 32, 256], strides = [1, 1, 1]} : vector<32x64x256xf32> to vector<32x32x256xf32>
    %select_n3A_134 = arith.select %lt3A_131, %slice3A_132, %slice3A_133 : vector<32x32x256xi1>, vector<32x32x256xf32>
    %slice3A_135 = vector.extract_strided_slice %select_n3A_128 {offsets = [0, 32, 0], sizes = [32, 32, 256], strides = [1, 1, 1]} : vector<32x64x256xf32> to vector<32x32x256xf32>
    %slice3A_136 = vector.extract_strided_slice %select_n3A_128 {offsets = [0, 0, 0], sizes = [32, 32, 256], strides = [1, 1, 1]} : vector<32x64x256xf32> to vector<32x32x256xf32>
    %select_n3A_137 = arith.select %lt3A_131, %slice3A_135, %slice3A_136 : vector<32x32x256xi1>, vector<32x32x256xf32>
    %slice3A_138 = vector.extract_strided_slice %select_n3A_134 {offsets = [0, 16, 0], sizes = [32, 16, 256], strides = [1, 1, 1]} : vector<32x32x256xf32> to vector<32x16x256xf32>
    %slice3A_139 = vector.extract_strided_slice %select_n3A_134 {offsets = [0, 0, 0], sizes = [32, 16, 256], strides = [1, 1, 1]} : vector<32x32x256xf32> to vector<32x16x256xf32>
    %lt3A_140 = arith.cmpf olt, %slice3A_138, %slice3A_139 : vector<32x16x256xf32>
    %slice3A_141 = vector.extract_strided_slice %select_n3A_134 {offsets = [0, 16, 0], sizes = [32, 16, 256], strides = [1, 1, 1]} : vector<32x32x256xf32> to vector<32x16x256xf32>
    %slice3A_142 = vector.extract_strided_slice %select_n3A_134 {offsets = [0, 0, 0], sizes = [32, 16, 256], strides = [1, 1, 1]} : vector<32x32x256xf32> to vector<32x16x256xf32>
    %select_n3A_143 = arith.select %lt3A_140, %slice3A_141, %slice3A_142 : vector<32x16x256xi1>, vector<32x16x256xf32>
    %slice3A_144 = vector.extract_strided_slice %select_n3A_137 {offsets = [0, 16, 0], sizes = [32, 16, 256], strides = [1, 1, 1]} : vector<32x32x256xf32> to vector<32x16x256xf32>
    %slice3A_145 = vector.extract_strided_slice %select_n3A_137 {offsets = [0, 0, 0], sizes = [32, 16, 256], strides = [1, 1, 1]} : vector<32x32x256xf32> to vector<32x16x256xf32>
    %select_n3A_146 = arith.select %lt3A_140, %slice3A_144, %slice3A_145 : vector<32x16x256xi1>, vector<32x16x256xf32>
    %slice3A_147 = vector.extract_strided_slice %select_n3A_143 {offsets = [0, 8, 0], sizes = [32, 8, 256], strides = [1, 1, 1]} : vector<32x16x256xf32> to vector<32x8x256xf32>
    %slice3A_148 = vector.extract_strided_slice %select_n3A_143 {offsets = [0, 0, 0], sizes = [32, 8, 256], strides = [1, 1, 1]} : vector<32x16x256xf32> to vector<32x8x256xf32>
    %lt3A_149 = arith.cmpf olt, %slice3A_147, %slice3A_148 : vector<32x8x256xf32>
    %slice3A_150 = vector.extract_strided_slice %select_n3A_143 {offsets = [0, 8, 0], sizes = [32, 8, 256], strides = [1, 1, 1]} : vector<32x16x256xf32> to vector<32x8x256xf32>
    %slice3A_151 = vector.extract_strided_slice %select_n3A_143 {offsets = [0, 0, 0], sizes = [32, 8, 256], strides = [1, 1, 1]} : vector<32x16x256xf32> to vector<32x8x256xf32>
    %select_n3A_152 = arith.select %lt3A_149, %slice3A_150, %slice3A_151 : vector<32x8x256xi1>, vector<32x8x256xf32>
    %slice3A_153 = vector.extract_strided_slice %select_n3A_146 {offsets = [0, 8, 0], sizes = [32, 8, 256], strides = [1, 1, 1]} : vector<32x16x256xf32> to vector<32x8x256xf32>
    %slice3A_154 = vector.extract_strided_slice %select_n3A_146 {offsets = [0, 0, 0], sizes = [32, 8, 256], strides = [1, 1, 1]} : vector<32x16x256xf32> to vector<32x8x256xf32>
    %select_n3A_155 = arith.select %lt3A_149, %slice3A_153, %slice3A_154 : vector<32x8x256xi1>, vector<32x8x256xf32>
    %slice3A_156 = vector.extract_strided_slice %select_n3A_152 {offsets = [0, 4, 0], sizes = [32, 4, 256], strides = [1, 1, 1]} : vector<32x8x256xf32> to vector<32x4x256xf32>
    %slice3A_157 = vector.extract_strided_slice %select_n3A_152 {offsets = [0, 0, 0], sizes = [32, 4, 256], strides = [1, 1, 1]} : vector<32x8x256xf32> to vector<32x4x256xf32>
    %lt3A_158 = arith.cmpf olt, %slice3A_156, %slice3A_157 : vector<32x4x256xf32>
    %slice3A_159 = vector.extract_strided_slice %select_n3A_152 {offsets = [0, 4, 0], sizes = [32, 4, 256], strides = [1, 1, 1]} : vector<32x8x256xf32> to vector<32x4x256xf32>
    %slice3A_160 = vector.extract_strided_slice %select_n3A_152 {offsets = [0, 0, 0], sizes = [32, 4, 256], strides = [1, 1, 1]} : vector<32x8x256xf32> to vector<32x4x256xf32>
    %select_n3A_161 = arith.select %lt3A_158, %slice3A_159, %slice3A_160 : vector<32x4x256xi1>, vector<32x4x256xf32>
    %slice3A_162 = vector.extract_strided_slice %select_n3A_155 {offsets = [0, 4, 0], sizes = [32, 4, 256], strides = [1, 1, 1]} : vector<32x8x256xf32> to vector<32x4x256xf32>
    %slice3A_163 = vector.extract_strided_slice %select_n3A_155 {offsets = [0, 0, 0], sizes = [32, 4, 256], strides = [1, 1, 1]} : vector<32x8x256xf32> to vector<32x4x256xf32>
    %select_n3A_164 = arith.select %lt3A_158, %slice3A_162, %slice3A_163 : vector<32x4x256xi1>, vector<32x4x256xf32>
    %slice3A_165 = vector.extract_strided_slice %select_n3A_161 {offsets = [0, 2, 0], sizes = [32, 2, 256], strides = [1, 1, 1]} : vector<32x4x256xf32> to vector<32x2x256xf32>
    %slice3A_166 = vector.extract_strided_slice %select_n3A_161 {offsets = [0, 0, 0], sizes = [32, 2, 256], strides = [1, 1, 1]} : vector<32x4x256xf32> to vector<32x2x256xf32>
    %lt3A_167 = arith.cmpf olt, %slice3A_165, %slice3A_166 : vector<32x2x256xf32>
    %slice3A_168 = vector.extract_strided_slice %select_n3A_161 {offsets = [0, 2, 0], sizes = [32, 2, 256], strides = [1, 1, 1]} : vector<32x4x256xf32> to vector<32x2x256xf32>
    %slice3A_169 = vector.extract_strided_slice %select_n3A_161 {offsets = [0, 0, 0], sizes = [32, 2, 256], strides = [1, 1, 1]} : vector<32x4x256xf32> to vector<32x2x256xf32>
    %select_n3A_170 = arith.select %lt3A_167, %slice3A_168, %slice3A_169 : vector<32x2x256xi1>, vector<32x2x256xf32>
    %slice3A_171 = vector.extract_strided_slice %select_n3A_164 {offsets = [0, 2, 0], sizes = [32, 2, 256], strides = [1, 1, 1]} : vector<32x4x256xf32> to vector<32x2x256xf32>
    %slice3A_172 = vector.extract_strided_slice %select_n3A_164 {offsets = [0, 0, 0], sizes = [32, 2, 256], strides = [1, 1, 1]} : vector<32x4x256xf32> to vector<32x2x256xf32>
    %select_n3A_173 = arith.select %lt3A_167, %slice3A_171, %slice3A_172 : vector<32x2x256xi1>, vector<32x2x256xf32>
    %slice3A_174 = vector.extract_strided_slice %select_n3A_170 {offsets = [0, 1, 0], sizes = [32, 1, 256], strides = [1, 1, 1]} : vector<32x2x256xf32> to vector<32x1x256xf32>
    %slice3A_175 = vector.extract_strided_slice %select_n3A_170 {offsets = [0, 0, 0], sizes = [32, 1, 256], strides = [1, 1, 1]} : vector<32x2x256xf32> to vector<32x1x256xf32>
    %lt3A_176 = arith.cmpf olt, %slice3A_174, %slice3A_175 : vector<32x1x256xf32>
    %slice3A_177 = vector.extract_strided_slice %select_n3A_170 {offsets = [0, 1, 0], sizes = [32, 1, 256], strides = [1, 1, 1]} : vector<32x2x256xf32> to vector<32x1x256xf32>
    %slice3A_178 = vector.extract_strided_slice %select_n3A_170 {offsets = [0, 0, 0], sizes = [32, 1, 256], strides = [1, 1, 1]} : vector<32x2x256xf32> to vector<32x1x256xf32>
    %select_n3A_179 = arith.select %lt3A_176, %slice3A_177, %slice3A_178 : vector<32x1x256xi1>, vector<32x1x256xf32>
    %slice3A_180 = vector.extract_strided_slice %select_n3A_173 {offsets = [0, 1, 0], sizes = [32, 1, 256], strides = [1, 1, 1]} : vector<32x2x256xf32> to vector<32x1x256xf32>
    %slice3A_181 = vector.extract_strided_slice %select_n3A_173 {offsets = [0, 0, 0], sizes = [32, 1, 256], strides = [1, 1, 1]} : vector<32x2x256xf32> to vector<32x1x256xf32>
    %select_n3A_182 = arith.select %lt3A_176, %slice3A_180, %slice3A_181 : vector<32x1x256xi1>, vector<32x1x256xf32>
    %eq3A_183 = vector.broadcast %select_n3A_182 : vector<32x1x256xf32> to vector<32x128x256xf32>
    %eq3A_184 = arith.cmpf oeq, %convert_element_type3A_48, %eq3A_183 : vector<32x128x256xf32>
    %jit3A_185 = arith.constant 0x7F800000 : f32
    %broadcast_in_dim3A_186 = vector.broadcast %jit3A_185 : f32 to vector<32x128x256xf32>
    %select_n3A_187 = arith.select %eq3A_184, %broadcast_in_dim3A_186, %select_n3A_116 : vector<32x128x256xi1>, vector<32x128x256xf32>
    %reshape3A_188 = vector.shape_cast %select_n3A_179 : vector<32x1x256xf32> to vector<32x256xf32>
    %reshape3A_189 = vector.shape_cast %select_n3A_182 : vector<32x1x256xf32> to vector<32x256xf32>
    %add3A_190 = arith.addf %reshape3A_189, %mul3A_53 : vector<32x256xf32>
    %slice3A_191 = vector.extract_strided_slice %select_n3A_187 {offsets = [0, 64, 0], sizes = [32, 64, 256], strides = [1, 1, 1]} : vector<32x128x256xf32> to vector<32x64x256xf32>
    %slice3A_192 = vector.extract_strided_slice %select_n3A_187 {offsets = [0, 0, 0], sizes = [32, 64, 256], strides = [1, 1, 1]} : vector<32x128x256xf32> to vector<32x64x256xf32>
    %lt3A_193 = arith.cmpf olt, %slice3A_191, %slice3A_192 : vector<32x64x256xf32>
    %slice3A_194 = vector.extract_strided_slice %select_n3A_187 {offsets = [0, 64, 0], sizes = [32, 64, 256], strides = [1, 1, 1]} : vector<32x128x256xf32> to vector<32x64x256xf32>
    %slice3A_195 = vector.extract_strided_slice %select_n3A_187 {offsets = [0, 0, 0], sizes = [32, 64, 256], strides = [1, 1, 1]} : vector<32x128x256xf32> to vector<32x64x256xf32>
    %select_n3A_196 = arith.select %lt3A_193, %slice3A_194, %slice3A_195 : vector<32x64x256xi1>, vector<32x64x256xf32>
    %slice3A_197 = vector.extract_strided_slice %convert_element_type3A_48 {offsets = [0, 64, 0], sizes = [32, 64, 256], strides = [1, 1, 1]} : vector<32x128x256xf32> to vector<32x64x256xf32>
    %slice3A_198 = vector.extract_strided_slice %convert_element_type3A_48 {offsets = [0, 0, 0], sizes = [32, 64, 256], strides = [1, 1, 1]} : vector<32x128x256xf32> to vector<32x64x256xf32>
    %select_n3A_199 = arith.select %lt3A_193, %slice3A_197, %slice3A_198 : vector<32x64x256xi1>, vector<32x64x256xf32>
    %slice3A_200 = vector.extract_strided_slice %select_n3A_196 {offsets = [0, 32, 0], sizes = [32, 32, 256], strides = [1, 1, 1]} : vector<32x64x256xf32> to vector<32x32x256xf32>
    %slice3A_201 = vector.extract_strided_slice %select_n3A_196 {offsets = [0, 0, 0], sizes = [32, 32, 256], strides = [1, 1, 1]} : vector<32x64x256xf32> to vector<32x32x256xf32>
    %lt3A_202 = arith.cmpf olt, %slice3A_200, %slice3A_201 : vector<32x32x256xf32>
    %slice3A_203 = vector.extract_strided_slice %select_n3A_196 {offsets = [0, 32, 0], sizes = [32, 32, 256], strides = [1, 1, 1]} : vector<32x64x256xf32> to vector<32x32x256xf32>
    %slice3A_204 = vector.extract_strided_slice %select_n3A_196 {offsets = [0, 0, 0], sizes = [32, 32, 256], strides = [1, 1, 1]} : vector<32x64x256xf32> to vector<32x32x256xf32>
    %select_n3A_205 = arith.select %lt3A_202, %slice3A_203, %slice3A_204 : vector<32x32x256xi1>, vector<32x32x256xf32>
    %slice3A_206 = vector.extract_strided_slice %select_n3A_199 {offsets = [0, 32, 0], sizes = [32, 32, 256], strides = [1, 1, 1]} : vector<32x64x256xf32> to vector<32x32x256xf32>
    %slice3A_207 = vector.extract_strided_slice %select_n3A_199 {offsets = [0, 0, 0], sizes = [32, 32, 256], strides = [1, 1, 1]} : vector<32x64x256xf32> to vector<32x32x256xf32>
    %select_n3A_208 = arith.select %lt3A_202, %slice3A_206, %slice3A_207 : vector<32x32x256xi1>, vector<32x32x256xf32>
    %slice3A_209 = vector.extract_strided_slice %select_n3A_205 {offsets = [0, 16, 0], sizes = [32, 16, 256], strides = [1, 1, 1]} : vector<32x32x256xf32> to vector<32x16x256xf32>
    %slice3A_210 = vector.extract_strided_slice %select_n3A_205 {offsets = [0, 0, 0], sizes = [32, 16, 256], strides = [1, 1, 1]} : vector<32x32x256xf32> to vector<32x16x256xf32>
    %lt3A_211 = arith.cmpf olt, %slice3A_209, %slice3A_210 : vector<32x16x256xf32>
    %slice3A_212 = vector.extract_strided_slice %select_n3A_205 {offsets = [0, 16, 0], sizes = [32, 16, 256], strides = [1, 1, 1]} : vector<32x32x256xf32> to vector<32x16x256xf32>
    %slice3A_213 = vector.extract_strided_slice %select_n3A_205 {offsets = [0, 0, 0], sizes = [32, 16, 256], strides = [1, 1, 1]} : vector<32x32x256xf32> to vector<32x16x256xf32>
    %select_n3A_214 = arith.select %lt3A_211, %slice3A_212, %slice3A_213 : vector<32x16x256xi1>, vector<32x16x256xf32>
    %slice3A_215 = vector.extract_strided_slice %select_n3A_208 {offsets = [0, 16, 0], sizes = [32, 16, 256], strides = [1, 1, 1]} : vector<32x32x256xf32> to vector<32x16x256xf32>
    %slice3A_216 = vector.extract_strided_slice %select_n3A_208 {offsets = [0, 0, 0], sizes = [32, 16, 256], strides = [1, 1, 1]} : vector<32x32x256xf32> to vector<32x16x256xf32>
    %select_n3A_217 = arith.select %lt3A_211, %slice3A_215, %slice3A_216 : vector<32x16x256xi1>, vector<32x16x256xf32>
    %slice3A_218 = vector.extract_strided_slice %select_n3A_214 {offsets = [0, 8, 0], sizes = [32, 8, 256], strides = [1, 1, 1]} : vector<32x16x256xf32> to vector<32x8x256xf32>
    %slice3A_219 = vector.extract_strided_slice %select_n3A_214 {offsets = [0, 0, 0], sizes = [32, 8, 256], strides = [1, 1, 1]} : vector<32x16x256xf32> to vector<32x8x256xf32>
    %lt3A_220 = arith.cmpf olt, %slice3A_218, %slice3A_219 : vector<32x8x256xf32>
    %slice3A_221 = vector.extract_strided_slice %select_n3A_214 {offsets = [0, 8, 0], sizes = [32, 8, 256], strides = [1, 1, 1]} : vector<32x16x256xf32> to vector<32x8x256xf32>
    %slice3A_222 = vector.extract_strided_slice %select_n3A_214 {offsets = [0, 0, 0], sizes = [32, 8, 256], strides = [1, 1, 1]} : vector<32x16x256xf32> to vector<32x8x256xf32>
    %select_n3A_223 = arith.select %lt3A_220, %slice3A_221, %slice3A_222 : vector<32x8x256xi1>, vector<32x8x256xf32>
    %slice3A_224 = vector.extract_strided_slice %select_n3A_217 {offsets = [0, 8, 0], sizes = [32, 8, 256], strides = [1, 1, 1]} : vector<32x16x256xf32> to vector<32x8x256xf32>
    %slice3A_225 = vector.extract_strided_slice %select_n3A_217 {offsets = [0, 0, 0], sizes = [32, 8, 256], strides = [1, 1, 1]} : vector<32x16x256xf32> to vector<32x8x256xf32>
    %select_n3A_226 = arith.select %lt3A_220, %slice3A_224, %slice3A_225 : vector<32x8x256xi1>, vector<32x8x256xf32>
    %slice3A_227 = vector.extract_strided_slice %select_n3A_223 {offsets = [0, 4, 0], sizes = [32, 4, 256], strides = [1, 1, 1]} : vector<32x8x256xf32> to vector<32x4x256xf32>
    %slice3A_228 = vector.extract_strided_slice %select_n3A_223 {offsets = [0, 0, 0], sizes = [32, 4, 256], strides = [1, 1, 1]} : vector<32x8x256xf32> to vector<32x4x256xf32>
    %lt3A_229 = arith.cmpf olt, %slice3A_227, %slice3A_228 : vector<32x4x256xf32>
    %slice3A_230 = vector.extract_strided_slice %select_n3A_223 {offsets = [0, 4, 0], sizes = [32, 4, 256], strides = [1, 1, 1]} : vector<32x8x256xf32> to vector<32x4x256xf32>
    %slice3A_231 = vector.extract_strided_slice %select_n3A_223 {offsets = [0, 0, 0], sizes = [32, 4, 256], strides = [1, 1, 1]} : vector<32x8x256xf32> to vector<32x4x256xf32>
    %select_n3A_232 = arith.select %lt3A_229, %slice3A_230, %slice3A_231 : vector<32x4x256xi1>, vector<32x4x256xf32>
    %slice3A_233 = vector.extract_strided_slice %select_n3A_226 {offsets = [0, 4, 0], sizes = [32, 4, 256], strides = [1, 1, 1]} : vector<32x8x256xf32> to vector<32x4x256xf32>
    %slice3A_234 = vector.extract_strided_slice %select_n3A_226 {offsets = [0, 0, 0], sizes = [32, 4, 256], strides = [1, 1, 1]} : vector<32x8x256xf32> to vector<32x4x256xf32>
    %select_n3A_235 = arith.select %lt3A_229, %slice3A_233, %slice3A_234 : vector<32x4x256xi1>, vector<32x4x256xf32>
    %slice3A_236 = vector.extract_strided_slice %select_n3A_232 {offsets = [0, 2, 0], sizes = [32, 2, 256], strides = [1, 1, 1]} : vector<32x4x256xf32> to vector<32x2x256xf32>
    %slice3A_237 = vector.extract_strided_slice %select_n3A_232 {offsets = [0, 0, 0], sizes = [32, 2, 256], strides = [1, 1, 1]} : vector<32x4x256xf32> to vector<32x2x256xf32>
    %lt3A_238 = arith.cmpf olt, %slice3A_236, %slice3A_237 : vector<32x2x256xf32>
    %slice3A_239 = vector.extract_strided_slice %select_n3A_232 {offsets = [0, 2, 0], sizes = [32, 2, 256], strides = [1, 1, 1]} : vector<32x4x256xf32> to vector<32x2x256xf32>
    %slice3A_240 = vector.extract_strided_slice %select_n3A_232 {offsets = [0, 0, 0], sizes = [32, 2, 256], strides = [1, 1, 1]} : vector<32x4x256xf32> to vector<32x2x256xf32>
    %select_n3A_241 = arith.select %lt3A_238, %slice3A_239, %slice3A_240 : vector<32x2x256xi1>, vector<32x2x256xf32>
    %slice3A_242 = vector.extract_strided_slice %select_n3A_235 {offsets = [0, 2, 0], sizes = [32, 2, 256], strides = [1, 1, 1]} : vector<32x4x256xf32> to vector<32x2x256xf32>
    %slice3A_243 = vector.extract_strided_slice %select_n3A_235 {offsets = [0, 0, 0], sizes = [32, 2, 256], strides = [1, 1, 1]} : vector<32x4x256xf32> to vector<32x2x256xf32>
    %select_n3A_244 = arith.select %lt3A_238, %slice3A_242, %slice3A_243 : vector<32x2x256xi1>, vector<32x2x256xf32>
    %slice3A_245 = vector.extract_strided_slice %select_n3A_241 {offsets = [0, 1, 0], sizes = [32, 1, 256], strides = [1, 1, 1]} : vector<32x2x256xf32> to vector<32x1x256xf32>
    %slice3A_246 = vector.extract_strided_slice %select_n3A_241 {offsets = [0, 0, 0], sizes = [32, 1, 256], strides = [1, 1, 1]} : vector<32x2x256xf32> to vector<32x1x256xf32>
    %lt3A_247 = arith.cmpf olt, %slice3A_245, %slice3A_246 : vector<32x1x256xf32>
    %slice3A_248 = vector.extract_strided_slice %select_n3A_241 {offsets = [0, 1, 0], sizes = [32, 1, 256], strides = [1, 1, 1]} : vector<32x2x256xf32> to vector<32x1x256xf32>
    %slice3A_249 = vector.extract_strided_slice %select_n3A_241 {offsets = [0, 0, 0], sizes = [32, 1, 256], strides = [1, 1, 1]} : vector<32x2x256xf32> to vector<32x1x256xf32>
    %select_n3A_250 = arith.select %lt3A_247, %slice3A_248, %slice3A_249 : vector<32x1x256xi1>, vector<32x1x256xf32>
    %slice3A_251 = vector.extract_strided_slice %select_n3A_244 {offsets = [0, 1, 0], sizes = [32, 1, 256], strides = [1, 1, 1]} : vector<32x2x256xf32> to vector<32x1x256xf32>
    %slice3A_252 = vector.extract_strided_slice %select_n3A_244 {offsets = [0, 0, 0], sizes = [32, 1, 256], strides = [1, 1, 1]} : vector<32x2x256xf32> to vector<32x1x256xf32>
    %select_n3A_253 = arith.select %lt3A_247, %slice3A_251, %slice3A_252 : vector<32x1x256xi1>, vector<32x1x256xf32>
    %eq3A_254 = vector.broadcast %select_n3A_253 : vector<32x1x256xf32> to vector<32x128x256xf32>
    %eq3A_255 = arith.cmpf oeq, %convert_element_type3A_48, %eq3A_254 : vector<32x128x256xf32>
    %jit3A_256 = arith.constant 0x7F800000 : f32
    %broadcast_in_dim3A_257 = vector.broadcast %jit3A_256 : f32 to vector<32x128x256xf32>
    %select_n3A_258 = arith.select %eq3A_255, %broadcast_in_dim3A_257, %select_n3A_187 : vector<32x128x256xi1>, vector<32x128x256xf32>
    %reshape3A_259 = vector.shape_cast %select_n3A_250 : vector<32x1x256xf32> to vector<32x256xf32>
    %reshape3A_260 = vector.shape_cast %select_n3A_253 : vector<32x1x256xf32> to vector<32x256xf32>
    %add3A_261 = arith.addf %reshape3A_260, %mul3A_53 : vector<32x256xf32>
    %slice3A_262 = vector.extract_strided_slice %select_n3A_258 {offsets = [0, 64, 0], sizes = [32, 64, 256], strides = [1, 1, 1]} : vector<32x128x256xf32> to vector<32x64x256xf32>
    %slice3A_263 = vector.extract_strided_slice %select_n3A_258 {offsets = [0, 0, 0], sizes = [32, 64, 256], strides = [1, 1, 1]} : vector<32x128x256xf32> to vector<32x64x256xf32>
    %lt3A_264 = arith.cmpf olt, %slice3A_262, %slice3A_263 : vector<32x64x256xf32>
    %slice3A_265 = vector.extract_strided_slice %select_n3A_258 {offsets = [0, 64, 0], sizes = [32, 64, 256], strides = [1, 1, 1]} : vector<32x128x256xf32> to vector<32x64x256xf32>
    %slice3A_266 = vector.extract_strided_slice %select_n3A_258 {offsets = [0, 0, 0], sizes = [32, 64, 256], strides = [1, 1, 1]} : vector<32x128x256xf32> to vector<32x64x256xf32>
    %select_n3A_267 = arith.select %lt3A_264, %slice3A_265, %slice3A_266 : vector<32x64x256xi1>, vector<32x64x256xf32>
    %slice3A_268 = vector.extract_strided_slice %convert_element_type3A_48 {offsets = [0, 64, 0], sizes = [32, 64, 256], strides = [1, 1, 1]} : vector<32x128x256xf32> to vector<32x64x256xf32>
    %slice3A_269 = vector.extract_strided_slice %convert_element_type3A_48 {offsets = [0, 0, 0], sizes = [32, 64, 256], strides = [1, 1, 1]} : vector<32x128x256xf32> to vector<32x64x256xf32>
    %select_n3A_270 = arith.select %lt3A_264, %slice3A_268, %slice3A_269 : vector<32x64x256xi1>, vector<32x64x256xf32>
    %slice3A_271 = vector.extract_strided_slice %select_n3A_267 {offsets = [0, 32, 0], sizes = [32, 32, 256], strides = [1, 1, 1]} : vector<32x64x256xf32> to vector<32x32x256xf32>
    %slice3A_272 = vector.extract_strided_slice %select_n3A_267 {offsets = [0, 0, 0], sizes = [32, 32, 256], strides = [1, 1, 1]} : vector<32x64x256xf32> to vector<32x32x256xf32>
    %lt3A_273 = arith.cmpf olt, %slice3A_271, %slice3A_272 : vector<32x32x256xf32>
    %slice3A_274 = vector.extract_strided_slice %select_n3A_267 {offsets = [0, 32, 0], sizes = [32, 32, 256], strides = [1, 1, 1]} : vector<32x64x256xf32> to vector<32x32x256xf32>
    %slice3A_275 = vector.extract_strided_slice %select_n3A_267 {offsets = [0, 0, 0], sizes = [32, 32, 256], strides = [1, 1, 1]} : vector<32x64x256xf32> to vector<32x32x256xf32>
    %select_n3A_276 = arith.select %lt3A_273, %slice3A_274, %slice3A_275 : vector<32x32x256xi1>, vector<32x32x256xf32>
    %slice3A_277 = vector.extract_strided_slice %select_n3A_270 {offsets = [0, 32, 0], sizes = [32, 32, 256], strides = [1, 1, 1]} : vector<32x64x256xf32> to vector<32x32x256xf32>
    %slice3A_278 = vector.extract_strided_slice %select_n3A_270 {offsets = [0, 0, 0], sizes = [32, 32, 256], strides = [1, 1, 1]} : vector<32x64x256xf32> to vector<32x32x256xf32>
    %select_n3A_279 = arith.select %lt3A_273, %slice3A_277, %slice3A_278 : vector<32x32x256xi1>, vector<32x32x256xf32>
    %slice3A_280 = vector.extract_strided_slice %select_n3A_276 {offsets = [0, 16, 0], sizes = [32, 16, 256], strides = [1, 1, 1]} : vector<32x32x256xf32> to vector<32x16x256xf32>
    %slice3A_281 = vector.extract_strided_slice %select_n3A_276 {offsets = [0, 0, 0], sizes = [32, 16, 256], strides = [1, 1, 1]} : vector<32x32x256xf32> to vector<32x16x256xf32>
    %lt3A_282 = arith.cmpf olt, %slice3A_280, %slice3A_281 : vector<32x16x256xf32>
    %slice3A_283 = vector.extract_strided_slice %select_n3A_276 {offsets = [0, 16, 0], sizes = [32, 16, 256], strides = [1, 1, 1]} : vector<32x32x256xf32> to vector<32x16x256xf32>
    %slice3A_284 = vector.extract_strided_slice %select_n3A_276 {offsets = [0, 0, 0], sizes = [32, 16, 256], strides = [1, 1, 1]} : vector<32x32x256xf32> to vector<32x16x256xf32>
    %select_n3A_285 = arith.select %lt3A_282, %slice3A_283, %slice3A_284 : vector<32x16x256xi1>, vector<32x16x256xf32>
    %slice3A_286 = vector.extract_strided_slice %select_n3A_279 {offsets = [0, 16, 0], sizes = [32, 16, 256], strides = [1, 1, 1]} : vector<32x32x256xf32> to vector<32x16x256xf32>
    %slice3A_287 = vector.extract_strided_slice %select_n3A_279 {offsets = [0, 0, 0], sizes = [32, 16, 256], strides = [1, 1, 1]} : vector<32x32x256xf32> to vector<32x16x256xf32>
    %select_n3A_288 = arith.select %lt3A_282, %slice3A_286, %slice3A_287 : vector<32x16x256xi1>, vector<32x16x256xf32>
    %slice3A_289 = vector.extract_strided_slice %select_n3A_285 {offsets = [0, 8, 0], sizes = [32, 8, 256], strides = [1, 1, 1]} : vector<32x16x256xf32> to vector<32x8x256xf32>
    %slice3A_290 = vector.extract_strided_slice %select_n3A_285 {offsets = [0, 0, 0], sizes = [32, 8, 256], strides = [1, 1, 1]} : vector<32x16x256xf32> to vector<32x8x256xf32>
    %lt3A_291 = arith.cmpf olt, %slice3A_289, %slice3A_290 : vector<32x8x256xf32>
    %slice3A_292 = vector.extract_strided_slice %select_n3A_285 {offsets = [0, 8, 0], sizes = [32, 8, 256], strides = [1, 1, 1]} : vector<32x16x256xf32> to vector<32x8x256xf32>
    %slice3A_293 = vector.extract_strided_slice %select_n3A_285 {offsets = [0, 0, 0], sizes = [32, 8, 256], strides = [1, 1, 1]} : vector<32x16x256xf32> to vector<32x8x256xf32>
    %select_n3A_294 = arith.select %lt3A_291, %slice3A_292, %slice3A_293 : vector<32x8x256xi1>, vector<32x8x256xf32>
    %slice3A_295 = vector.extract_strided_slice %select_n3A_288 {offsets = [0, 8, 0], sizes = [32, 8, 256], strides = [1, 1, 1]} : vector<32x16x256xf32> to vector<32x8x256xf32>
    %slice3A_296 = vector.extract_strided_slice %select_n3A_288 {offsets = [0, 0, 0], sizes = [32, 8, 256], strides = [1, 1, 1]} : vector<32x16x256xf32> to vector<32x8x256xf32>
    %select_n3A_297 = arith.select %lt3A_291, %slice3A_295, %slice3A_296 : vector<32x8x256xi1>, vector<32x8x256xf32>
    %slice3A_298 = vector.extract_strided_slice %select_n3A_294 {offsets = [0, 4, 0], sizes = [32, 4, 256], strides = [1, 1, 1]} : vector<32x8x256xf32> to vector<32x4x256xf32>
    %slice3A_299 = vector.extract_strided_slice %select_n3A_294 {offsets = [0, 0, 0], sizes = [32, 4, 256], strides = [1, 1, 1]} : vector<32x8x256xf32> to vector<32x4x256xf32>
    %lt3A_300 = arith.cmpf olt, %slice3A_298, %slice3A_299 : vector<32x4x256xf32>
    %slice3A_301 = vector.extract_strided_slice %select_n3A_294 {offsets = [0, 4, 0], sizes = [32, 4, 256], strides = [1, 1, 1]} : vector<32x8x256xf32> to vector<32x4x256xf32>
    %slice3A_302 = vector.extract_strided_slice %select_n3A_294 {offsets = [0, 0, 0], sizes = [32, 4, 256], strides = [1, 1, 1]} : vector<32x8x256xf32> to vector<32x4x256xf32>
    %select_n3A_303 = arith.select %lt3A_300, %slice3A_301, %slice3A_302 : vector<32x4x256xi1>, vector<32x4x256xf32>
    %slice3A_304 = vector.extract_strided_slice %select_n3A_297 {offsets = [0, 4, 0], sizes = [32, 4, 256], strides = [1, 1, 1]} : vector<32x8x256xf32> to vector<32x4x256xf32>
    %slice3A_305 = vector.extract_strided_slice %select_n3A_297 {offsets = [0, 0, 0], sizes = [32, 4, 256], strides = [1, 1, 1]} : vector<32x8x256xf32> to vector<32x4x256xf32>
    %select_n3A_306 = arith.select %lt3A_300, %slice3A_304, %slice3A_305 : vector<32x4x256xi1>, vector<32x4x256xf32>
    %slice3A_307 = vector.extract_strided_slice %select_n3A_303 {offsets = [0, 2, 0], sizes = [32, 2, 256], strides = [1, 1, 1]} : vector<32x4x256xf32> to vector<32x2x256xf32>
    %slice3A_308 = vector.extract_strided_slice %select_n3A_303 {offsets = [0, 0, 0], sizes = [32, 2, 256], strides = [1, 1, 1]} : vector<32x4x256xf32> to vector<32x2x256xf32>
    %lt3A_309 = arith.cmpf olt, %slice3A_307, %slice3A_308 : vector<32x2x256xf32>
    %slice3A_310 = vector.extract_strided_slice %select_n3A_303 {offsets = [0, 2, 0], sizes = [32, 2, 256], strides = [1, 1, 1]} : vector<32x4x256xf32> to vector<32x2x256xf32>
    %slice3A_311 = vector.extract_strided_slice %select_n3A_303 {offsets = [0, 0, 0], sizes = [32, 2, 256], strides = [1, 1, 1]} : vector<32x4x256xf32> to vector<32x2x256xf32>
    %select_n3A_312 = arith.select %lt3A_309, %slice3A_310, %slice3A_311 : vector<32x2x256xi1>, vector<32x2x256xf32>
    %slice3A_313 = vector.extract_strided_slice %select_n3A_306 {offsets = [0, 2, 0], sizes = [32, 2, 256], strides = [1, 1, 1]} : vector<32x4x256xf32> to vector<32x2x256xf32>
    %slice3A_314 = vector.extract_strided_slice %select_n3A_306 {offsets = [0, 0, 0], sizes = [32, 2, 256], strides = [1, 1, 1]} : vector<32x4x256xf32> to vector<32x2x256xf32>
    %select_n3A_315 = arith.select %lt3A_309, %slice3A_313, %slice3A_314 : vector<32x2x256xi1>, vector<32x2x256xf32>
    %slice3A_316 = vector.extract_strided_slice %select_n3A_312 {offsets = [0, 1, 0], sizes = [32, 1, 256], strides = [1, 1, 1]} : vector<32x2x256xf32> to vector<32x1x256xf32>
    %slice3A_317 = vector.extract_strided_slice %select_n3A_312 {offsets = [0, 0, 0], sizes = [32, 1, 256], strides = [1, 1, 1]} : vector<32x2x256xf32> to vector<32x1x256xf32>
    %lt3A_318 = arith.cmpf olt, %slice3A_316, %slice3A_317 : vector<32x1x256xf32>
    %slice3A_319 = vector.extract_strided_slice %select_n3A_312 {offsets = [0, 1, 0], sizes = [32, 1, 256], strides = [1, 1, 1]} : vector<32x2x256xf32> to vector<32x1x256xf32>
    %slice3A_320 = vector.extract_strided_slice %select_n3A_312 {offsets = [0, 0, 0], sizes = [32, 1, 256], strides = [1, 1, 1]} : vector<32x2x256xf32> to vector<32x1x256xf32>
    %select_n3A_321 = arith.select %lt3A_318, %slice3A_319, %slice3A_320 : vector<32x1x256xi1>, vector<32x1x256xf32>
    %slice3A_322 = vector.extract_strided_slice %select_n3A_315 {offsets = [0, 1, 0], sizes = [32, 1, 256], strides = [1, 1, 1]} : vector<32x2x256xf32> to vector<32x1x256xf32>
    %slice3A_323 = vector.extract_strided_slice %select_n3A_315 {offsets = [0, 0, 0], sizes = [32, 1, 256], strides = [1, 1, 1]} : vector<32x2x256xf32> to vector<32x1x256xf32>
    %select_n3A_324 = arith.select %lt3A_318, %slice3A_322, %slice3A_323 : vector<32x1x256xi1>, vector<32x1x256xf32>
    %eq3A_325 = vector.broadcast %select_n3A_324 : vector<32x1x256xf32> to vector<32x128x256xf32>
    %eq3A_326 = arith.cmpf oeq, %convert_element_type3A_48, %eq3A_325 : vector<32x128x256xf32>
    %jit3A_327 = arith.constant 0x7F800000 : f32
    %broadcast_in_dim3A_328 = vector.broadcast %jit3A_327 : f32 to vector<32x128x256xf32>
    %select_n3A_329 = arith.select %eq3A_326, %broadcast_in_dim3A_328, %select_n3A_258 : vector<32x128x256xi1>, vector<32x128x256xf32>
    %reshape3A_330 = vector.shape_cast %select_n3A_321 : vector<32x1x256xf32> to vector<32x256xf32>
    %reshape3A_331 = vector.shape_cast %select_n3A_324 : vector<32x1x256xf32> to vector<32x256xf32>
    %add3A_332 = arith.addf %reshape3A_331, %mul3A_53 : vector<32x256xf32>
    %slice3A_333 = vector.extract_strided_slice %select_n3A_329 {offsets = [0, 64, 0], sizes = [32, 64, 256], strides = [1, 1, 1]} : vector<32x128x256xf32> to vector<32x64x256xf32>
    %slice3A_334 = vector.extract_strided_slice %select_n3A_329 {offsets = [0, 0, 0], sizes = [32, 64, 256], strides = [1, 1, 1]} : vector<32x128x256xf32> to vector<32x64x256xf32>
    %lt3A_335 = arith.cmpf olt, %slice3A_333, %slice3A_334 : vector<32x64x256xf32>
    %slice3A_336 = vector.extract_strided_slice %select_n3A_329 {offsets = [0, 64, 0], sizes = [32, 64, 256], strides = [1, 1, 1]} : vector<32x128x256xf32> to vector<32x64x256xf32>
    %slice3A_337 = vector.extract_strided_slice %select_n3A_329 {offsets = [0, 0, 0], sizes = [32, 64, 256], strides = [1, 1, 1]} : vector<32x128x256xf32> to vector<32x64x256xf32>
    %select_n3A_338 = arith.select %lt3A_335, %slice3A_336, %slice3A_337 : vector<32x64x256xi1>, vector<32x64x256xf32>
    %slice3A_339 = vector.extract_strided_slice %convert_element_type3A_48 {offsets = [0, 64, 0], sizes = [32, 64, 256], strides = [1, 1, 1]} : vector<32x128x256xf32> to vector<32x64x256xf32>
    %slice3A_340 = vector.extract_strided_slice %convert_element_type3A_48 {offsets = [0, 0, 0], sizes = [32, 64, 256], strides = [1, 1, 1]} : vector<32x128x256xf32> to vector<32x64x256xf32>
    %select_n3A_341 = arith.select %lt3A_335, %slice3A_339, %slice3A_340 : vector<32x64x256xi1>, vector<32x64x256xf32>
    %slice3A_342 = vector.extract_strided_slice %select_n3A_338 {offsets = [0, 32, 0], sizes = [32, 32, 256], strides = [1, 1, 1]} : vector<32x64x256xf32> to vector<32x32x256xf32>
    %slice3A_343 = vector.extract_strided_slice %select_n3A_338 {offsets = [0, 0, 0], sizes = [32, 32, 256], strides = [1, 1, 1]} : vector<32x64x256xf32> to vector<32x32x256xf32>
    %lt3A_344 = arith.cmpf olt, %slice3A_342, %slice3A_343 : vector<32x32x256xf32>
    %slice3A_345 = vector.extract_strided_slice %select_n3A_338 {offsets = [0, 32, 0], sizes = [32, 32, 256], strides = [1, 1, 1]} : vector<32x64x256xf32> to vector<32x32x256xf32>
    %slice3A_346 = vector.extract_strided_slice %select_n3A_338 {offsets = [0, 0, 0], sizes = [32, 32, 256], strides = [1, 1, 1]} : vector<32x64x256xf32> to vector<32x32x256xf32>
    %select_n3A_347 = arith.select %lt3A_344, %slice3A_345, %slice3A_346 : vector<32x32x256xi1>, vector<32x32x256xf32>
    %slice3A_348 = vector.extract_strided_slice %select_n3A_341 {offsets = [0, 32, 0], sizes = [32, 32, 256], strides = [1, 1, 1]} : vector<32x64x256xf32> to vector<32x32x256xf32>
    %slice3A_349 = vector.extract_strided_slice %select_n3A_341 {offsets = [0, 0, 0], sizes = [32, 32, 256], strides = [1, 1, 1]} : vector<32x64x256xf32> to vector<32x32x256xf32>
    %select_n3A_350 = arith.select %lt3A_344, %slice3A_348, %slice3A_349 : vector<32x32x256xi1>, vector<32x32x256xf32>
    %slice3A_351 = vector.extract_strided_slice %select_n3A_347 {offsets = [0, 16, 0], sizes = [32, 16, 256], strides = [1, 1, 1]} : vector<32x32x256xf32> to vector<32x16x256xf32>
    %slice3A_352 = vector.extract_strided_slice %select_n3A_347 {offsets = [0, 0, 0], sizes = [32, 16, 256], strides = [1, 1, 1]} : vector<32x32x256xf32> to vector<32x16x256xf32>
    %lt3A_353 = arith.cmpf olt, %slice3A_351, %slice3A_352 : vector<32x16x256xf32>
    %slice3A_354 = vector.extract_strided_slice %select_n3A_347 {offsets = [0, 16, 0], sizes = [32, 16, 256], strides = [1, 1, 1]} : vector<32x32x256xf32> to vector<32x16x256xf32>
    %slice3A_355 = vector.extract_strided_slice %select_n3A_347 {offsets = [0, 0, 0], sizes = [32, 16, 256], strides = [1, 1, 1]} : vector<32x32x256xf32> to vector<32x16x256xf32>
    %select_n3A_356 = arith.select %lt3A_353, %slice3A_354, %slice3A_355 : vector<32x16x256xi1>, vector<32x16x256xf32>
    %slice3A_357 = vector.extract_strided_slice %select_n3A_350 {offsets = [0, 16, 0], sizes = [32, 16, 256], strides = [1, 1, 1]} : vector<32x32x256xf32> to vector<32x16x256xf32>
    %slice3A_358 = vector.extract_strided_slice %select_n3A_350 {offsets = [0, 0, 0], sizes = [32, 16, 256], strides = [1, 1, 1]} : vector<32x32x256xf32> to vector<32x16x256xf32>
    %select_n3A_359 = arith.select %lt3A_353, %slice3A_357, %slice3A_358 : vector<32x16x256xi1>, vector<32x16x256xf32>
    %slice3A_360 = vector.extract_strided_slice %select_n3A_356 {offsets = [0, 8, 0], sizes = [32, 8, 256], strides = [1, 1, 1]} : vector<32x16x256xf32> to vector<32x8x256xf32>
    %slice3A_361 = vector.extract_strided_slice %select_n3A_356 {offsets = [0, 0, 0], sizes = [32, 8, 256], strides = [1, 1, 1]} : vector<32x16x256xf32> to vector<32x8x256xf32>
    %lt3A_362 = arith.cmpf olt, %slice3A_360, %slice3A_361 : vector<32x8x256xf32>
    %slice3A_363 = vector.extract_strided_slice %select_n3A_356 {offsets = [0, 8, 0], sizes = [32, 8, 256], strides = [1, 1, 1]} : vector<32x16x256xf32> to vector<32x8x256xf32>
    %slice3A_364 = vector.extract_strided_slice %select_n3A_356 {offsets = [0, 0, 0], sizes = [32, 8, 256], strides = [1, 1, 1]} : vector<32x16x256xf32> to vector<32x8x256xf32>
    %select_n3A_365 = arith.select %lt3A_362, %slice3A_363, %slice3A_364 : vector<32x8x256xi1>, vector<32x8x256xf32>
    %slice3A_366 = vector.extract_strided_slice %select_n3A_359 {offsets = [0, 8, 0], sizes = [32, 8, 256], strides = [1, 1, 1]} : vector<32x16x256xf32> to vector<32x8x256xf32>
    %slice3A_367 = vector.extract_strided_slice %select_n3A_359 {offsets = [0, 0, 0], sizes = [32, 8, 256], strides = [1, 1, 1]} : vector<32x16x256xf32> to vector<32x8x256xf32>
    %select_n3A_368 = arith.select %lt3A_362, %slice3A_366, %slice3A_367 : vector<32x8x256xi1>, vector<32x8x256xf32>
    %slice3A_369 = vector.extract_strided_slice %select_n3A_365 {offsets = [0, 4, 0], sizes = [32, 4, 256], strides = [1, 1, 1]} : vector<32x8x256xf32> to vector<32x4x256xf32>
    %slice3A_370 = vector.extract_strided_slice %select_n3A_365 {offsets = [0, 0, 0], sizes = [32, 4, 256], strides = [1, 1, 1]} : vector<32x8x256xf32> to vector<32x4x256xf32>
    %lt3A_371 = arith.cmpf olt, %slice3A_369, %slice3A_370 : vector<32x4x256xf32>
    %slice3A_372 = vector.extract_strided_slice %select_n3A_365 {offsets = [0, 4, 0], sizes = [32, 4, 256], strides = [1, 1, 1]} : vector<32x8x256xf32> to vector<32x4x256xf32>
    %slice3A_373 = vector.extract_strided_slice %select_n3A_365 {offsets = [0, 0, 0], sizes = [32, 4, 256], strides = [1, 1, 1]} : vector<32x8x256xf32> to vector<32x4x256xf32>
    %select_n3A_374 = arith.select %lt3A_371, %slice3A_372, %slice3A_373 : vector<32x4x256xi1>, vector<32x4x256xf32>
    %slice3A_375 = vector.extract_strided_slice %select_n3A_368 {offsets = [0, 4, 0], sizes = [32, 4, 256], strides = [1, 1, 1]} : vector<32x8x256xf32> to vector<32x4x256xf32>
    %slice3A_376 = vector.extract_strided_slice %select_n3A_368 {offsets = [0, 0, 0], sizes = [32, 4, 256], strides = [1, 1, 1]} : vector<32x8x256xf32> to vector<32x4x256xf32>
    %select_n3A_377 = arith.select %lt3A_371, %slice3A_375, %slice3A_376 : vector<32x4x256xi1>, vector<32x4x256xf32>
    %slice3A_378 = vector.extract_strided_slice %select_n3A_374 {offsets = [0, 2, 0], sizes = [32, 2, 256], strides = [1, 1, 1]} : vector<32x4x256xf32> to vector<32x2x256xf32>
    %slice3A_379 = vector.extract_strided_slice %select_n3A_374 {offsets = [0, 0, 0], sizes = [32, 2, 256], strides = [1, 1, 1]} : vector<32x4x256xf32> to vector<32x2x256xf32>
    %lt3A_380 = arith.cmpf olt, %slice3A_378, %slice3A_379 : vector<32x2x256xf32>
    %slice3A_381 = vector.extract_strided_slice %select_n3A_374 {offsets = [0, 2, 0], sizes = [32, 2, 256], strides = [1, 1, 1]} : vector<32x4x256xf32> to vector<32x2x256xf32>
    %slice3A_382 = vector.extract_strided_slice %select_n3A_374 {offsets = [0, 0, 0], sizes = [32, 2, 256], strides = [1, 1, 1]} : vector<32x4x256xf32> to vector<32x2x256xf32>
    %select_n3A_383 = arith.select %lt3A_380, %slice3A_381, %slice3A_382 : vector<32x2x256xi1>, vector<32x2x256xf32>
    %slice3A_384 = vector.extract_strided_slice %select_n3A_377 {offsets = [0, 2, 0], sizes = [32, 2, 256], strides = [1, 1, 1]} : vector<32x4x256xf32> to vector<32x2x256xf32>
    %slice3A_385 = vector.extract_strided_slice %select_n3A_377 {offsets = [0, 0, 0], sizes = [32, 2, 256], strides = [1, 1, 1]} : vector<32x4x256xf32> to vector<32x2x256xf32>
    %select_n3A_386 = arith.select %lt3A_380, %slice3A_384, %slice3A_385 : vector<32x2x256xi1>, vector<32x2x256xf32>
    %slice3A_387 = vector.extract_strided_slice %select_n3A_383 {offsets = [0, 1, 0], sizes = [32, 1, 256], strides = [1, 1, 1]} : vector<32x2x256xf32> to vector<32x1x256xf32>
    %slice3A_388 = vector.extract_strided_slice %select_n3A_383 {offsets = [0, 0, 0], sizes = [32, 1, 256], strides = [1, 1, 1]} : vector<32x2x256xf32> to vector<32x1x256xf32>
    %lt3A_389 = arith.cmpf olt, %slice3A_387, %slice3A_388 : vector<32x1x256xf32>
    %slice3A_390 = vector.extract_strided_slice %select_n3A_383 {offsets = [0, 1, 0], sizes = [32, 1, 256], strides = [1, 1, 1]} : vector<32x2x256xf32> to vector<32x1x256xf32>
    %slice3A_391 = vector.extract_strided_slice %select_n3A_383 {offsets = [0, 0, 0], sizes = [32, 1, 256], strides = [1, 1, 1]} : vector<32x2x256xf32> to vector<32x1x256xf32>
    %select_n3A_392 = arith.select %lt3A_389, %slice3A_390, %slice3A_391 : vector<32x1x256xi1>, vector<32x1x256xf32>
    %slice3A_393 = vector.extract_strided_slice %select_n3A_386 {offsets = [0, 1, 0], sizes = [32, 1, 256], strides = [1, 1, 1]} : vector<32x2x256xf32> to vector<32x1x256xf32>
    %slice3A_394 = vector.extract_strided_slice %select_n3A_386 {offsets = [0, 0, 0], sizes = [32, 1, 256], strides = [1, 1, 1]} : vector<32x2x256xf32> to vector<32x1x256xf32>
    %select_n3A_395 = arith.select %lt3A_389, %slice3A_393, %slice3A_394 : vector<32x1x256xi1>, vector<32x1x256xf32>
    %eq3A_396 = vector.broadcast %select_n3A_395 : vector<32x1x256xf32> to vector<32x128x256xf32>
    %eq3A_397 = arith.cmpf oeq, %convert_element_type3A_48, %eq3A_396 : vector<32x128x256xf32>
    %jit3A_398 = arith.constant 0x7F800000 : f32
    %broadcast_in_dim3A_399 = vector.broadcast %jit3A_398 : f32 to vector<32x128x256xf32>
    %select_n3A_400 = arith.select %eq3A_397, %broadcast_in_dim3A_399, %select_n3A_329 : vector<32x128x256xi1>, vector<32x128x256xf32>
    %reshape3A_401 = vector.shape_cast %select_n3A_392 : vector<32x1x256xf32> to vector<32x256xf32>
    %reshape3A_402 = vector.shape_cast %select_n3A_395 : vector<32x1x256xf32> to vector<32x256xf32>
    %add3A_403 = arith.addf %reshape3A_402, %mul3A_53 : vector<32x256xf32>
    %slice3A_404 = vector.extract_strided_slice %select_n3A_400 {offsets = [0, 64, 0], sizes = [32, 64, 256], strides = [1, 1, 1]} : vector<32x128x256xf32> to vector<32x64x256xf32>
    %slice3A_405 = vector.extract_strided_slice %select_n3A_400 {offsets = [0, 0, 0], sizes = [32, 64, 256], strides = [1, 1, 1]} : vector<32x128x256xf32> to vector<32x64x256xf32>
    %lt3A_406 = arith.cmpf olt, %slice3A_404, %slice3A_405 : vector<32x64x256xf32>
    %slice3A_407 = vector.extract_strided_slice %select_n3A_400 {offsets = [0, 64, 0], sizes = [32, 64, 256], strides = [1, 1, 1]} : vector<32x128x256xf32> to vector<32x64x256xf32>
    %slice3A_408 = vector.extract_strided_slice %select_n3A_400 {offsets = [0, 0, 0], sizes = [32, 64, 256], strides = [1, 1, 1]} : vector<32x128x256xf32> to vector<32x64x256xf32>
    %select_n3A_409 = arith.select %lt3A_406, %slice3A_407, %slice3A_408 : vector<32x64x256xi1>, vector<32x64x256xf32>
    %slice3A_410 = vector.extract_strided_slice %convert_element_type3A_48 {offsets = [0, 64, 0], sizes = [32, 64, 256], strides = [1, 1, 1]} : vector<32x128x256xf32> to vector<32x64x256xf32>
    %slice3A_411 = vector.extract_strided_slice %convert_element_type3A_48 {offsets = [0, 0, 0], sizes = [32, 64, 256], strides = [1, 1, 1]} : vector<32x128x256xf32> to vector<32x64x256xf32>
    %select_n3A_412 = arith.select %lt3A_406, %slice3A_410, %slice3A_411 : vector<32x64x256xi1>, vector<32x64x256xf32>
    %slice3A_413 = vector.extract_strided_slice %select_n3A_409 {offsets = [0, 32, 0], sizes = [32, 32, 256], strides = [1, 1, 1]} : vector<32x64x256xf32> to vector<32x32x256xf32>
    %slice3A_414 = vector.extract_strided_slice %select_n3A_409 {offsets = [0, 0, 0], sizes = [32, 32, 256], strides = [1, 1, 1]} : vector<32x64x256xf32> to vector<32x32x256xf32>
    %lt3A_415 = arith.cmpf olt, %slice3A_413, %slice3A_414 : vector<32x32x256xf32>
    %slice3A_416 = vector.extract_strided_slice %select_n3A_409 {offsets = [0, 32, 0], sizes = [32, 32, 256], strides = [1, 1, 1]} : vector<32x64x256xf32> to vector<32x32x256xf32>
    %slice3A_417 = vector.extract_strided_slice %select_n3A_409 {offsets = [0, 0, 0], sizes = [32, 32, 256], strides = [1, 1, 1]} : vector<32x64x256xf32> to vector<32x32x256xf32>
    %select_n3A_418 = arith.select %lt3A_415, %slice3A_416, %slice3A_417 : vector<32x32x256xi1>, vector<32x32x256xf32>
    %slice3A_419 = vector.extract_strided_slice %select_n3A_412 {offsets = [0, 32, 0], sizes = [32, 32, 256], strides = [1, 1, 1]} : vector<32x64x256xf32> to vector<32x32x256xf32>
    %slice3A_420 = vector.extract_strided_slice %select_n3A_412 {offsets = [0, 0, 0], sizes = [32, 32, 256], strides = [1, 1, 1]} : vector<32x64x256xf32> to vector<32x32x256xf32>
    %select_n3A_421 = arith.select %lt3A_415, %slice3A_419, %slice3A_420 : vector<32x32x256xi1>, vector<32x32x256xf32>
    %slice3A_422 = vector.extract_strided_slice %select_n3A_418 {offsets = [0, 16, 0], sizes = [32, 16, 256], strides = [1, 1, 1]} : vector<32x32x256xf32> to vector<32x16x256xf32>
    %slice3A_423 = vector.extract_strided_slice %select_n3A_418 {offsets = [0, 0, 0], sizes = [32, 16, 256], strides = [1, 1, 1]} : vector<32x32x256xf32> to vector<32x16x256xf32>
    %lt3A_424 = arith.cmpf olt, %slice3A_422, %slice3A_423 : vector<32x16x256xf32>
    %slice3A_425 = vector.extract_strided_slice %select_n3A_418 {offsets = [0, 16, 0], sizes = [32, 16, 256], strides = [1, 1, 1]} : vector<32x32x256xf32> to vector<32x16x256xf32>
    %slice3A_426 = vector.extract_strided_slice %select_n3A_418 {offsets = [0, 0, 0], sizes = [32, 16, 256], strides = [1, 1, 1]} : vector<32x32x256xf32> to vector<32x16x256xf32>
    %select_n3A_427 = arith.select %lt3A_424, %slice3A_425, %slice3A_426 : vector<32x16x256xi1>, vector<32x16x256xf32>
    %slice3A_428 = vector.extract_strided_slice %select_n3A_421 {offsets = [0, 16, 0], sizes = [32, 16, 256], strides = [1, 1, 1]} : vector<32x32x256xf32> to vector<32x16x256xf32>
    %slice3A_429 = vector.extract_strided_slice %select_n3A_421 {offsets = [0, 0, 0], sizes = [32, 16, 256], strides = [1, 1, 1]} : vector<32x32x256xf32> to vector<32x16x256xf32>
    %select_n3A_430 = arith.select %lt3A_424, %slice3A_428, %slice3A_429 : vector<32x16x256xi1>, vector<32x16x256xf32>
    %slice3A_431 = vector.extract_strided_slice %select_n3A_427 {offsets = [0, 8, 0], sizes = [32, 8, 256], strides = [1, 1, 1]} : vector<32x16x256xf32> to vector<32x8x256xf32>
    %slice3A_432 = vector.extract_strided_slice %select_n3A_427 {offsets = [0, 0, 0], sizes = [32, 8, 256], strides = [1, 1, 1]} : vector<32x16x256xf32> to vector<32x8x256xf32>
    %lt3A_433 = arith.cmpf olt, %slice3A_431, %slice3A_432 : vector<32x8x256xf32>
    %slice3A_434 = vector.extract_strided_slice %select_n3A_427 {offsets = [0, 8, 0], sizes = [32, 8, 256], strides = [1, 1, 1]} : vector<32x16x256xf32> to vector<32x8x256xf32>
    %slice3A_435 = vector.extract_strided_slice %select_n3A_427 {offsets = [0, 0, 0], sizes = [32, 8, 256], strides = [1, 1, 1]} : vector<32x16x256xf32> to vector<32x8x256xf32>
    %select_n3A_436 = arith.select %lt3A_433, %slice3A_434, %slice3A_435 : vector<32x8x256xi1>, vector<32x8x256xf32>
    %slice3A_437 = vector.extract_strided_slice %select_n3A_430 {offsets = [0, 8, 0], sizes = [32, 8, 256], strides = [1, 1, 1]} : vector<32x16x256xf32> to vector<32x8x256xf32>
    %slice3A_438 = vector.extract_strided_slice %select_n3A_430 {offsets = [0, 0, 0], sizes = [32, 8, 256], strides = [1, 1, 1]} : vector<32x16x256xf32> to vector<32x8x256xf32>
    %select_n3A_439 = arith.select %lt3A_433, %slice3A_437, %slice3A_438 : vector<32x8x256xi1>, vector<32x8x256xf32>
    %slice3A_440 = vector.extract_strided_slice %select_n3A_436 {offsets = [0, 4, 0], sizes = [32, 4, 256], strides = [1, 1, 1]} : vector<32x8x256xf32> to vector<32x4x256xf32>
    %slice3A_441 = vector.extract_strided_slice %select_n3A_436 {offsets = [0, 0, 0], sizes = [32, 4, 256], strides = [1, 1, 1]} : vector<32x8x256xf32> to vector<32x4x256xf32>
    %lt3A_442 = arith.cmpf olt, %slice3A_440, %slice3A_441 : vector<32x4x256xf32>
    %slice3A_443 = vector.extract_strided_slice %select_n3A_436 {offsets = [0, 4, 0], sizes = [32, 4, 256], strides = [1, 1, 1]} : vector<32x8x256xf32> to vector<32x4x256xf32>
    %slice3A_444 = vector.extract_strided_slice %select_n3A_436 {offsets = [0, 0, 0], sizes = [32, 4, 256], strides = [1, 1, 1]} : vector<32x8x256xf32> to vector<32x4x256xf32>
    %select_n3A_445 = arith.select %lt3A_442, %slice3A_443, %slice3A_444 : vector<32x4x256xi1>, vector<32x4x256xf32>
    %slice3A_446 = vector.extract_strided_slice %select_n3A_439 {offsets = [0, 4, 0], sizes = [32, 4, 256], strides = [1, 1, 1]} : vector<32x8x256xf32> to vector<32x4x256xf32>
    %slice3A_447 = vector.extract_strided_slice %select_n3A_439 {offsets = [0, 0, 0], sizes = [32, 4, 256], strides = [1, 1, 1]} : vector<32x8x256xf32> to vector<32x4x256xf32>
    %select_n3A_448 = arith.select %lt3A_442, %slice3A_446, %slice3A_447 : vector<32x4x256xi1>, vector<32x4x256xf32>
    %slice3A_449 = vector.extract_strided_slice %select_n3A_445 {offsets = [0, 2, 0], sizes = [32, 2, 256], strides = [1, 1, 1]} : vector<32x4x256xf32> to vector<32x2x256xf32>
    %slice3A_450 = vector.extract_strided_slice %select_n3A_445 {offsets = [0, 0, 0], sizes = [32, 2, 256], strides = [1, 1, 1]} : vector<32x4x256xf32> to vector<32x2x256xf32>
    %lt3A_451 = arith.cmpf olt, %slice3A_449, %slice3A_450 : vector<32x2x256xf32>
    %slice3A_452 = vector.extract_strided_slice %select_n3A_445 {offsets = [0, 2, 0], sizes = [32, 2, 256], strides = [1, 1, 1]} : vector<32x4x256xf32> to vector<32x2x256xf32>
    %slice3A_453 = vector.extract_strided_slice %select_n3A_445 {offsets = [0, 0, 0], sizes = [32, 2, 256], strides = [1, 1, 1]} : vector<32x4x256xf32> to vector<32x2x256xf32>
    %select_n3A_454 = arith.select %lt3A_451, %slice3A_452, %slice3A_453 : vector<32x2x256xi1>, vector<32x2x256xf32>
    %slice3A_455 = vector.extract_strided_slice %select_n3A_448 {offsets = [0, 2, 0], sizes = [32, 2, 256], strides = [1, 1, 1]} : vector<32x4x256xf32> to vector<32x2x256xf32>
    %slice3A_456 = vector.extract_strided_slice %select_n3A_448 {offsets = [0, 0, 0], sizes = [32, 2, 256], strides = [1, 1, 1]} : vector<32x4x256xf32> to vector<32x2x256xf32>
    %select_n3A_457 = arith.select %lt3A_451, %slice3A_455, %slice3A_456 : vector<32x2x256xi1>, vector<32x2x256xf32>
    %slice3A_458 = vector.extract_strided_slice %select_n3A_454 {offsets = [0, 1, 0], sizes = [32, 1, 256], strides = [1, 1, 1]} : vector<32x2x256xf32> to vector<32x1x256xf32>
    %slice3A_459 = vector.extract_strided_slice %select_n3A_454 {offsets = [0, 0, 0], sizes = [32, 1, 256], strides = [1, 1, 1]} : vector<32x2x256xf32> to vector<32x1x256xf32>
    %lt3A_460 = arith.cmpf olt, %slice3A_458, %slice3A_459 : vector<32x1x256xf32>
    %slice3A_461 = vector.extract_strided_slice %select_n3A_454 {offsets = [0, 1, 0], sizes = [32, 1, 256], strides = [1, 1, 1]} : vector<32x2x256xf32> to vector<32x1x256xf32>
    %slice3A_462 = vector.extract_strided_slice %select_n3A_454 {offsets = [0, 0, 0], sizes = [32, 1, 256], strides = [1, 1, 1]} : vector<32x2x256xf32> to vector<32x1x256xf32>
    %select_n3A_463 = arith.select %lt3A_460, %slice3A_461, %slice3A_462 : vector<32x1x256xi1>, vector<32x1x256xf32>
    %slice3A_464 = vector.extract_strided_slice %select_n3A_457 {offsets = [0, 1, 0], sizes = [32, 1, 256], strides = [1, 1, 1]} : vector<32x2x256xf32> to vector<32x1x256xf32>
    %slice3A_465 = vector.extract_strided_slice %select_n3A_457 {offsets = [0, 0, 0], sizes = [32, 1, 256], strides = [1, 1, 1]} : vector<32x2x256xf32> to vector<32x1x256xf32>
    %select_n3A_466 = arith.select %lt3A_460, %slice3A_464, %slice3A_465 : vector<32x1x256xi1>, vector<32x1x256xf32>
    %eq3A_467 = vector.broadcast %select_n3A_466 : vector<32x1x256xf32> to vector<32x128x256xf32>
    %eq3A_468 = arith.cmpf oeq, %convert_element_type3A_48, %eq3A_467 : vector<32x128x256xf32>
    %jit3A_469 = arith.constant 0x7F800000 : f32
    %broadcast_in_dim3A_470 = vector.broadcast %jit3A_469 : f32 to vector<32x128x256xf32>
    %select_n3A_471 = arith.select %eq3A_468, %broadcast_in_dim3A_470, %select_n3A_400 : vector<32x128x256xi1>, vector<32x128x256xf32>
    %reshape3A_472 = vector.shape_cast %select_n3A_463 : vector<32x1x256xf32> to vector<32x256xf32>
    %reshape3A_473 = vector.shape_cast %select_n3A_466 : vector<32x1x256xf32> to vector<32x256xf32>
    %add3A_474 = arith.addf %reshape3A_473, %mul3A_53 : vector<32x256xf32>
    %concatenate3A = tpu.concatenate %reshape3A_117, %reshape3A_188, %reshape3A_259, %reshape3A_330, %reshape3A_401, %reshape3A_472 in 0 : vector<32x256xf32>, vector<32x256xf32>, vector<32x256xf32>, vector<32x256xf32>, vector<32x256xf32>, vector<32x256xf32> -> vector<192x256xf32>
    %concatenate3A_475 = tpu.concatenate %add3A_119, %add3A_190, %add3A_261, %add3A_332, %add3A_403, %add3A_474 in 0 : vector<32x256xf32>, vector<32x256xf32>, vector<32x256xf32>, vector<32x256xf32>, vector<32x256xf32>, vector<32x256xf32> -> vector<192x256xf32>
    %reduce_min3A = arith.constant dense<0x7F800000> : vector<256xf32>
    %reduce_min3A_476 = vector.multi_reduction <minimumf>, %concatenate3A, %reduce_min3A [0] : vector<192x256xf32> to vector<256xf32>
    %broadcast_in_dim3A_477 = vector.shape_cast %reduce_min3A_476 : vector<256xf32> to vector<1x256xf32>
    %eq3A_478 = vector.broadcast %broadcast_in_dim3A_477 : vector<1x256xf32> to vector<192x256xf32>
    %eq3A_479 = arith.cmpf oeq, %concatenate3A, %eq3A_478 : vector<192x256xf32>
    %jit3A_480 = arith.constant 1.000000e+09 : f32
    %broadcast_in_dim3A_481 = vector.broadcast %jit3A_480 : f32 to vector<192x256xf32>
    %select_n3A_482 = arith.select %eq3A_479, %concatenate3A_475, %broadcast_in_dim3A_481 : vector<192x256xi1>, vector<192x256xf32>
    %reduce_min3A_483 = arith.constant dense<0x7F800000> : vector<256xf32>
    %reduce_min3A_484 = vector.multi_reduction <minimumf>, %select_n3A_482, %reduce_min3A_483 [0] : vector<192x256xf32> to vector<256xf32>
    %broadcast_in_dim3A_485 = vector.shape_cast %reduce_min3A_484 : vector<256xf32> to vector<1x256xf32>
    %eq3A_486 = vector.broadcast %broadcast_in_dim3A_485 : vector<1x256xf32> to vector<192x256xf32>
    %eq3A_487 = arith.cmpf oeq, %select_n3A_482, %eq3A_486 : vector<192x256xf32>
    %jit3A_488 = arith.constant 0x7F800000 : f32
    %broadcast_in_dim3A_489 = vector.broadcast %jit3A_488 : f32 to vector<192x256xf32>
    %select_n3A_490 = arith.select %eq3A_487, %broadcast_in_dim3A_489, %concatenate3A : vector<192x256xi1>, vector<192x256xf32>
    %reduce_min3A_491 = arith.constant dense<0x7F800000> : vector<256xf32>
    %reduce_min3A_492 = vector.multi_reduction <minimumf>, %select_n3A_490, %reduce_min3A_491 [0] : vector<192x256xf32> to vector<256xf32>
    %broadcast_in_dim3A_493 = vector.shape_cast %reduce_min3A_492 : vector<256xf32> to vector<1x256xf32>
    %eq3A_494 = vector.broadcast %broadcast_in_dim3A_493 : vector<1x256xf32> to vector<192x256xf32>
    %eq3A_495 = arith.cmpf oeq, %select_n3A_490, %eq3A_494 : vector<192x256xf32>
    %jit3A_496 = arith.constant 1.000000e+09 : f32
    %broadcast_in_dim3A_497 = vector.broadcast %jit3A_496 : f32 to vector<192x256xf32>
    %select_n3A_498 = arith.select %eq3A_495, %concatenate3A_475, %broadcast_in_dim3A_497 : vector<192x256xi1>, vector<192x256xf32>
    %reduce_min3A_499 = arith.constant dense<0x7F800000> : vector<256xf32>
    %reduce_min3A_500 = vector.multi_reduction <minimumf>, %select_n3A_498, %reduce_min3A_499 [0] : vector<192x256xf32> to vector<256xf32>
    %broadcast_in_dim3A_501 = vector.shape_cast %reduce_min3A_500 : vector<256xf32> to vector<1x256xf32>
    %eq3A_502 = vector.broadcast %broadcast_in_dim3A_501 : vector<1x256xf32> to vector<192x256xf32>
    %eq3A_503 = arith.cmpf oeq, %select_n3A_498, %eq3A_502 : vector<192x256xf32>
    %jit3A_504 = arith.constant 0x7F800000 : f32
    %broadcast_in_dim3A_505 = vector.broadcast %jit3A_504 : f32 to vector<192x256xf32>
    %select_n3A_506 = arith.select %eq3A_503, %broadcast_in_dim3A_505, %select_n3A_490 : vector<192x256xi1>, vector<192x256xf32>
    %reduce_min3A_507 = arith.constant dense<0x7F800000> : vector<256xf32>
    %reduce_min3A_508 = vector.multi_reduction <minimumf>, %select_n3A_506, %reduce_min3A_507 [0] : vector<192x256xf32> to vector<256xf32>
    %broadcast_in_dim3A_509 = vector.shape_cast %reduce_min3A_508 : vector<256xf32> to vector<1x256xf32>
    %eq3A_510 = vector.broadcast %broadcast_in_dim3A_509 : vector<1x256xf32> to vector<192x256xf32>
    %eq3A_511 = arith.cmpf oeq, %select_n3A_506, %eq3A_510 : vector<192x256xf32>
    %jit3A_512 = arith.constant 1.000000e+09 : f32
    %broadcast_in_dim3A_513 = vector.broadcast %jit3A_512 : f32 to vector<192x256xf32>
    %select_n3A_514 = arith.select %eq3A_511, %concatenate3A_475, %broadcast_in_dim3A_513 : vector<192x256xi1>, vector<192x256xf32>
    %reduce_min3A_515 = arith.constant dense<0x7F800000> : vector<256xf32>
    %reduce_min3A_516 = vector.multi_reduction <minimumf>, %select_n3A_514, %reduce_min3A_515 [0] : vector<192x256xf32> to vector<256xf32>
    %broadcast_in_dim3A_517 = vector.shape_cast %reduce_min3A_516 : vector<256xf32> to vector<1x256xf32>
    %eq3A_518 = vector.broadcast %broadcast_in_dim3A_517 : vector<1x256xf32> to vector<192x256xf32>
    %eq3A_519 = arith.cmpf oeq, %select_n3A_514, %eq3A_518 : vector<192x256xf32>
    %jit3A_520 = arith.constant 0x7F800000 : f32
    %broadcast_in_dim3A_521 = vector.broadcast %jit3A_520 : f32 to vector<192x256xf32>
    %select_n3A_522 = arith.select %eq3A_519, %broadcast_in_dim3A_521, %select_n3A_506 : vector<192x256xi1>, vector<192x256xf32>
    %reduce_min3A_523 = arith.constant dense<0x7F800000> : vector<256xf32>
    %reduce_min3A_524 = vector.multi_reduction <minimumf>, %select_n3A_522, %reduce_min3A_523 [0] : vector<192x256xf32> to vector<256xf32>
    %broadcast_in_dim3A_525 = vector.shape_cast %reduce_min3A_524 : vector<256xf32> to vector<1x256xf32>
    %eq3A_526 = vector.broadcast %broadcast_in_dim3A_525 : vector<1x256xf32> to vector<192x256xf32>
    %eq3A_527 = arith.cmpf oeq, %select_n3A_522, %eq3A_526 : vector<192x256xf32>
    %jit3A_528 = arith.constant 1.000000e+09 : f32
    %broadcast_in_dim3A_529 = vector.broadcast %jit3A_528 : f32 to vector<192x256xf32>
    %select_n3A_530 = arith.select %eq3A_527, %concatenate3A_475, %broadcast_in_dim3A_529 : vector<192x256xi1>, vector<192x256xf32>
    %reduce_min3A_531 = arith.constant dense<0x7F800000> : vector<256xf32>
    %reduce_min3A_532 = vector.multi_reduction <minimumf>, %select_n3A_530, %reduce_min3A_531 [0] : vector<192x256xf32> to vector<256xf32>
    %broadcast_in_dim3A_533 = vector.shape_cast %reduce_min3A_532 : vector<256xf32> to vector<1x256xf32>
    %eq3A_534 = vector.broadcast %broadcast_in_dim3A_533 : vector<1x256xf32> to vector<192x256xf32>
    %eq3A_535 = arith.cmpf oeq, %select_n3A_530, %eq3A_534 : vector<192x256xf32>
    %jit3A_536 = arith.constant 0x7F800000 : f32
    %broadcast_in_dim3A_537 = vector.broadcast %jit3A_536 : f32 to vector<192x256xf32>
    %select_n3A_538 = arith.select %eq3A_535, %broadcast_in_dim3A_537, %select_n3A_522 : vector<192x256xi1>, vector<192x256xf32>
    %reduce_min3A_539 = arith.constant dense<0x7F800000> : vector<256xf32>
    %reduce_min3A_540 = vector.multi_reduction <minimumf>, %select_n3A_538, %reduce_min3A_539 [0] : vector<192x256xf32> to vector<256xf32>
    %broadcast_in_dim3A_541 = vector.shape_cast %reduce_min3A_540 : vector<256xf32> to vector<1x256xf32>
    %eq3A_542 = vector.broadcast %broadcast_in_dim3A_541 : vector<1x256xf32> to vector<192x256xf32>
    %eq3A_543 = arith.cmpf oeq, %select_n3A_538, %eq3A_542 : vector<192x256xf32>
    %jit3A_544 = arith.constant 1.000000e+09 : f32
    %broadcast_in_dim3A_545 = vector.broadcast %jit3A_544 : f32 to vector<192x256xf32>
    %select_n3A_546 = arith.select %eq3A_543, %concatenate3A_475, %broadcast_in_dim3A_545 : vector<192x256xi1>, vector<192x256xf32>
    %reduce_min3A_547 = arith.constant dense<0x7F800000> : vector<256xf32>
    %reduce_min3A_548 = vector.multi_reduction <minimumf>, %select_n3A_546, %reduce_min3A_547 [0] : vector<192x256xf32> to vector<256xf32>
    %broadcast_in_dim3A_549 = vector.shape_cast %reduce_min3A_548 : vector<256xf32> to vector<1x256xf32>
    %eq3A_550 = vector.broadcast %broadcast_in_dim3A_549 : vector<1x256xf32> to vector<192x256xf32>
    %eq3A_551 = arith.cmpf oeq, %select_n3A_546, %eq3A_550 : vector<192x256xf32>
    %jit3A_552 = arith.constant 0x7F800000 : f32
    %broadcast_in_dim3A_553 = vector.broadcast %jit3A_552 : f32 to vector<192x256xf32>
    %select_n3A_554 = arith.select %eq3A_551, %broadcast_in_dim3A_553, %select_n3A_538 : vector<192x256xi1>, vector<192x256xf32>
    %reduce_min3A_555 = arith.constant dense<0x7F800000> : vector<256xf32>
    %reduce_min3A_556 = vector.multi_reduction <minimumf>, %select_n3A_554, %reduce_min3A_555 [0] : vector<192x256xf32> to vector<256xf32>
    %broadcast_in_dim3A_557 = vector.shape_cast %reduce_min3A_556 : vector<256xf32> to vector<1x256xf32>
    %eq3A_558 = vector.broadcast %broadcast_in_dim3A_557 : vector<1x256xf32> to vector<192x256xf32>
    %eq3A_559 = arith.cmpf oeq, %select_n3A_554, %eq3A_558 : vector<192x256xf32>
    %jit3A_560 = arith.constant 1.000000e+09 : f32
    %broadcast_in_dim3A_561 = vector.broadcast %jit3A_560 : f32 to vector<192x256xf32>
    %select_n3A_562 = arith.select %eq3A_559, %concatenate3A_475, %broadcast_in_dim3A_561 : vector<192x256xi1>, vector<192x256xf32>
    %reduce_min3A_563 = arith.constant dense<0x7F800000> : vector<256xf32>
    %reduce_min3A_564 = vector.multi_reduction <minimumf>, %select_n3A_562, %reduce_min3A_563 [0] : vector<192x256xf32> to vector<256xf32>
    %broadcast_in_dim3A_565 = vector.shape_cast %reduce_min3A_564 : vector<256xf32> to vector<1x256xf32>
    %eq3A_566 = vector.broadcast %broadcast_in_dim3A_565 : vector<1x256xf32> to vector<192x256xf32>
    %eq3A_567 = arith.cmpf oeq, %select_n3A_562, %eq3A_566 : vector<192x256xf32>
    %jit3A_568 = arith.constant 0x7F800000 : f32
    %broadcast_in_dim3A_569 = vector.broadcast %jit3A_568 : f32 to vector<192x256xf32>
    %select_n3A_570 = arith.select %eq3A_567, %broadcast_in_dim3A_569, %select_n3A_554 : vector<192x256xi1>, vector<192x256xf32>
    %reduce_min3A_571 = arith.constant dense<0x7F800000> : vector<256xf32>
    %reduce_min3A_572 = vector.multi_reduction <minimumf>, %select_n3A_570, %reduce_min3A_571 [0] : vector<192x256xf32> to vector<256xf32>
    %broadcast_in_dim3A_573 = vector.shape_cast %reduce_min3A_572 : vector<256xf32> to vector<1x256xf32>
    %eq3A_574 = vector.broadcast %broadcast_in_dim3A_573 : vector<1x256xf32> to vector<192x256xf32>
    %eq3A_575 = arith.cmpf oeq, %select_n3A_570, %eq3A_574 : vector<192x256xf32>
    %jit3A_576 = arith.constant 1.000000e+09 : f32
    %broadcast_in_dim3A_577 = vector.broadcast %jit3A_576 : f32 to vector<192x256xf32>
    %select_n3A_578 = arith.select %eq3A_575, %concatenate3A_475, %broadcast_in_dim3A_577 : vector<192x256xi1>, vector<192x256xf32>
    %reduce_min3A_579 = arith.constant dense<0x7F800000> : vector<256xf32>
    %reduce_min3A_580 = vector.multi_reduction <minimumf>, %select_n3A_578, %reduce_min3A_579 [0] : vector<192x256xf32> to vector<256xf32>
    %broadcast_in_dim3A_581 = vector.shape_cast %reduce_min3A_580 : vector<256xf32> to vector<1x256xf32>
    %eq3A_582 = vector.broadcast %broadcast_in_dim3A_581 : vector<1x256xf32> to vector<192x256xf32>
    %eq3A_583 = arith.cmpf oeq, %select_n3A_578, %eq3A_582 : vector<192x256xf32>
    %jit3A_584 = arith.constant 0x7F800000 : f32
    %broadcast_in_dim3A_585 = vector.broadcast %jit3A_584 : f32 to vector<192x256xf32>
    %select_n3A_586 = arith.select %eq3A_583, %broadcast_in_dim3A_585, %select_n3A_570 : vector<192x256xi1>, vector<192x256xf32>
    %reduce_min3A_587 = arith.constant dense<0x7F800000> : vector<256xf32>
    %reduce_min3A_588 = vector.multi_reduction <minimumf>, %select_n3A_586, %reduce_min3A_587 [0] : vector<192x256xf32> to vector<256xf32>
    %broadcast_in_dim3A_589 = vector.shape_cast %reduce_min3A_588 : vector<256xf32> to vector<1x256xf32>
    %eq3A_590 = vector.broadcast %broadcast_in_dim3A_589 : vector<1x256xf32> to vector<192x256xf32>
    %eq3A_591 = arith.cmpf oeq, %select_n3A_586, %eq3A_590 : vector<192x256xf32>
    %jit3A_592 = arith.constant 1.000000e+09 : f32
    %broadcast_in_dim3A_593 = vector.broadcast %jit3A_592 : f32 to vector<192x256xf32>
    %select_n3A_594 = arith.select %eq3A_591, %concatenate3A_475, %broadcast_in_dim3A_593 : vector<192x256xi1>, vector<192x256xf32>
    %reduce_min3A_595 = arith.constant dense<0x7F800000> : vector<256xf32>
    %reduce_min3A_596 = vector.multi_reduction <minimumf>, %select_n3A_594, %reduce_min3A_595 [0] : vector<192x256xf32> to vector<256xf32>
    %broadcast_in_dim3A_597 = vector.shape_cast %reduce_min3A_596 : vector<256xf32> to vector<1x256xf32>
    %eq3A_598 = vector.broadcast %broadcast_in_dim3A_597 : vector<1x256xf32> to vector<192x256xf32>
    %eq3A_599 = arith.cmpf oeq, %select_n3A_594, %eq3A_598 : vector<192x256xf32>
    %jit3A_600 = arith.constant 0x7F800000 : f32
    %broadcast_in_dim3A_601 = vector.broadcast %jit3A_600 : f32 to vector<192x256xf32>
    %select_n3A_602 = arith.select %eq3A_599, %broadcast_in_dim3A_601, %select_n3A_586 : vector<192x256xi1>, vector<192x256xf32>
    %reduce_min3A_603 = arith.constant dense<0x7F800000> : vector<256xf32>
    %reduce_min3A_604 = vector.multi_reduction <minimumf>, %select_n3A_602, %reduce_min3A_603 [0] : vector<192x256xf32> to vector<256xf32>
    %broadcast_in_dim3A_605 = vector.shape_cast %reduce_min3A_604 : vector<256xf32> to vector<1x256xf32>
    %eq3A_606 = vector.broadcast %broadcast_in_dim3A_605 : vector<1x256xf32> to vector<192x256xf32>
    %eq3A_607 = arith.cmpf oeq, %select_n3A_602, %eq3A_606 : vector<192x256xf32>
    %jit3A_608 = arith.constant 1.000000e+09 : f32
    %broadcast_in_dim3A_609 = vector.broadcast %jit3A_608 : f32 to vector<192x256xf32>
    %select_n3A_610 = arith.select %eq3A_607, %concatenate3A_475, %broadcast_in_dim3A_609 : vector<192x256xi1>, vector<192x256xf32>
    %reduce_min3A_611 = arith.constant dense<0x7F800000> : vector<256xf32>
    %reduce_min3A_612 = vector.multi_reduction <minimumf>, %select_n3A_610, %reduce_min3A_611 [0] : vector<192x256xf32> to vector<256xf32>
    %broadcast_in_dim3A_613 = vector.shape_cast %reduce_min3A_612 : vector<256xf32> to vector<1x256xf32>
    %eq3A_614 = vector.broadcast %broadcast_in_dim3A_613 : vector<1x256xf32> to vector<192x256xf32>
    %eq3A_615 = arith.cmpf oeq, %select_n3A_610, %eq3A_614 : vector<192x256xf32>
    %jit3A_616 = arith.constant 0x7F800000 : f32
    %broadcast_in_dim3A_617 = vector.broadcast %jit3A_616 : f32 to vector<192x256xf32>
    %select_n3A_618 = arith.select %eq3A_615, %broadcast_in_dim3A_617, %select_n3A_602 : vector<192x256xi1>, vector<192x256xf32>
    %reduce_min3A_619 = arith.constant dense<0x7F800000> : vector<256xf32>
    %reduce_min3A_620 = vector.multi_reduction <minimumf>, %select_n3A_618, %reduce_min3A_619 [0] : vector<192x256xf32> to vector<256xf32>
    %broadcast_in_dim3A_621 = vector.shape_cast %reduce_min3A_620 : vector<256xf32> to vector<1x256xf32>
    %eq3A_622 = vector.broadcast %broadcast_in_dim3A_621 : vector<1x256xf32> to vector<192x256xf32>
    %eq3A_623 = arith.cmpf oeq, %select_n3A_618, %eq3A_622 : vector<192x256xf32>
    %jit3A_624 = arith.constant 1.000000e+09 : f32
    %broadcast_in_dim3A_625 = vector.broadcast %jit3A_624 : f32 to vector<192x256xf32>
    %select_n3A_626 = arith.select %eq3A_623, %concatenate3A_475, %broadcast_in_dim3A_625 : vector<192x256xi1>, vector<192x256xf32>
    %reduce_min3A_627 = arith.constant dense<0x7F800000> : vector<256xf32>
    %reduce_min3A_628 = vector.multi_reduction <minimumf>, %select_n3A_626, %reduce_min3A_627 [0] : vector<192x256xf32> to vector<256xf32>
    %broadcast_in_dim3A_629 = vector.shape_cast %reduce_min3A_628 : vector<256xf32> to vector<1x256xf32>
    %eq3A_630 = vector.broadcast %broadcast_in_dim3A_629 : vector<1x256xf32> to vector<192x256xf32>
    %eq3A_631 = arith.cmpf oeq, %select_n3A_626, %eq3A_630 : vector<192x256xf32>
    %jit3A_632 = arith.constant 0x7F800000 : f32
    %broadcast_in_dim3A_633 = vector.broadcast %jit3A_632 : f32 to vector<192x256xf32>
    %select_n3A_634 = arith.select %eq3A_631, %broadcast_in_dim3A_633, %select_n3A_618 : vector<192x256xi1>, vector<192x256xf32>
    %reduce_min3A_635 = arith.constant dense<0x7F800000> : vector<256xf32>
    %reduce_min3A_636 = vector.multi_reduction <minimumf>, %select_n3A_634, %reduce_min3A_635 [0] : vector<192x256xf32> to vector<256xf32>
    %broadcast_in_dim3A_637 = vector.shape_cast %reduce_min3A_636 : vector<256xf32> to vector<1x256xf32>
    %eq3A_638 = vector.broadcast %broadcast_in_dim3A_637 : vector<1x256xf32> to vector<192x256xf32>
    %eq3A_639 = arith.cmpf oeq, %select_n3A_634, %eq3A_638 : vector<192x256xf32>
    %jit3A_640 = arith.constant 1.000000e+09 : f32
    %broadcast_in_dim3A_641 = vector.broadcast %jit3A_640 : f32 to vector<192x256xf32>
    %select_n3A_642 = arith.select %eq3A_639, %concatenate3A_475, %broadcast_in_dim3A_641 : vector<192x256xi1>, vector<192x256xf32>
    %reduce_min3A_643 = arith.constant dense<0x7F800000> : vector<256xf32>
    %reduce_min3A_644 = vector.multi_reduction <minimumf>, %select_n3A_642, %reduce_min3A_643 [0] : vector<192x256xf32> to vector<256xf32>
    %broadcast_in_dim3A_645 = vector.shape_cast %reduce_min3A_644 : vector<256xf32> to vector<1x256xf32>
    %eq3A_646 = vector.broadcast %broadcast_in_dim3A_645 : vector<1x256xf32> to vector<192x256xf32>
    %eq3A_647 = arith.cmpf oeq, %select_n3A_642, %eq3A_646 : vector<192x256xf32>
    %jit3A_648 = arith.constant 0x7F800000 : f32
    %broadcast_in_dim3A_649 = vector.broadcast %jit3A_648 : f32 to vector<192x256xf32>
    %select_n3A_650 = arith.select %eq3A_647, %broadcast_in_dim3A_649, %select_n3A_634 : vector<192x256xi1>, vector<192x256xf32>
    %reduce_min3A_651 = arith.constant dense<0x7F800000> : vector<256xf32>
    %reduce_min3A_652 = vector.multi_reduction <minimumf>, %select_n3A_650, %reduce_min3A_651 [0] : vector<192x256xf32> to vector<256xf32>
    %broadcast_in_dim3A_653 = vector.shape_cast %reduce_min3A_652 : vector<256xf32> to vector<1x256xf32>
    %eq3A_654 = vector.broadcast %broadcast_in_dim3A_653 : vector<1x256xf32> to vector<192x256xf32>
    %eq3A_655 = arith.cmpf oeq, %select_n3A_650, %eq3A_654 : vector<192x256xf32>
    %jit3A_656 = arith.constant 1.000000e+09 : f32
    %broadcast_in_dim3A_657 = vector.broadcast %jit3A_656 : f32 to vector<192x256xf32>
    %select_n3A_658 = arith.select %eq3A_655, %concatenate3A_475, %broadcast_in_dim3A_657 : vector<192x256xi1>, vector<192x256xf32>
    %reduce_min3A_659 = arith.constant dense<0x7F800000> : vector<256xf32>
    %reduce_min3A_660 = vector.multi_reduction <minimumf>, %select_n3A_658, %reduce_min3A_659 [0] : vector<192x256xf32> to vector<256xf32>
    %broadcast_in_dim3A_661 = vector.shape_cast %reduce_min3A_660 : vector<256xf32> to vector<1x256xf32>
    %eq3A_662 = vector.broadcast %broadcast_in_dim3A_661 : vector<1x256xf32> to vector<192x256xf32>
    %eq3A_663 = arith.cmpf oeq, %select_n3A_658, %eq3A_662 : vector<192x256xf32>
    %jit3A_664 = arith.constant 0x7F800000 : f32
    %broadcast_in_dim3A_665 = vector.broadcast %jit3A_664 : f32 to vector<192x256xf32>
    %select_n3A_666 = arith.select %eq3A_663, %broadcast_in_dim3A_665, %select_n3A_650 : vector<192x256xi1>, vector<192x256xf32>
    %reduce_min3A_667 = arith.constant dense<0x7F800000> : vector<256xf32>
    %reduce_min3A_668 = vector.multi_reduction <minimumf>, %select_n3A_666, %reduce_min3A_667 [0] : vector<192x256xf32> to vector<256xf32>
    %broadcast_in_dim3A_669 = vector.shape_cast %reduce_min3A_668 : vector<256xf32> to vector<1x256xf32>
    %eq3A_670 = vector.broadcast %broadcast_in_dim3A_669 : vector<1x256xf32> to vector<192x256xf32>
    %eq3A_671 = arith.cmpf oeq, %select_n3A_666, %eq3A_670 : vector<192x256xf32>
    %jit3A_672 = arith.constant 1.000000e+09 : f32
    %broadcast_in_dim3A_673 = vector.broadcast %jit3A_672 : f32 to vector<192x256xf32>
    %select_n3A_674 = arith.select %eq3A_671, %concatenate3A_475, %broadcast_in_dim3A_673 : vector<192x256xi1>, vector<192x256xf32>
    %reduce_min3A_675 = arith.constant dense<0x7F800000> : vector<256xf32>
    %reduce_min3A_676 = vector.multi_reduction <minimumf>, %select_n3A_674, %reduce_min3A_675 [0] : vector<192x256xf32> to vector<256xf32>
    %broadcast_in_dim3A_677 = vector.shape_cast %reduce_min3A_676 : vector<256xf32> to vector<1x256xf32>
    %eq3A_678 = vector.broadcast %broadcast_in_dim3A_677 : vector<1x256xf32> to vector<192x256xf32>
    %eq3A_679 = arith.cmpf oeq, %select_n3A_674, %eq3A_678 : vector<192x256xf32>
    %jit3A_680 = arith.constant 0x7F800000 : f32
    %broadcast_in_dim3A_681 = vector.broadcast %jit3A_680 : f32 to vector<192x256xf32>
    %select_n3A_682 = arith.select %eq3A_679, %broadcast_in_dim3A_681, %select_n3A_666 : vector<192x256xi1>, vector<192x256xf32>
    %reduce_min3A_683 = arith.constant dense<0x7F800000> : vector<256xf32>
    %reduce_min3A_684 = vector.multi_reduction <minimumf>, %select_n3A_682, %reduce_min3A_683 [0] : vector<192x256xf32> to vector<256xf32>
    %broadcast_in_dim3A_685 = vector.shape_cast %reduce_min3A_684 : vector<256xf32> to vector<1x256xf32>
    %eq3A_686 = vector.broadcast %broadcast_in_dim3A_685 : vector<1x256xf32> to vector<192x256xf32>
    %eq3A_687 = arith.cmpf oeq, %select_n3A_682, %eq3A_686 : vector<192x256xf32>
    %jit3A_688 = arith.constant 1.000000e+09 : f32
    %broadcast_in_dim3A_689 = vector.broadcast %jit3A_688 : f32 to vector<192x256xf32>
    %select_n3A_690 = arith.select %eq3A_687, %concatenate3A_475, %broadcast_in_dim3A_689 : vector<192x256xi1>, vector<192x256xf32>
    %reduce_min3A_691 = arith.constant dense<0x7F800000> : vector<256xf32>
    %reduce_min3A_692 = vector.multi_reduction <minimumf>, %select_n3A_690, %reduce_min3A_691 [0] : vector<192x256xf32> to vector<256xf32>
    %broadcast_in_dim3A_693 = vector.shape_cast %reduce_min3A_692 : vector<256xf32> to vector<1x256xf32>
    %eq3A_694 = vector.broadcast %broadcast_in_dim3A_693 : vector<1x256xf32> to vector<192x256xf32>
    %eq3A_695 = arith.cmpf oeq, %select_n3A_690, %eq3A_694 : vector<192x256xf32>
    %jit3A_696 = arith.constant 0x7F800000 : f32
    %broadcast_in_dim3A_697 = vector.broadcast %jit3A_696 : f32 to vector<192x256xf32>
    %select_n3A_698 = arith.select %eq3A_695, %broadcast_in_dim3A_697, %select_n3A_682 : vector<192x256xi1>, vector<192x256xf32>
    %reduce_min3A_699 = arith.constant dense<0x7F800000> : vector<256xf32>
    %reduce_min3A_700 = vector.multi_reduction <minimumf>, %select_n3A_698, %reduce_min3A_699 [0] : vector<192x256xf32> to vector<256xf32>
    %broadcast_in_dim3A_701 = vector.shape_cast %reduce_min3A_700 : vector<256xf32> to vector<1x256xf32>
    %eq3A_702 = vector.broadcast %broadcast_in_dim3A_701 : vector<1x256xf32> to vector<192x256xf32>
    %eq3A_703 = arith.cmpf oeq, %select_n3A_698, %eq3A_702 : vector<192x256xf32>
    %jit3A_704 = arith.constant 1.000000e+09 : f32
    %broadcast_in_dim3A_705 = vector.broadcast %jit3A_704 : f32 to vector<192x256xf32>
    %select_n3A_706 = arith.select %eq3A_703, %concatenate3A_475, %broadcast_in_dim3A_705 : vector<192x256xi1>, vector<192x256xf32>
    %reduce_min3A_707 = arith.constant dense<0x7F800000> : vector<256xf32>
    %reduce_min3A_708 = vector.multi_reduction <minimumf>, %select_n3A_706, %reduce_min3A_707 [0] : vector<192x256xf32> to vector<256xf32>
    %broadcast_in_dim3A_709 = vector.shape_cast %reduce_min3A_708 : vector<256xf32> to vector<1x256xf32>
    %eq3A_710 = vector.broadcast %broadcast_in_dim3A_709 : vector<1x256xf32> to vector<192x256xf32>
    %eq3A_711 = arith.cmpf oeq, %select_n3A_706, %eq3A_710 : vector<192x256xf32>
    %jit3A_712 = arith.constant 0x7F800000 : f32
    %broadcast_in_dim3A_713 = vector.broadcast %jit3A_712 : f32 to vector<192x256xf32>
    %select_n3A_714 = arith.select %eq3A_711, %broadcast_in_dim3A_713, %select_n3A_698 : vector<192x256xi1>, vector<192x256xf32>
    %reduce_min3A_715 = arith.constant dense<0x7F800000> : vector<256xf32>
    %reduce_min3A_716 = vector.multi_reduction <minimumf>, %select_n3A_714, %reduce_min3A_715 [0] : vector<192x256xf32> to vector<256xf32>
    %broadcast_in_dim3A_717 = vector.shape_cast %reduce_min3A_716 : vector<256xf32> to vector<1x256xf32>
    %eq3A_718 = vector.broadcast %broadcast_in_dim3A_717 : vector<1x256xf32> to vector<192x256xf32>
    %eq3A_719 = arith.cmpf oeq, %select_n3A_714, %eq3A_718 : vector<192x256xf32>
    %jit3A_720 = arith.constant 1.000000e+09 : f32
    %broadcast_in_dim3A_721 = vector.broadcast %jit3A_720 : f32 to vector<192x256xf32>
    %select_n3A_722 = arith.select %eq3A_719, %concatenate3A_475, %broadcast_in_dim3A_721 : vector<192x256xi1>, vector<192x256xf32>
    %reduce_min3A_723 = arith.constant dense<0x7F800000> : vector<256xf32>
    %reduce_min3A_724 = vector.multi_reduction <minimumf>, %select_n3A_722, %reduce_min3A_723 [0] : vector<192x256xf32> to vector<256xf32>
    %broadcast_in_dim3A_725 = vector.shape_cast %reduce_min3A_724 : vector<256xf32> to vector<1x256xf32>
    %concatenate3A_726 = tpu.concatenate %broadcast_in_dim3A_485, %broadcast_in_dim3A_501, %broadcast_in_dim3A_517, %broadcast_in_dim3A_533, %broadcast_in_dim3A_549, %broadcast_in_dim3A_565, %broadcast_in_dim3A_581, %broadcast_in_dim3A_597, %broadcast_in_dim3A_613, %broadcast_in_dim3A_629, %broadcast_in_dim3A_645, %broadcast_in_dim3A_661, %broadcast_in_dim3A_677, %broadcast_in_dim3A_693, %broadcast_in_dim3A_709, %broadcast_in_dim3A_725 in 0 : vector<1x256xf32>, vector<1x256xf32>, vector<1x256xf32>, vector<1x256xf32>, vector<1x256xf32>, vector<1x256xf32>, vector<1x256xf32>, vector<1x256xf32>, vector<1x256xf32>, vector<1x256xf32>, vector<1x256xf32>, vector<1x256xf32>, vector<1x256xf32>, vector<1x256xf32>, vector<1x256xf32>, vector<1x256xf32> -> vector<16x256xf32>
    %convert_element_type3A_727 = arith.fptosi %concatenate3A_726 : vector<16x256xf32> to vector<16x256xi32>
    %mul3A_728 = arith.constant 4096 : i32
    %mul3A_729 = arith.muli %arg0, %mul3A_728 : i32
    %add3A_730 = vector.broadcast %mul3A_729 : i32 to vector<16x256xi32>
    %add3A_731 = arith.addi %convert_element_type3A_727, %add3A_730 : vector<16x256xi32>
    %swap3A = arith.constant 0 : index
    %swap3A_732 = arith.constant 0 : index
    %swap3A_733 = arith.constant 0 : index
    %swap3A_734 = vector.load %arg13[%swap3A, %swap3A_732, %swap3A_733] : memref<1x16x256xi32, #tpu.memory_space<vmem>>, vector<1x16x256xi32>
    %swap3A_735 = vector.shape_cast %swap3A_734 : vector<1x16x256xi32> to vector<16x256xi32>
    %swap3A_736 = vector.shape_cast %add3A_731 : vector<16x256xi32> to vector<1x16x256xi32>
    tpu.vector_store %arg13[%swap3A, %swap3A_732, %swap3A_733], %swap3A_736 {strides = array<i32>} : memref<1x16x256xi32, #tpu.memory_space<vmem>>, vector<1x16x256xi32>,
    %slice3A_737 = vector.extract_strided_slice %select_n3A_471 {offsets = [0, 64, 0], sizes = [32, 64, 256], strides = [1, 1, 1]} : vector<32x128x256xf32> to vector<32x64x256xf32>
    %slice3A_738 = vector.extract_strided_slice %select_n3A_471 {offsets = [0, 0, 0], sizes = [32, 64, 256], strides = [1, 1, 1]} : vector<32x128x256xf32> to vector<32x64x256xf32>
    %min3A = arith.minimumf %slice3A_737, %slice3A_738 : vector<32x64x256xf32>
    %slice3A_739 = vector.extract_strided_slice %min3A {offsets = [0, 32, 0], sizes = [32, 32, 256], strides = [1, 1, 1]} : vector<32x64x256xf32> to vector<32x32x256xf32>
    %slice3A_740 = vector.extract_strided_slice %min3A {offsets = [0, 0, 0], sizes = [32, 32, 256], strides = [1, 1, 1]} : vector<32x64x256xf32> to vector<32x32x256xf32>
    %min3A_741 = arith.minimumf %slice3A_739, %slice3A_740 : vector<32x32x256xf32>
    %slice3A_742 = vector.extract_strided_slice %min3A_741 {offsets = [0, 16, 0], sizes = [32, 16, 256], strides = [1, 1, 1]} : vector<32x32x256xf32> to vector<32x16x256xf32>
    %slice3A_743 = vector.extract_strided_slice %min3A_741 {offsets = [0, 0, 0], sizes = [32, 16, 256], strides = [1, 1, 1]} : vector<32x32x256xf32> to vector<32x16x256xf32>
    %min3A_744 = arith.minimumf %slice3A_742, %slice3A_743 : vector<32x16x256xf32>
    %slice3A_745 = vector.extract_strided_slice %min3A_744 {offsets = [0, 8, 0], sizes = [32, 8, 256], strides = [1, 1, 1]} : vector<32x16x256xf32> to vector<32x8x256xf32>
    %slice3A_746 = vector.extract_strided_slice %min3A_744 {offsets = [0, 0, 0], sizes = [32, 8, 256], strides = [1, 1, 1]} : vector<32x16x256xf32> to vector<32x8x256xf32>
    %min3A_747 = arith.minimumf %slice3A_745, %slice3A_746 : vector<32x8x256xf32>
    %slice3A_748 = vector.extract_strided_slice %min3A_747 {offsets = [0, 4, 0], sizes = [32, 4, 256], strides = [1, 1, 1]} : vector<32x8x256xf32> to vector<32x4x256xf32>
    %slice3A_749 = vector.extract_strided_slice %min3A_747 {offsets = [0, 0, 0], sizes = [32, 4, 256], strides = [1, 1, 1]} : vector<32x8x256xf32> to vector<32x4x256xf32>
    %min3A_750 = arith.minimumf %slice3A_748, %slice3A_749 : vector<32x4x256xf32>
    %slice3A_751 = vector.extract_strided_slice %min3A_750 {offsets = [0, 2, 0], sizes = [32, 2, 256], strides = [1, 1, 1]} : vector<32x4x256xf32> to vector<32x2x256xf32>
    %slice3A_752 = vector.extract_strided_slice %min3A_750 {offsets = [0, 0, 0], sizes = [32, 2, 256], strides = [1, 1, 1]} : vector<32x4x256xf32> to vector<32x2x256xf32>
    %min3A_753 = arith.minimumf %slice3A_751, %slice3A_752 : vector<32x2x256xf32>
    %slice3A_754 = vector.extract_strided_slice %min3A_753 {offsets = [0, 1, 0], sizes = [32, 1, 256], strides = [1, 1, 1]} : vector<32x2x256xf32> to vector<32x1x256xf32>
    %slice3A_755 = vector.extract_strided_slice %min3A_753 {offsets = [0, 0, 0], sizes = [32, 1, 256], strides = [1, 1, 1]} : vector<32x2x256xf32> to vector<32x1x256xf32>
    %min3A_756 = arith.minimumf %slice3A_754, %slice3A_755 : vector<32x1x256xf32>
    %reshape3A_757 = vector.shape_cast %min3A_756 : vector<32x1x256xf32> to vector<32x256xf32>
    %reduce_min3A_758 = arith.constant dense<0x7F800000> : vector<256xf32>
    %reduce_min3A_759 = vector.multi_reduction <minimumf>, %reshape3A_757, %reduce_min3A_758 [0] : vector<32x256xf32> to vector<256xf32>
    %broadcast_in_dim3A_760 = vector.shape_cast %reduce_min3A_759 : vector<256xf32> to vector<1x256xf32>
    %le3A = arith.cmpf ole, %broadcast_in_dim3A_760, %broadcast_in_dim3A_717 : vector<1x256xf32>
    %reduce_or3A = arith.constant 1.000000e+00 : f32
    %reduce_or3A_761 = arith.constant 0.000000e+00 : f32
    %reduce_or3A_762 = vector.broadcast %reduce_or3A : f32 to vector<1x256xf32>
    %reduce_or3A_763 = vector.broadcast %reduce_or3A_761 : f32 to vector<1x256xf32>
    %reduce_or3A_764 = arith.select %le3A, %reduce_or3A_762, %reduce_or3A_763 : vector<1x256xi1>, vector<1x256xf32>
    %reduce_or3A_765 = vector.shape_cast %reduce_or3A_764 : vector<1x256xf32> to vector<1x1x256xf32>
    %reduce_or3A_766 = arith.constant dense<0xFF800000> : vector<1xf32>
    %reduce_or3A_767 = vector.multi_reduction <maximumf>, %reduce_or3A_765, %reduce_or3A_766 [1, 2] : vector<1x1x256xf32> to vector<1xf32>
    %reduce_or3A_768 = vector.shape_cast %reduce_or3A_767 : vector<1xf32> to vector<1x1x1xf32>
    %reduce_or3A_769 = vector.extract %reduce_or3A_768[0, 0, 0] : f32 from vector<1x1x1xf32>
    %reduce_or3A_770 = arith.constant 0.000000e+00 : f32
    %reduce_or3A_771 = arith.cmpf ogt, %reduce_or3A_769, %reduce_or3A_770 : f32
    %convert_element_type3A_772 = arith.extui %reduce_or3A_771 : i1 to i32
    %cond3A = arith.constant 1.000000e+09 : f32
    %cond3A_773 = arith.constant 0 : i32
    %cond3A_774 = arith.cmpi ne, %convert_element_type3A_772, %cond3A_773 : i32
    scf.if %cond3A_774 {
      %convert_element_type3A_839 = arith.truncf %slice3A_12 : vector<4096x1xf32> to vector<4096x1xbf16>
      %convert_element_type3A_840 = arith.extf %convert_element_type3A_839 : vector<4096x1xbf16> to vector<4096x1xf32>
      %convert_element_type3A_841 = arith.truncf %slice3A : vector<1x256xf32> to vector<1x256xbf16>
      %convert_element_type3A_842 = arith.extf %convert_element_type3A_841 : vector<1x256xbf16> to vector<1x256xf32>
      %mul3A_843 = vector.broadcast %convert_element_type3A_840 : vector<4096x1xf32> to vector<4096x256xf32>
      %mul3A_844 = vector.broadcast %convert_element_type3A_842 : vector<1x256xf32> to vector<4096x256xf32>
      %mul3A_845 = arith.mulf %mul3A_843, %mul3A_844 : vector<4096x256xf32>
      %convert_element_type3A_846 = arith.truncf %slice3A_13 : vector<4096x1xf32> to vector<4096x1xbf16>
      %convert_element_type3A_847 = arith.extf %convert_element_type3A_846 : vector<4096x1xbf16> to vector<4096x1xf32>
      %convert_element_type3A_848 = arith.truncf %slice3A_4 : vector<1x256xf32> to vector<1x256xbf16>
      %convert_element_type3A_849 = arith.extf %convert_element_type3A_848 : vector<1x256xbf16> to vector<1x256xf32>
      %mul3A_850 = vector.broadcast %convert_element_type3A_847 : vector<4096x1xf32> to vector<4096x256xf32>
      %mul3A_851 = vector.broadcast %convert_element_type3A_849 : vector<1x256xf32> to vector<4096x256xf32>
      %mul3A_852 = arith.mulf %mul3A_850, %mul3A_851 : vector<4096x256xf32>
      %add3A_853 = arith.addf %mul3A_845, %mul3A_852 : vector<4096x256xf32>
      %convert_element_type3A_854 = arith.truncf %slice3A_14 : vector<4096x1xf32> to vector<4096x1xbf16>
      %convert_element_type3A_855 = arith.extf %convert_element_type3A_854 : vector<4096x1xbf16> to vector<4096x1xf32>
      %convert_element_type3A_856 = arith.truncf %slice3A_5 : vector<1x256xf32> to vector<1x256xbf16>
      %convert_element_type3A_857 = arith.extf %convert_element_type3A_856 : vector<1x256xbf16> to vector<1x256xf32>
      %mul3A_858 = vector.broadcast %convert_element_type3A_855 : vector<4096x1xf32> to vector<4096x256xf32>
      %mul3A_859 = vector.broadcast %convert_element_type3A_857 : vector<1x256xf32> to vector<4096x256xf32>
      %mul3A_860 = arith.mulf %mul3A_858, %mul3A_859 : vector<4096x256xf32>
      %add3A_861 = arith.addf %add3A_853, %mul3A_860 : vector<4096x256xf32>
      %add3A_862 = vector.broadcast %add3A_8 : vector<1x256xf32> to vector<4096x256xf32>
      %add3A_863 = vector.broadcast %add3A_19 : vector<4096x1xf32> to vector<4096x256xf32>
      %add3A_864 = arith.addf %add3A_862, %add3A_863 : vector<4096x256xf32>
      %mul3A_865 = arith.constant 2.000000e+00 : f32
      %mul3A_866 = vector.broadcast %mul3A_865 : f32 to vector<4096x256xf32>
      %mul3A_867 = arith.mulf %mul3A_866, %add3A_861 : vector<4096x256xf32>
      %sub3A_868 = arith.subf %add3A_864, %mul3A_867 : vector<4096x256xf32>
      %reshape3A_869 = vector.shape_cast %sub3A_868 : vector<4096x256xf32> to vector<32x128x256xf32>
      %reshape3A_870 = vector.shape_cast %mul3A_53 : vector<32x256xf32> to vector<32x1x256xf32>
      %add3A_871 = vector.broadcast %reshape3A_870 : vector<32x1x256xf32> to vector<32x128x256xf32>
      %add3A_872 = arith.addf %convert_element_type3A_48, %add3A_871 : vector<32x128x256xf32>
      %reduce_min3A_873 = arith.constant dense<0x7F800000> : vector<32x256xf32>
      %reduce_min3A_874 = vector.multi_reduction <minimumf>, %reshape3A_869, %reduce_min3A_873 [1] : vector<32x128x256xf32> to vector<32x256xf32>
      %reduce_min3A_875 = arith.constant dense<0x7F800000> : vector<256xf32>
      %reduce_min3A_876 = vector.multi_reduction <minimumf>, %reduce_min3A_874, %reduce_min3A_875 [0] : vector<32x256xf32> to vector<256xf32>
      %broadcast_in_dim3A_877 = vector.shape_cast %reduce_min3A_876 : vector<256xf32> to vector<1x256xf32>
      %reshape3A_878 = vector.shape_cast %broadcast_in_dim3A_877 : vector<1x256xf32> to vector<1x1x256xf32>
      %eq3A_879 = vector.broadcast %reshape3A_878 : vector<1x1x256xf32> to vector<32x128x256xf32>
      %eq3A_880 = arith.cmpf oeq, %reshape3A_869, %eq3A_879 : vector<32x128x256xf32>
      %broadcast_in_dim3A_881 = vector.broadcast %cond3A : f32 to vector<32x128x256xf32>
      %select_n3A_882 = arith.select %eq3A_880, %add3A_872, %broadcast_in_dim3A_881 : vector<32x128x256xi1>, vector<32x128x256xf32>
      %reduce_min3A_883 = arith.constant dense<0x7F800000> : vector<32x256xf32>
      %reduce_min3A_884 = vector.multi_reduction <minimumf>, %select_n3A_882, %reduce_min3A_883 [1] : vector<32x128x256xf32> to vector<32x256xf32>
      %reduce_min3A_885 = arith.constant dense<0x7F800000> : vector<256xf32>
      %reduce_min3A_886 = vector.multi_reduction <minimumf>, %reduce_min3A_884, %reduce_min3A_885 [0] : vector<32x256xf32> to vector<256xf32>
      %broadcast_in_dim3A_887 = vector.shape_cast %reduce_min3A_886 : vector<256xf32> to vector<1x256xf32>
      %reshape3A_888 = vector.shape_cast %broadcast_in_dim3A_887 : vector<1x256xf32> to vector<1x1x256xf32>
      %eq3A_889 = vector.broadcast %reshape3A_888 : vector<1x1x256xf32> to vector<32x128x256xf32>
      %eq3A_890 = arith.cmpf oeq, %select_n3A_882, %eq3A_889 : vector<32x128x256xf32>
      %jit3A_891 = arith.constant 0x7F800000 : f32
      %broadcast_in_dim3A_892 = vector.broadcast %jit3A_891 : f32 to vector<32x128x256xf32>
      %select_n3A_893 = arith.select %eq3A_890, %broadcast_in_dim3A_892, %reshape3A_869 : vector<32x128x256xi1>, vector<32x128x256xf32>
      %reduce_min3A_894 = arith.constant dense<0x7F800000> : vector<32x256xf32>
      %reduce_min3A_895 = vector.multi_reduction <minimumf>, %select_n3A_893, %reduce_min3A_894 [1] : vector<32x128x256xf32> to vector<32x256xf32>
      %reduce_min3A_896 = arith.constant dense<0x7F800000> : vector<256xf32>
      %reduce_min3A_897 = vector.multi_reduction <minimumf>, %reduce_min3A_895, %reduce_min3A_896 [0] : vector<32x256xf32> to vector<256xf32>
      %broadcast_in_dim3A_898 = vector.shape_cast %reduce_min3A_897 : vector<256xf32> to vector<1x256xf32>
      %reshape3A_899 = vector.shape_cast %broadcast_in_dim3A_898 : vector<1x256xf32> to vector<1x1x256xf32>
      %eq3A_900 = vector.broadcast %reshape3A_899 : vector<1x1x256xf32> to vector<32x128x256xf32>
      %eq3A_901 = arith.cmpf oeq, %select_n3A_893, %eq3A_900 : vector<32x128x256xf32>
      %broadcast_in_dim3A_902 = vector.broadcast %cond3A : f32 to vector<32x128x256xf32>
      %select_n3A_903 = arith.select %eq3A_901, %add3A_872, %broadcast_in_dim3A_902 : vector<32x128x256xi1>, vector<32x128x256xf32>
      %reduce_min3A_904 = arith.constant dense<0x7F800000> : vector<32x256xf32>
      %reduce_min3A_905 = vector.multi_reduction <minimumf>, %select_n3A_903, %reduce_min3A_904 [1] : vector<32x128x256xf32> to vector<32x256xf32>
      %reduce_min3A_906 = arith.constant dense<0x7F800000> : vector<256xf32>
      %reduce_min3A_907 = vector.multi_reduction <minimumf>, %reduce_min3A_905, %reduce_min3A_906 [0] : vector<32x256xf32> to vector<256xf32>
      %broadcast_in_dim3A_908 = vector.shape_cast %reduce_min3A_907 : vector<256xf32> to vector<1x256xf32>
      %reshape3A_909 = vector.shape_cast %broadcast_in_dim3A_908 : vector<1x256xf32> to vector<1x1x256xf32>
      %eq3A_910 = vector.broadcast %reshape3A_909 : vector<1x1x256xf32> to vector<32x128x256xf32>
      %eq3A_911 = arith.cmpf oeq, %select_n3A_903, %eq3A_910 : vector<32x128x256xf32>
      %jit3A_912 = arith.constant 0x7F800000 : f32
      %broadcast_in_dim3A_913 = vector.broadcast %jit3A_912 : f32 to vector<32x128x256xf32>
      %select_n3A_914 = arith.select %eq3A_911, %broadcast_in_dim3A_913, %select_n3A_893 : vector<32x128x256xi1>, vector<32x128x256xf32>
      %reduce_min3A_915 = arith.constant dense<0x7F800000> : vector<32x256xf32>
      %reduce_min3A_916 = vector.multi_reduction <minimumf>, %select_n3A_914, %reduce_min3A_915 [1] : vector<32x128x256xf32> to vector<32x256xf32>
      %reduce_min3A_917 = arith.constant dense<0x7F800000> : vector<256xf32>
      %reduce_min3A_918 = vector.multi_reduction <minimumf>, %reduce_min3A_916, %reduce_min3A_917 [0] : vector<32x256xf32> to vector<256xf32>
      %broadcast_in_dim3A_919 = vector.shape_cast %reduce_min3A_918 : vector<256xf32> to vector<1x256xf32>
      %reshape3A_920 = vector.shape_cast %broadcast_in_dim3A_919 : vector<1x256xf32> to vector<1x1x256xf32>
      %eq3A_921 = vector.broadcast %reshape3A_920 : vector<1x1x256xf32> to vector<32x128x256xf32>
      %eq3A_922 = arith.cmpf oeq, %select_n3A_914, %eq3A_921 : vector<32x128x256xf32>
      %broadcast_in_dim3A_923 = vector.broadcast %cond3A : f32 to vector<32x128x256xf32>
      %select_n3A_924 = arith.select %eq3A_922, %add3A_872, %broadcast_in_dim3A_923 : vector<32x128x256xi1>, vector<32x128x256xf32>
      %reduce_min3A_925 = arith.constant dense<0x7F800000> : vector<32x256xf32>
      %reduce_min3A_926 = vector.multi_reduction <minimumf>, %select_n3A_924, %reduce_min3A_925 [1] : vector<32x128x256xf32> to vector<32x256xf32>
      %reduce_min3A_927 = arith.constant dense<0x7F800000> : vector<256xf32>
      %reduce_min3A_928 = vector.multi_reduction <minimumf>, %reduce_min3A_926, %reduce_min3A_927 [0] : vector<32x256xf32> to vector<256xf32>
      %broadcast_in_dim3A_929 = vector.shape_cast %reduce_min3A_928 : vector<256xf32> to vector<1x256xf32>
      %reshape3A_930 = vector.shape_cast %broadcast_in_dim3A_929 : vector<1x256xf32> to vector<1x1x256xf32>
      %eq3A_931 = vector.broadcast %reshape3A_930 : vector<1x1x256xf32> to vector<32x128x256xf32>
      %eq3A_932 = arith.cmpf oeq, %select_n3A_924, %eq3A_931 : vector<32x128x256xf32>
      %jit3A_933 = arith.constant 0x7F800000 : f32
      %broadcast_in_dim3A_934 = vector.broadcast %jit3A_933 : f32 to vector<32x128x256xf32>
      %select_n3A_935 = arith.select %eq3A_932, %broadcast_in_dim3A_934, %select_n3A_914 : vector<32x128x256xi1>, vector<32x128x256xf32>
      %reduce_min3A_936 = arith.constant dense<0x7F800000> : vector<32x256xf32>
      %reduce_min3A_937 = vector.multi_reduction <minimumf>, %select_n3A_935, %reduce_min3A_936 [1] : vector<32x128x256xf32> to vector<32x256xf32>
      %reduce_min3A_938 = arith.constant dense<0x7F800000> : vector<256xf32>
      %reduce_min3A_939 = vector.multi_reduction <minimumf>, %reduce_min3A_937, %reduce_min3A_938 [0] : vector<32x256xf32> to vector<256xf32>
      %broadcast_in_dim3A_940 = vector.shape_cast %reduce_min3A_939 : vector<256xf32> to vector<1x256xf32>
      %reshape3A_941 = vector.shape_cast %broadcast_in_dim3A_940 : vector<1x256xf32> to vector<1x1x256xf32>
      %eq3A_942 = vector.broadcast %reshape3A_941 : vector<1x1x256xf32> to vector<32x128x256xf32>
      %eq3A_943 = arith.cmpf oeq, %select_n3A_935, %eq3A_942 : vector<32x128x256xf32>
      %broadcast_in_dim3A_944 = vector.broadcast %cond3A : f32 to vector<32x128x256xf32>
      %select_n3A_945 = arith.select %eq3A_943, %add3A_872, %broadcast_in_dim3A_944 : vector<32x128x256xi1>, vector<32x128x256xf32>
      %reduce_min3A_946 = arith.constant dense<0x7F800000> : vector<32x256xf32>
      %reduce_min3A_947 = vector.multi_reduction <minimumf>, %select_n3A_945, %reduce_min3A_946 [1] : vector<32x128x256xf32> to vector<32x256xf32>
      %reduce_min3A_948 = arith.constant dense<0x7F800000> : vector<256xf32>
      %reduce_min3A_949 = vector.multi_reduction <minimumf>, %reduce_min3A_947, %reduce_min3A_948 [0] : vector<32x256xf32> to vector<256xf32>
      %broadcast_in_dim3A_950 = vector.shape_cast %reduce_min3A_949 : vector<256xf32> to vector<1x256xf32>
      %reshape3A_951 = vector.shape_cast %broadcast_in_dim3A_950 : vector<1x256xf32> to vector<1x1x256xf32>
      %eq3A_952 = vector.broadcast %reshape3A_951 : vector<1x1x256xf32> to vector<32x128x256xf32>
      %eq3A_953 = arith.cmpf oeq, %select_n3A_945, %eq3A_952 : vector<32x128x256xf32>
      %jit3A_954 = arith.constant 0x7F800000 : f32
      %broadcast_in_dim3A_955 = vector.broadcast %jit3A_954 : f32 to vector<32x128x256xf32>
      %select_n3A_956 = arith.select %eq3A_953, %broadcast_in_dim3A_955, %select_n3A_935 : vector<32x128x256xi1>, vector<32x128x256xf32>
      %reduce_min3A_957 = arith.constant dense<0x7F800000> : vector<32x256xf32>
      %reduce_min3A_958 = vector.multi_reduction <minimumf>, %select_n3A_956, %reduce_min3A_957 [1] : vector<32x128x256xf32> to vector<32x256xf32>
      %reduce_min3A_959 = arith.constant dense<0x7F800000> : vector<256xf32>
      %reduce_min3A_960 = vector.multi_reduction <minimumf>, %reduce_min3A_958, %reduce_min3A_959 [0] : vector<32x256xf32> to vector<256xf32>
      %broadcast_in_dim3A_961 = vector.shape_cast %reduce_min3A_960 : vector<256xf32> to vector<1x256xf32>
      %reshape3A_962 = vector.shape_cast %broadcast_in_dim3A_961 : vector<1x256xf32> to vector<1x1x256xf32>
      %eq3A_963 = vector.broadcast %reshape3A_962 : vector<1x1x256xf32> to vector<32x128x256xf32>
      %eq3A_964 = arith.cmpf oeq, %select_n3A_956, %eq3A_963 : vector<32x128x256xf32>
      %broadcast_in_dim3A_965 = vector.broadcast %cond3A : f32 to vector<32x128x256xf32>
      %select_n3A_966 = arith.select %eq3A_964, %add3A_872, %broadcast_in_dim3A_965 : vector<32x128x256xi1>, vector<32x128x256xf32>
      %reduce_min3A_967 = arith.constant dense<0x7F800000> : vector<32x256xf32>
      %reduce_min3A_968 = vector.multi_reduction <minimumf>, %select_n3A_966, %reduce_min3A_967 [1] : vector<32x128x256xf32> to vector<32x256xf32>
      %reduce_min3A_969 = arith.constant dense<0x7F800000> : vector<256xf32>
      %reduce_min3A_970 = vector.multi_reduction <minimumf>, %reduce_min3A_968, %reduce_min3A_969 [0] : vector<32x256xf32> to vector<256xf32>
      %broadcast_in_dim3A_971 = vector.shape_cast %reduce_min3A_970 : vector<256xf32> to vector<1x256xf32>
      %reshape3A_972 = vector.shape_cast %broadcast_in_dim3A_971 : vector<1x256xf32> to vector<1x1x256xf32>
      %eq3A_973 = vector.broadcast %reshape3A_972 : vector<1x1x256xf32> to vector<32x128x256xf32>
      %eq3A_974 = arith.cmpf oeq, %select_n3A_966, %eq3A_973 : vector<32x128x256xf32>
      %jit3A_975 = arith.constant 0x7F800000 : f32
      %broadcast_in_dim3A_976 = vector.broadcast %jit3A_975 : f32 to vector<32x128x256xf32>
      %select_n3A_977 = arith.select %eq3A_974, %broadcast_in_dim3A_976, %select_n3A_956 : vector<32x128x256xi1>, vector<32x128x256xf32>
      %reduce_min3A_978 = arith.constant dense<0x7F800000> : vector<32x256xf32>
      %reduce_min3A_979 = vector.multi_reduction <minimumf>, %select_n3A_977, %reduce_min3A_978 [1] : vector<32x128x256xf32> to vector<32x256xf32>
      %reduce_min3A_980 = arith.constant dense<0x7F800000> : vector<256xf32>
      %reduce_min3A_981 = vector.multi_reduction <minimumf>, %reduce_min3A_979, %reduce_min3A_980 [0] : vector<32x256xf32> to vector<256xf32>
      %broadcast_in_dim3A_982 = vector.shape_cast %reduce_min3A_981 : vector<256xf32> to vector<1x256xf32>
      %reshape3A_983 = vector.shape_cast %broadcast_in_dim3A_982 : vector<1x256xf32> to vector<1x1x256xf32>
      %eq3A_984 = vector.broadcast %reshape3A_983 : vector<1x1x256xf32> to vector<32x128x256xf32>
      %eq3A_985 = arith.cmpf oeq, %select_n3A_977, %eq3A_984 : vector<32x128x256xf32>
      %broadcast_in_dim3A_986 = vector.broadcast %cond3A : f32 to vector<32x128x256xf32>
      %select_n3A_987 = arith.select %eq3A_985, %add3A_872, %broadcast_in_dim3A_986 : vector<32x128x256xi1>, vector<32x128x256xf32>
      %reduce_min3A_988 = arith.constant dense<0x7F800000> : vector<32x256xf32>
      %reduce_min3A_989 = vector.multi_reduction <minimumf>, %select_n3A_987, %reduce_min3A_988 [1] : vector<32x128x256xf32> to vector<32x256xf32>
      %reduce_min3A_990 = arith.constant dense<0x7F800000> : vector<256xf32>
      %reduce_min3A_991 = vector.multi_reduction <minimumf>, %reduce_min3A_989, %reduce_min3A_990 [0] : vector<32x256xf32> to vector<256xf32>
      %broadcast_in_dim3A_992 = vector.shape_cast %reduce_min3A_991 : vector<256xf32> to vector<1x256xf32>
      %reshape3A_993 = vector.shape_cast %broadcast_in_dim3A_992 : vector<1x256xf32> to vector<1x1x256xf32>
      %eq3A_994 = vector.broadcast %reshape3A_993 : vector<1x1x256xf32> to vector<32x128x256xf32>
      %eq3A_995 = arith.cmpf oeq, %select_n3A_987, %eq3A_994 : vector<32x128x256xf32>
      %jit3A_996 = arith.constant 0x7F800000 : f32
      %broadcast_in_dim3A_997 = vector.broadcast %jit3A_996 : f32 to vector<32x128x256xf32>
      %select_n3A_998 = arith.select %eq3A_995, %broadcast_in_dim3A_997, %select_n3A_977 : vector<32x128x256xi1>, vector<32x128x256xf32>
      %reduce_min3A_999 = arith.constant dense<0x7F800000> : vector<32x256xf32>
      %reduce_min3A_1000 = vector.multi_reduction <minimumf>, %select_n3A_998, %reduce_min3A_999 [1] : vector<32x128x256xf32> to vector<32x256xf32>
      %reduce_min3A_1001 = arith.constant dense<0x7F800000> : vector<256xf32>
      %reduce_min3A_1002 = vector.multi_reduction <minimumf>, %reduce_min3A_1000, %reduce_min3A_1001 [0] : vector<32x256xf32> to vector<256xf32>
      %broadcast_in_dim3A_1003 = vector.shape_cast %reduce_min3A_1002 : vector<256xf32> to vector<1x256xf32>
      %reshape3A_1004 = vector.shape_cast %broadcast_in_dim3A_1003 : vector<1x256xf32> to vector<1x1x256xf32>
      %eq3A_1005 = vector.broadcast %reshape3A_1004 : vector<1x1x256xf32> to vector<32x128x256xf32>
      %eq3A_1006 = arith.cmpf oeq, %select_n3A_998, %eq3A_1005 : vector<32x128x256xf32>
      %broadcast_in_dim3A_1007 = vector.broadcast %cond3A : f32 to vector<32x128x256xf32>
      %select_n3A_1008 = arith.select %eq3A_1006, %add3A_872, %broadcast_in_dim3A_1007 : vector<32x128x256xi1>, vector<32x128x256xf32>
      %reduce_min3A_1009 = arith.constant dense<0x7F800000> : vector<32x256xf32>
      %reduce_min3A_1010 = vector.multi_reduction <minimumf>, %select_n3A_1008, %reduce_min3A_1009 [1] : vector<32x128x256xf32> to vector<32x256xf32>
      %reduce_min3A_1011 = arith.constant dense<0x7F800000> : vector<256xf32>
      %reduce_min3A_1012 = vector.multi_reduction <minimumf>, %reduce_min3A_1010, %reduce_min3A_1011 [0] : vector<32x256xf32> to vector<256xf32>
      %broadcast_in_dim3A_1013 = vector.shape_cast %reduce_min3A_1012 : vector<256xf32> to vector<1x256xf32>
      %reshape3A_1014 = vector.shape_cast %broadcast_in_dim3A_1013 : vector<1x256xf32> to vector<1x1x256xf32>
      %eq3A_1015 = vector.broadcast %reshape3A_1014 : vector<1x1x256xf32> to vector<32x128x256xf32>
      %eq3A_1016 = arith.cmpf oeq, %select_n3A_1008, %eq3A_1015 : vector<32x128x256xf32>
      %jit3A_1017 = arith.constant 0x7F800000 : f32
      %broadcast_in_dim3A_1018 = vector.broadcast %jit3A_1017 : f32 to vector<32x128x256xf32>
      %select_n3A_1019 = arith.select %eq3A_1016, %broadcast_in_dim3A_1018, %select_n3A_998 : vector<32x128x256xi1>, vector<32x128x256xf32>
      %reduce_min3A_1020 = arith.constant dense<0x7F800000> : vector<32x256xf32>
      %reduce_min3A_1021 = vector.multi_reduction <minimumf>, %select_n3A_1019, %reduce_min3A_1020 [1] : vector<32x128x256xf32> to vector<32x256xf32>
      %reduce_min3A_1022 = arith.constant dense<0x7F800000> : vector<256xf32>
      %reduce_min3A_1023 = vector.multi_reduction <minimumf>, %reduce_min3A_1021, %reduce_min3A_1022 [0] : vector<32x256xf32> to vector<256xf32>
      %broadcast_in_dim3A_1024 = vector.shape_cast %reduce_min3A_1023 : vector<256xf32> to vector<1x256xf32>
      %reshape3A_1025 = vector.shape_cast %broadcast_in_dim3A_1024 : vector<1x256xf32> to vector<1x1x256xf32>
      %eq3A_1026 = vector.broadcast %reshape3A_1025 : vector<1x1x256xf32> to vector<32x128x256xf32>
      %eq3A_1027 = arith.cmpf oeq, %select_n3A_1019, %eq3A_1026 : vector<32x128x256xf32>
      %broadcast_in_dim3A_1028 = vector.broadcast %cond3A : f32 to vector<32x128x256xf32>
      %select_n3A_1029 = arith.select %eq3A_1027, %add3A_872, %broadcast_in_dim3A_1028 : vector<32x128x256xi1>, vector<32x128x256xf32>
      %reduce_min3A_1030 = arith.constant dense<0x7F800000> : vector<32x256xf32>
      %reduce_min3A_1031 = vector.multi_reduction <minimumf>, %select_n3A_1029, %reduce_min3A_1030 [1] : vector<32x128x256xf32> to vector<32x256xf32>
      %reduce_min3A_1032 = arith.constant dense<0x7F800000> : vector<256xf32>
      %reduce_min3A_1033 = vector.multi_reduction <minimumf>, %reduce_min3A_1031, %reduce_min3A_1032 [0] : vector<32x256xf32> to vector<256xf32>
      %broadcast_in_dim3A_1034 = vector.shape_cast %reduce_min3A_1033 : vector<256xf32> to vector<1x256xf32>
      %reshape3A_1035 = vector.shape_cast %broadcast_in_dim3A_1034 : vector<1x256xf32> to vector<1x1x256xf32>
      %eq3A_1036 = vector.broadcast %reshape3A_1035 : vector<1x1x256xf32> to vector<32x128x256xf32>
      %eq3A_1037 = arith.cmpf oeq, %select_n3A_1029, %eq3A_1036 : vector<32x128x256xf32>
      %jit3A_1038 = arith.constant 0x7F800000 : f32
      %broadcast_in_dim3A_1039 = vector.broadcast %jit3A_1038 : f32 to vector<32x128x256xf32>
      %select_n3A_1040 = arith.select %eq3A_1037, %broadcast_in_dim3A_1039, %select_n3A_1019 : vector<32x128x256xi1>, vector<32x128x256xf32>
      %reduce_min3A_1041 = arith.constant dense<0x7F800000> : vector<32x256xf32>
      %reduce_min3A_1042 = vector.multi_reduction <minimumf>, %select_n3A_1040, %reduce_min3A_1041 [1] : vector<32x128x256xf32> to vector<32x256xf32>
      %reduce_min3A_1043 = arith.constant dense<0x7F800000> : vector<256xf32>
      %reduce_min3A_1044 = vector.multi_reduction <minimumf>, %reduce_min3A_1042, %reduce_min3A_1043 [0] : vector<32x256xf32> to vector<256xf32>
      %broadcast_in_dim3A_1045 = vector.shape_cast %reduce_min3A_1044 : vector<256xf32> to vector<1x256xf32>
      %reshape3A_1046 = vector.shape_cast %broadcast_in_dim3A_1045 : vector<1x256xf32> to vector<1x1x256xf32>
      %eq3A_1047 = vector.broadcast %reshape3A_1046 : vector<1x1x256xf32> to vector<32x128x256xf32>
      %eq3A_1048 = arith.cmpf oeq, %select_n3A_1040, %eq3A_1047 : vector<32x128x256xf32>
      %broadcast_in_dim3A_1049 = vector.broadcast %cond3A : f32 to vector<32x128x256xf32>
      %select_n3A_1050 = arith.select %eq3A_1048, %add3A_872, %broadcast_in_dim3A_1049 : vector<32x128x256xi1>, vector<32x128x256xf32>
      %reduce_min3A_1051 = arith.constant dense<0x7F800000> : vector<32x256xf32>
      %reduce_min3A_1052 = vector.multi_reduction <minimumf>, %select_n3A_1050, %reduce_min3A_1051 [1] : vector<32x128x256xf32> to vector<32x256xf32>
      %reduce_min3A_1053 = arith.constant dense<0x7F800000> : vector<256xf32>
      %reduce_min3A_1054 = vector.multi_reduction <minimumf>, %reduce_min3A_1052, %reduce_min3A_1053 [0] : vector<32x256xf32> to vector<256xf32>
      %broadcast_in_dim3A_1055 = vector.shape_cast %reduce_min3A_1054 : vector<256xf32> to vector<1x256xf32>
      %reshape3A_1056 = vector.shape_cast %broadcast_in_dim3A_1055 : vector<1x256xf32> to vector<1x1x256xf32>
      %eq3A_1057 = vector.broadcast %reshape3A_1056 : vector<1x1x256xf32> to vector<32x128x256xf32>
      %eq3A_1058 = arith.cmpf oeq, %select_n3A_1050, %eq3A_1057 : vector<32x128x256xf32>
      %jit3A_1059 = arith.constant 0x7F800000 : f32
      %broadcast_in_dim3A_1060 = vector.broadcast %jit3A_1059 : f32 to vector<32x128x256xf32>
      %select_n3A_1061 = arith.select %eq3A_1058, %broadcast_in_dim3A_1060, %select_n3A_1040 : vector<32x128x256xi1>, vector<32x128x256xf32>
      %reduce_min3A_1062 = arith.constant dense<0x7F800000> : vector<32x256xf32>
      %reduce_min3A_1063 = vector.multi_reduction <minimumf>, %select_n3A_1061, %reduce_min3A_1062 [1] : vector<32x128x256xf32> to vector<32x256xf32>
      %reduce_min3A_1064 = arith.constant dense<0x7F800000> : vector<256xf32>
      %reduce_min3A_1065 = vector.multi_reduction <minimumf>, %reduce_min3A_1063, %reduce_min3A_1064 [0] : vector<32x256xf32> to vector<256xf32>
      %broadcast_in_dim3A_1066 = vector.shape_cast %reduce_min3A_1065 : vector<256xf32> to vector<1x256xf32>
      %reshape3A_1067 = vector.shape_cast %broadcast_in_dim3A_1066 : vector<1x256xf32> to vector<1x1x256xf32>
      %eq3A_1068 = vector.broadcast %reshape3A_1067 : vector<1x1x256xf32> to vector<32x128x256xf32>
      %eq3A_1069 = arith.cmpf oeq, %select_n3A_1061, %eq3A_1068 : vector<32x128x256xf32>
      %broadcast_in_dim3A_1070 = vector.broadcast %cond3A : f32 to vector<32x128x256xf32>
      %select_n3A_1071 = arith.select %eq3A_1069, %add3A_872, %broadcast_in_dim3A_1070 : vector<32x128x256xi1>, vector<32x128x256xf32>
      %reduce_min3A_1072 = arith.constant dense<0x7F800000> : vector<32x256xf32>
      %reduce_min3A_1073 = vector.multi_reduction <minimumf>, %select_n3A_1071, %reduce_min3A_1072 [1] : vector<32x128x256xf32> to vector<32x256xf32>
      %reduce_min3A_1074 = arith.constant dense<0x7F800000> : vector<256xf32>
      %reduce_min3A_1075 = vector.multi_reduction <minimumf>, %reduce_min3A_1073, %reduce_min3A_1074 [0] : vector<32x256xf32> to vector<256xf32>
      %broadcast_in_dim3A_1076 = vector.shape_cast %reduce_min3A_1075 : vector<256xf32> to vector<1x256xf32>
      %reshape3A_1077 = vector.shape_cast %broadcast_in_dim3A_1076 : vector<1x256xf32> to vector<1x1x256xf32>
      %eq3A_1078 = vector.broadcast %reshape3A_1077 : vector<1x1x256xf32> to vector<32x128x256xf32>
      %eq3A_1079 = arith.cmpf oeq, %select_n3A_1071, %eq3A_1078 : vector<32x128x256xf32>
      %jit3A_1080 = arith.constant 0x7F800000 : f32
      %broadcast_in_dim3A_1081 = vector.broadcast %jit3A_1080 : f32 to vector<32x128x256xf32>
      %select_n3A_1082 = arith.select %eq3A_1079, %broadcast_in_dim3A_1081, %select_n3A_1061 : vector<32x128x256xi1>, vector<32x128x256xf32>
      %reduce_min3A_1083 = arith.constant dense<0x7F800000> : vector<32x256xf32>
      %reduce_min3A_1084 = vector.multi_reduction <minimumf>, %select_n3A_1082, %reduce_min3A_1083 [1] : vector<32x128x256xf32> to vector<32x256xf32>
      %reduce_min3A_1085 = arith.constant dense<0x7F800000> : vector<256xf32>
      %reduce_min3A_1086 = vector.multi_reduction <minimumf>, %reduce_min3A_1084, %reduce_min3A_1085 [0] : vector<32x256xf32> to vector<256xf32>
      %broadcast_in_dim3A_1087 = vector.shape_cast %reduce_min3A_1086 : vector<256xf32> to vector<1x256xf32>
      %reshape3A_1088 = vector.shape_cast %broadcast_in_dim3A_1087 : vector<1x256xf32> to vector<1x1x256xf32>
      %eq3A_1089 = vector.broadcast %reshape3A_1088 : vector<1x1x256xf32> to vector<32x128x256xf32>
      %eq3A_1090 = arith.cmpf oeq, %select_n3A_1082, %eq3A_1089 : vector<32x128x256xf32>
      %broadcast_in_dim3A_1091 = vector.broadcast %cond3A : f32 to vector<32x128x256xf32>
      %select_n3A_1092 = arith.select %eq3A_1090, %add3A_872, %broadcast_in_dim3A_1091 : vector<32x128x256xi1>, vector<32x128x256xf32>
      %reduce_min3A_1093 = arith.constant dense<0x7F800000> : vector<32x256xf32>
      %reduce_min3A_1094 = vector.multi_reduction <minimumf>, %select_n3A_1092, %reduce_min3A_1093 [1] : vector<32x128x256xf32> to vector<32x256xf32>
      %reduce_min3A_1095 = arith.constant dense<0x7F800000> : vector<256xf32>
      %reduce_min3A_1096 = vector.multi_reduction <minimumf>, %reduce_min3A_1094, %reduce_min3A_1095 [0] : vector<32x256xf32> to vector<256xf32>
      %broadcast_in_dim3A_1097 = vector.shape_cast %reduce_min3A_1096 : vector<256xf32> to vector<1x256xf32>
      %reshape3A_1098 = vector.shape_cast %broadcast_in_dim3A_1097 : vector<1x256xf32> to vector<1x1x256xf32>
      %eq3A_1099 = vector.broadcast %reshape3A_1098 : vector<1x1x256xf32> to vector<32x128x256xf32>
      %eq3A_1100 = arith.cmpf oeq, %select_n3A_1092, %eq3A_1099 : vector<32x128x256xf32>
      %jit3A_1101 = arith.constant 0x7F800000 : f32
      %broadcast_in_dim3A_1102 = vector.broadcast %jit3A_1101 : f32 to vector<32x128x256xf32>
      %select_n3A_1103 = arith.select %eq3A_1100, %broadcast_in_dim3A_1102, %select_n3A_1082 : vector<32x128x256xi1>, vector<32x128x256xf32>
      %reduce_min3A_1104 = arith.constant dense<0x7F800000> : vector<32x256xf32>
      %reduce_min3A_1105 = vector.multi_reduction <minimumf>, %select_n3A_1103, %reduce_min3A_1104 [1] : vector<32x128x256xf32> to vector<32x256xf32>
      %reduce_min3A_1106 = arith.constant dense<0x7F800000> : vector<256xf32>
      %reduce_min3A_1107 = vector.multi_reduction <minimumf>, %reduce_min3A_1105, %reduce_min3A_1106 [0] : vector<32x256xf32> to vector<256xf32>
      %broadcast_in_dim3A_1108 = vector.shape_cast %reduce_min3A_1107 : vector<256xf32> to vector<1x256xf32>
      %reshape3A_1109 = vector.shape_cast %broadcast_in_dim3A_1108 : vector<1x256xf32> to vector<1x1x256xf32>
      %eq3A_1110 = vector.broadcast %reshape3A_1109 : vector<1x1x256xf32> to vector<32x128x256xf32>
      %eq3A_1111 = arith.cmpf oeq, %select_n3A_1103, %eq3A_1110 : vector<32x128x256xf32>
      %broadcast_in_dim3A_1112 = vector.broadcast %cond3A : f32 to vector<32x128x256xf32>
      %select_n3A_1113 = arith.select %eq3A_1111, %add3A_872, %broadcast_in_dim3A_1112 : vector<32x128x256xi1>, vector<32x128x256xf32>
      %reduce_min3A_1114 = arith.constant dense<0x7F800000> : vector<32x256xf32>
      %reduce_min3A_1115 = vector.multi_reduction <minimumf>, %select_n3A_1113, %reduce_min3A_1114 [1] : vector<32x128x256xf32> to vector<32x256xf32>
      %reduce_min3A_1116 = arith.constant dense<0x7F800000> : vector<256xf32>
      %reduce_min3A_1117 = vector.multi_reduction <minimumf>, %reduce_min3A_1115, %reduce_min3A_1116 [0] : vector<32x256xf32> to vector<256xf32>
      %broadcast_in_dim3A_1118 = vector.shape_cast %reduce_min3A_1117 : vector<256xf32> to vector<1x256xf32>
      %reshape3A_1119 = vector.shape_cast %broadcast_in_dim3A_1118 : vector<1x256xf32> to vector<1x1x256xf32>
      %eq3A_1120 = vector.broadcast %reshape3A_1119 : vector<1x1x256xf32> to vector<32x128x256xf32>
      %eq3A_1121 = arith.cmpf oeq, %select_n3A_1113, %eq3A_1120 : vector<32x128x256xf32>
      %jit3A_1122 = arith.constant 0x7F800000 : f32
      %broadcast_in_dim3A_1123 = vector.broadcast %jit3A_1122 : f32 to vector<32x128x256xf32>
      %select_n3A_1124 = arith.select %eq3A_1121, %broadcast_in_dim3A_1123, %select_n3A_1103 : vector<32x128x256xi1>, vector<32x128x256xf32>
      %reduce_min3A_1125 = arith.constant dense<0x7F800000> : vector<32x256xf32>
      %reduce_min3A_1126 = vector.multi_reduction <minimumf>, %select_n3A_1124, %reduce_min3A_1125 [1] : vector<32x128x256xf32> to vector<32x256xf32>
      %reduce_min3A_1127 = arith.constant dense<0x7F800000> : vector<256xf32>
      %reduce_min3A_1128 = vector.multi_reduction <minimumf>, %reduce_min3A_1126, %reduce_min3A_1127 [0] : vector<32x256xf32> to vector<256xf32>
      %broadcast_in_dim3A_1129 = vector.shape_cast %reduce_min3A_1128 : vector<256xf32> to vector<1x256xf32>
      %reshape3A_1130 = vector.shape_cast %broadcast_in_dim3A_1129 : vector<1x256xf32> to vector<1x1x256xf32>
      %eq3A_1131 = vector.broadcast %reshape3A_1130 : vector<1x1x256xf32> to vector<32x128x256xf32>
      %eq3A_1132 = arith.cmpf oeq, %select_n3A_1124, %eq3A_1131 : vector<32x128x256xf32>
      %broadcast_in_dim3A_1133 = vector.broadcast %cond3A : f32 to vector<32x128x256xf32>
      %select_n3A_1134 = arith.select %eq3A_1132, %add3A_872, %broadcast_in_dim3A_1133 : vector<32x128x256xi1>, vector<32x128x256xf32>
      %reduce_min3A_1135 = arith.constant dense<0x7F800000> : vector<32x256xf32>
      %reduce_min3A_1136 = vector.multi_reduction <minimumf>, %select_n3A_1134, %reduce_min3A_1135 [1] : vector<32x128x256xf32> to vector<32x256xf32>
      %reduce_min3A_1137 = arith.constant dense<0x7F800000> : vector<256xf32>
      %reduce_min3A_1138 = vector.multi_reduction <minimumf>, %reduce_min3A_1136, %reduce_min3A_1137 [0] : vector<32x256xf32> to vector<256xf32>
      %broadcast_in_dim3A_1139 = vector.shape_cast %reduce_min3A_1138 : vector<256xf32> to vector<1x256xf32>
      %reshape3A_1140 = vector.shape_cast %broadcast_in_dim3A_1139 : vector<1x256xf32> to vector<1x1x256xf32>
      %eq3A_1141 = vector.broadcast %reshape3A_1140 : vector<1x1x256xf32> to vector<32x128x256xf32>
      %eq3A_1142 = arith.cmpf oeq, %select_n3A_1134, %eq3A_1141 : vector<32x128x256xf32>
      %jit3A_1143 = arith.constant 0x7F800000 : f32
      %broadcast_in_dim3A_1144 = vector.broadcast %jit3A_1143 : f32 to vector<32x128x256xf32>
      %select_n3A_1145 = arith.select %eq3A_1142, %broadcast_in_dim3A_1144, %select_n3A_1124 : vector<32x128x256xi1>, vector<32x128x256xf32>
      %reduce_min3A_1146 = arith.constant dense<0x7F800000> : vector<32x256xf32>
      %reduce_min3A_1147 = vector.multi_reduction <minimumf>, %select_n3A_1145, %reduce_min3A_1146 [1] : vector<32x128x256xf32> to vector<32x256xf32>
      %reduce_min3A_1148 = arith.constant dense<0x7F800000> : vector<256xf32>
      %reduce_min3A_1149 = vector.multi_reduction <minimumf>, %reduce_min3A_1147, %reduce_min3A_1148 [0] : vector<32x256xf32> to vector<256xf32>
      %broadcast_in_dim3A_1150 = vector.shape_cast %reduce_min3A_1149 : vector<256xf32> to vector<1x256xf32>
      %reshape3A_1151 = vector.shape_cast %broadcast_in_dim3A_1150 : vector<1x256xf32> to vector<1x1x256xf32>
      %eq3A_1152 = vector.broadcast %reshape3A_1151 : vector<1x1x256xf32> to vector<32x128x256xf32>
      %eq3A_1153 = arith.cmpf oeq, %select_n3A_1145, %eq3A_1152 : vector<32x128x256xf32>
      %broadcast_in_dim3A_1154 = vector.broadcast %cond3A : f32 to vector<32x128x256xf32>
      %select_n3A_1155 = arith.select %eq3A_1153, %add3A_872, %broadcast_in_dim3A_1154 : vector<32x128x256xi1>, vector<32x128x256xf32>
      %reduce_min3A_1156 = arith.constant dense<0x7F800000> : vector<32x256xf32>
      %reduce_min3A_1157 = vector.multi_reduction <minimumf>, %select_n3A_1155, %reduce_min3A_1156 [1] : vector<32x128x256xf32> to vector<32x256xf32>
      %reduce_min3A_1158 = arith.constant dense<0x7F800000> : vector<256xf32>
      %reduce_min3A_1159 = vector.multi_reduction <minimumf>, %reduce_min3A_1157, %reduce_min3A_1158 [0] : vector<32x256xf32> to vector<256xf32>
      %broadcast_in_dim3A_1160 = vector.shape_cast %reduce_min3A_1159 : vector<256xf32> to vector<1x256xf32>
      %reshape3A_1161 = vector.shape_cast %broadcast_in_dim3A_1160 : vector<1x256xf32> to vector<1x1x256xf32>
      %eq3A_1162 = vector.broadcast %reshape3A_1161 : vector<1x1x256xf32> to vector<32x128x256xf32>
      %eq3A_1163 = arith.cmpf oeq, %select_n3A_1155, %eq3A_1162 : vector<32x128x256xf32>
      %jit3A_1164 = arith.constant 0x7F800000 : f32
      %broadcast_in_dim3A_1165 = vector.broadcast %jit3A_1164 : f32 to vector<32x128x256xf32>
      %select_n3A_1166 = arith.select %eq3A_1163, %broadcast_in_dim3A_1165, %select_n3A_1145 : vector<32x128x256xi1>, vector<32x128x256xf32>
      %reduce_min3A_1167 = arith.constant dense<0x7F800000> : vector<32x256xf32>
      %reduce_min3A_1168 = vector.multi_reduction <minimumf>, %select_n3A_1166, %reduce_min3A_1167 [1] : vector<32x128x256xf32> to vector<32x256xf32>
      %reduce_min3A_1169 = arith.constant dense<0x7F800000> : vector<256xf32>
      %reduce_min3A_1170 = vector.multi_reduction <minimumf>, %reduce_min3A_1168, %reduce_min3A_1169 [0] : vector<32x256xf32> to vector<256xf32>
      %broadcast_in_dim3A_1171 = vector.shape_cast %reduce_min3A_1170 : vector<256xf32> to vector<1x256xf32>
      %reshape3A_1172 = vector.shape_cast %broadcast_in_dim3A_1171 : vector<1x256xf32> to vector<1x1x256xf32>
      %eq3A_1173 = vector.broadcast %reshape3A_1172 : vector<1x1x256xf32> to vector<32x128x256xf32>
      %eq3A_1174 = arith.cmpf oeq, %select_n3A_1166, %eq3A_1173 : vector<32x128x256xf32>
      %broadcast_in_dim3A_1175 = vector.broadcast %cond3A : f32 to vector<32x128x256xf32>
      %select_n3A_1176 = arith.select %eq3A_1174, %add3A_872, %broadcast_in_dim3A_1175 : vector<32x128x256xi1>, vector<32x128x256xf32>
      %reduce_min3A_1177 = arith.constant dense<0x7F800000> : vector<32x256xf32>
      %reduce_min3A_1178 = vector.multi_reduction <minimumf>, %select_n3A_1176, %reduce_min3A_1177 [1] : vector<32x128x256xf32> to vector<32x256xf32>
      %reduce_min3A_1179 = arith.constant dense<0x7F800000> : vector<256xf32>
      %reduce_min3A_1180 = vector.multi_reduction <minimumf>, %reduce_min3A_1178, %reduce_min3A_1179 [0] : vector<32x256xf32> to vector<256xf32>
      %broadcast_in_dim3A_1181 = vector.shape_cast %reduce_min3A_1180 : vector<256xf32> to vector<1x256xf32>
      %reshape3A_1182 = vector.shape_cast %broadcast_in_dim3A_1181 : vector<1x256xf32> to vector<1x1x256xf32>
      %eq3A_1183 = vector.broadcast %reshape3A_1182 : vector<1x1x256xf32> to vector<32x128x256xf32>
      %eq3A_1184 = arith.cmpf oeq, %select_n3A_1176, %eq3A_1183 : vector<32x128x256xf32>
      %jit3A_1185 = arith.constant 0x7F800000 : f32
      %broadcast_in_dim3A_1186 = vector.broadcast %jit3A_1185 : f32 to vector<32x128x256xf32>
      %select_n3A_1187 = arith.select %eq3A_1184, %broadcast_in_dim3A_1186, %select_n3A_1166 : vector<32x128x256xi1>, vector<32x128x256xf32>
      %reduce_min3A_1188 = arith.constant dense<0x7F800000> : vector<32x256xf32>
      %reduce_min3A_1189 = vector.multi_reduction <minimumf>, %select_n3A_1187, %reduce_min3A_1188 [1] : vector<32x128x256xf32> to vector<32x256xf32>
      %reduce_min3A_1190 = arith.constant dense<0x7F800000> : vector<256xf32>
      %reduce_min3A_1191 = vector.multi_reduction <minimumf>, %reduce_min3A_1189, %reduce_min3A_1190 [0] : vector<32x256xf32> to vector<256xf32>
      %broadcast_in_dim3A_1192 = vector.shape_cast %reduce_min3A_1191 : vector<256xf32> to vector<1x256xf32>
      %reshape3A_1193 = vector.shape_cast %broadcast_in_dim3A_1192 : vector<1x256xf32> to vector<1x1x256xf32>
      %eq3A_1194 = vector.broadcast %reshape3A_1193 : vector<1x1x256xf32> to vector<32x128x256xf32>
      %eq3A_1195 = arith.cmpf oeq, %select_n3A_1187, %eq3A_1194 : vector<32x128x256xf32>
      %broadcast_in_dim3A_1196 = vector.broadcast %cond3A : f32 to vector<32x128x256xf32>
      %select_n3A_1197 = arith.select %eq3A_1195, %add3A_872, %broadcast_in_dim3A_1196 : vector<32x128x256xi1>, vector<32x128x256xf32>
      %reduce_min3A_1198 = arith.constant dense<0x7F800000> : vector<32x256xf32>
      %reduce_min3A_1199 = vector.multi_reduction <minimumf>, %select_n3A_1197, %reduce_min3A_1198 [1] : vector<32x128x256xf32> to vector<32x256xf32>
      %reduce_min3A_1200 = arith.constant dense<0x7F800000> : vector<256xf32>
      %reduce_min3A_1201 = vector.multi_reduction <minimumf>, %reduce_min3A_1199, %reduce_min3A_1200 [0] : vector<32x256xf32> to vector<256xf32>
      %broadcast_in_dim3A_1202 = vector.shape_cast %reduce_min3A_1201 : vector<256xf32> to vector<1x256xf32>
      %concatenate3A_1203 = tpu.concatenate %broadcast_in_dim3A_887, %broadcast_in_dim3A_908, %broadcast_in_dim3A_929, %broadcast_in_dim3A_950, %broadcast_in_dim3A_971, %broadcast_in_dim3A_992, %broadcast_in_dim3A_1013, %broadcast_in_dim3A_1034, %broadcast_in_dim3A_1055, %broadcast_in_dim3A_1076, %broadcast_in_dim3A_1097, %broadcast_in_dim3A_1118, %broadcast_in_dim3A_1139, %broadcast_in_dim3A_1160, %broadcast_in_dim3A_1181, %broadcast_in_dim3A_1202 in 0 : vector<1x256xf32>, vector<1x256xf32>, vector<1x256xf32>, vector<1x256xf32>, vector<1x256xf32>, vector<1x256xf32>, vector<1x256xf32>, vector<1x256xf32>, vector<1x256xf32>, vector<1x256xf32>, vector<1x256xf32>, vector<1x256xf32>, vector<1x256xf32>, vector<1x256xf32>, vector<1x256xf32>, vector<1x256xf32> -> vector<16x256xf32>
      %convert_element_type3A_1204 = arith.fptosi %concatenate3A_1203 : vector<16x256xf32> to vector<16x256xi32>
      %mul3A_1205 = arith.constant 4096 : i32
      %mul3A_1206 = arith.muli %arg0, %mul3A_1205 : i32
      %add3A_1207 = vector.broadcast %mul3A_1206 : i32 to vector<16x256xi32>
      %add3A_1208 = arith.addi %convert_element_type3A_1204, %add3A_1207 : vector<16x256xi32>
      %swap3A_1209 = arith.constant 0 : index
      %swap3A_1210 = arith.constant 0 : index
      %swap3A_1211 = arith.constant 0 : index
      %swap3A_1212 = vector.load %arg13[%swap3A_1209, %swap3A_1210, %swap3A_1211] : memref<1x16x256xi32, #tpu.memory_space<vmem>>, vector<1x16x256xi32>
      %swap3A_1213 = vector.shape_cast %swap3A_1212 : vector<1x16x256xi32> to vector<16x256xi32>
      %swap3A_1214 = vector.shape_cast %add3A_1208 : vector<16x256xi32> to vector<1x16x256xi32>
      tpu.vector_store %arg13[%swap3A_1209, %swap3A_1210, %swap3A_1211], %swap3A_1214 {strides = array<i32>} : memref<1x16x256xi32, #tpu.memory_space<vmem>>, vector<1x16x256xi32>,
    } else {
    }
    %get3A_775 = arith.constant 0 : index
    %get3A_776 = arith.constant 0 : index
    %get3A_777 = vector.load %arg4[%get3A_775, %get3A_776] : memref<256x128xf32, #tpu.memory_space<vmem>>, vector<256x128xf32>
    %get3A_778 = arith.constant 0 : index
    %get3A_779 = arith.constant 0 : index
    %get3A_780 = vector.load %arg5[%get3A_778, %get3A_779] : memref<128x32xf32, #tpu.memory_space<vmem>>, vector<128x32xf32>
    %convert_element_type3A_781 = arith.truncf %get3A_777 : vector<256x128xf32> to vector<256x128xbf16>
    %convert_element_type3A_782 = arith.truncf %get3A_780 : vector<128x32xf32> to vector<128x32xbf16>
    %dot_general3A = arith.constant dense<0.000000e+00> : vector<256x32xf32>
    %dot_general3A_783 = tpu.matmul %convert_element_type3A_781, %convert_element_type3A_782, %dot_general3A {dimension_numbers = #tpu.dot_dimension_numbers<[1], [0], [0], [1], [0, 0, 1, 1], [], []>, transpose_lhs_hint = false} : vector<256x128xbf16>, vector<128x32xbf16>, vector<256x32xf32> -> vector<256x32xf32>
    %get3A_784 = arith.constant 0 : index
    %get3A_785 = arith.constant 0 : index
    %get3A_786 = vector.load %arg6[%get3A_784, %get3A_785] : memref<1x32xf32, #tpu.memory_space<vmem>>, vector<1x32xf32>
    %add3A_787 = vector.broadcast %get3A_786 : vector<1x32xf32> to vector<256x32xf32>
    %add3A_788 = arith.addf %dot_general3A_783, %add3A_787 : vector<256x32xf32>
    %get3A_789 = arith.constant 0 : index
    %get3A_790 = arith.constant 0 : index
    %get3A_791 = vector.load %arg7[%get3A_789, %get3A_790] : memref<32x32xf32, #tpu.memory_space<vmem>>, vector<32x32xf32>
    %convert_element_type3A_792 = arith.truncf %add3A_788 : vector<256x32xf32> to vector<256x32xbf16>
    %convert_element_type3A_793 = arith.truncf %get3A_791 : vector<32x32xf32> to vector<32x32xbf16>
    %dot_general3A_794 = arith.constant dense<0.000000e+00> : vector<256x32xf32>
    %dot_general3A_795 = tpu.matmul %convert_element_type3A_792, %convert_element_type3A_793, %dot_general3A_794 {dimension_numbers = #tpu.dot_dimension_numbers<[1], [0], [0], [1], [0, 0, 1, 1], [], []>, transpose_lhs_hint = false} : vector<256x32xbf16>, vector<32x32xbf16>, vector<256x32xf32> -> vector<256x32xf32>
    %get3A_796 = arith.constant 0 : index
    %get3A_797 = arith.constant 0 : index
    %get3A_798 = vector.load %arg8[%get3A_796, %get3A_797] : memref<1x32xf32, #tpu.memory_space<vmem>>, vector<1x32xf32>
    %add3A_799 = vector.broadcast %get3A_798 : vector<1x32xf32> to vector<256x32xf32>
    %add3A_800 = arith.addf %dot_general3A_795, %add3A_799 : vector<256x32xf32>
    %get3A_801 = arith.constant 0 : index
    %get3A_802 = arith.constant 0 : index
    %get3A_803 = vector.load %arg9[%get3A_801, %get3A_802] : memref<32x32xf32, #tpu.memory_space<vmem>>, vector<32x32xf32>
    %convert_element_type3A_804 = arith.truncf %add3A_788 : vector<256x32xf32> to vector<256x32xbf16>
    %convert_element_type3A_805 = arith.truncf %get3A_803 : vector<32x32xf32> to vector<32x32xbf16>
    %dot_general3A_806 = arith.constant dense<0.000000e+00> : vector<256x32xf32>
    %dot_general3A_807 = tpu.matmul %convert_element_type3A_804, %convert_element_type3A_805, %dot_general3A_806 {dimension_numbers = #tpu.dot_dimension_numbers<[1], [0], [0], [1], [0, 0, 1, 1], [], []>, transpose_lhs_hint = false} : vector<256x32xbf16>, vector<32x32xbf16>, vector<256x32xf32> -> vector<256x32xf32>
    %get3A_808 = arith.constant 0 : index
    %get3A_809 = arith.constant 0 : index
    %get3A_810 = vector.load %arg10[%get3A_808, %get3A_809] : memref<1x32xf32, #tpu.memory_space<vmem>>, vector<1x32xf32>
    %add3A_811 = vector.broadcast %get3A_810 : vector<1x32xf32> to vector<256x32xf32>
    %add3A_812 = arith.addf %dot_general3A_807, %add3A_811 : vector<256x32xf32>
    %get3A_813 = arith.constant 0 : index
    %get3A_814 = arith.constant 0 : index
    %get3A_815 = vector.load %arg11[%get3A_813, %get3A_814] : memref<32x32xf32, #tpu.memory_space<vmem>>, vector<32x32xf32>
    %convert_element_type3A_816 = arith.truncf %add3A_788 : vector<256x32xf32> to vector<256x32xbf16>
    %convert_element_type3A_817 = arith.truncf %get3A_815 : vector<32x32xf32> to vector<32x32xbf16>
    %dot_general3A_818 = arith.constant dense<0.000000e+00> : vector<256x32xf32>
    %dot_general3A_819 = tpu.matmul %convert_element_type3A_816, %convert_element_type3A_817, %dot_general3A_818 {dimension_numbers = #tpu.dot_dimension_numbers<[1], [0], [0], [1], [0, 0, 1, 1], [], []>, transpose_lhs_hint = false} : vector<256x32xbf16>, vector<32x32xbf16>, vector<256x32xf32> -> vector<256x32xf32>
    %get3A_820 = arith.constant 0 : index
    %get3A_821 = arith.constant 0 : index
    %get3A_822 = vector.load %arg12[%get3A_820, %get3A_821] : memref<1x32xf32, #tpu.memory_space<vmem>>, vector<1x32xf32>
    %add3A_823 = vector.broadcast %get3A_822 : vector<1x32xf32> to vector<256x32xf32>
    %add3A_824 = arith.addf %dot_general3A_819, %add3A_823 : vector<256x32xf32>
    %swap3A_825 = arith.constant 0 : index
    %swap3A_826 = arith.constant 0 : index
    %swap3A_827 = vector.load %arg14[%swap3A_825, %swap3A_826] : memref<256x32xf32, #tpu.memory_space<vmem>>, vector<256x32xf32>
    tpu.vector_store %arg14[%swap3A_825, %swap3A_826], %add3A_800 {strides = array<i32>} : memref<256x32xf32, #tpu.memory_space<vmem>>, vector<256x32xf32>,
    %mul3A_828 = arith.constant 256 : i32
    %mul3A_829 = arith.muli %arg1, %mul3A_828 : i32
    %get3A_830 = arith.index_cast %mul3A_829 : i32 to index
    %get3A_831 = arith.constant 0 : index
    %get3A_832 = vector.load %arg3[%get3A_830, %get3A_831] : memref<4096x3xf32, #tpu.memory_space<vmem>>, vector<256x3xf32>
    %broadcast_in_dim3A_833 = arith.constant 0.000000e+00 : f32
    %broadcast_in_dim3A_834 = vector.broadcast %broadcast_in_dim3A_833 : f32 to vector<256x61xf32>
    %concatenate3A_835 = tpu.concatenate %add3A_812, %add3A_824, %get3A_832, %broadcast_in_dim3A_834 in 1 : vector<256x32xf32>, vector<256x32xf32>, vector<256x3xf32>, vector<256x61xf32> -> vector<256x128xf32>
    %swap3A_836 = arith.constant 0 : index
    %swap3A_837 = arith.constant 0 : index
    %swap3A_838 = vector.load %arg15[%swap3A_836, %swap3A_837] : memref<256x128xf32, #tpu.memory_space<vmem>>, vector<256x128xf32>
    tpu.vector_store %arg15[%swap3A_836, %swap3A_837], %concatenate3A_835 {strides = array<i32>} : memref<256x128xf32, #tpu.memory_space<vmem>>, vector<256x128xf32>,
    return
  }
  func.func @transform_0(%arg0: i32, %arg1: i32) -> (i32, i32, i32) {
    %c0_i32 = arith.constant 0 : i32
    %c0_i32_0 = arith.constant 0 : i32
    return %arg0, %c0_i32, %arg1 : i32, i32, i32
  }
  func.func @transform_1(%arg0: i32, %arg1: i32) -> (i32, i32) {
    %c0_i32 = arith.constant 0 : i32
    %c0_i32_0 = arith.constant 0 : i32
    return %arg0, %c0_i32 : i32, i32
  }
  func.func @transform_2(%arg0: i32, %arg1: i32) -> (i32, i32) {
    %mul3A = arith.constant 16 : i32
    %mul3A_0 = arith.muli %arg0, %mul3A : i32
    %add3A = arith.addi %mul3A_0, %arg1 : i32
    %c0_i32 = arith.constant 0 : i32
    %c0_i32_1 = arith.constant 0 : i32
    return %add3A, %c0_i32 : i32, i32
  }
  func.func @transform_3(%arg0: i32, %arg1: i32) -> (i32, i32) {
    %c0_i32 = arith.constant 0 : i32
    %c0_i32_0 = arith.constant 0 : i32
    %c0_i32_1 = arith.constant 0 : i32
    return %c0_i32, %c0_i32_0 : i32, i32
  }
  func.func @transform_4(%arg0: i32, %arg1: i32) -> (i32, i32) {
    %c0_i32 = arith.constant 0 : i32
    %c0_i32_0 = arith.constant 0 : i32
    %c0_i32_1 = arith.constant 0 : i32
    return %c0_i32, %c0_i32_0 : i32, i32
  }
  func.func @transform_5(%arg0: i32, %arg1: i32) -> (i32, i32) {
    %c0_i32 = arith.constant 0 : i32
    %c0_i32_0 = arith.constant 0 : i32
    %c0_i32_1 = arith.constant 0 : i32
    return %c0_i32, %c0_i32_0 : i32, i32
  }
  func.func @transform_6(%arg0: i32, %arg1: i32) -> (i32, i32) {
    %c0_i32 = arith.constant 0 : i32
    %c0_i32_0 = arith.constant 0 : i32
    %c0_i32_1 = arith.constant 0 : i32
    return %c0_i32, %c0_i32_0 : i32, i32
  }
  func.func @transform_7(%arg0: i32, %arg1: i32) -> (i32, i32) {
    %c0_i32 = arith.constant 0 : i32
    %c0_i32_0 = arith.constant 0 : i32
    %c0_i32_1 = arith.constant 0 : i32
    return %c0_i32, %c0_i32_0 : i32, i32
  }
  func.func @transform_8(%arg0: i32, %arg1: i32) -> (i32, i32) {
    %c0_i32 = arith.constant 0 : i32
    %c0_i32_0 = arith.constant 0 : i32
    %c0_i32_1 = arith.constant 0 : i32
    return %c0_i32, %c0_i32_0 : i32, i32
  }
  func.func @transform_9(%arg0: i32, %arg1: i32) -> (i32, i32) {
    %c0_i32 = arith.constant 0 : i32
    %c0_i32_0 = arith.constant 0 : i32
    %c0_i32_1 = arith.constant 0 : i32
    return %c0_i32, %c0_i32_0 : i32, i32
  }
  func.func @transform_10(%arg0: i32, %arg1: i32) -> (i32, i32) {
    %c0_i32 = arith.constant 0 : i32
    %c0_i32_0 = arith.constant 0 : i32
    %c0_i32_1 = arith.constant 0 : i32
    return %c0_i32, %c0_i32_0 : i32, i32
  }
  func.func @transform_11(%arg0: i32, %arg1: i32) -> (i32, i32, i32) {
    %c0_i32 = arith.constant 0 : i32
    %c0_i32_0 = arith.constant 0 : i32
    return %arg0, %c0_i32, %arg1 : i32, i32, i32
  }
  func.func @transform_12(%arg0: i32, %arg1: i32) -> (i32, i32) {
    %mul3A = arith.constant 16 : i32
    %mul3A_0 = arith.muli %arg0, %mul3A : i32
    %add3A = arith.addi %mul3A_0, %arg1 : i32
    %c0_i32 = arith.constant 0 : i32
    %c0_i32_1 = arith.constant 0 : i32
    return %add3A, %c0_i32 : i32, i32
  }
  func.func @transform_13(%arg0: i32, %arg1: i32) -> (i32, i32) {
    %mul3A = arith.constant 16 : i32
    %mul3A_0 = arith.muli %arg0, %mul3A : i32
    %add3A = arith.addi %mul3A_0, %arg1 : i32
    %c0_i32 = arith.constant 0 : i32
    %c0_i32_1 = arith.constant 0 : i32
    return %add3A, %c0_i32 : i32, i32
  }
}

module attributes {stable_mosaic.version = 14 : i64} {
  func.func @_attn_body(%arg0: i32, %arg1: memref<256x32xf32, #tpu.memory_space<vmem>>, %arg2: memref<4096x128xf32, #tpu.memory_space<vmem>>, %arg3: memref<256x3xf32, #tpu.memory_space<vmem>>, %arg4: memref<256x128xf32, #tpu.memory_space<vmem>>, %arg5: memref<3x32xf32, #tpu.memory_space<vmem>>, %arg6: memref<1x32xf32, #tpu.memory_space<vmem>>, %arg7: memref<32x32xf32, #tpu.memory_space<vmem>>, %arg8: memref<1x32xf32, #tpu.memory_space<vmem>>, %arg9: memref<32x32xf32, #tpu.memory_space<vmem>>, %arg10: memref<1x32xf32, #tpu.memory_space<vmem>>, %arg11: memref<32x32xf32, #tpu.memory_space<vmem>>, %arg12: memref<1x32xf32, #tpu.memory_space<vmem>>, %arg13: memref<32x128xf32, #tpu.memory_space<vmem>>, %arg14: memref<1x128xf32, #tpu.memory_space<vmem>>, %arg15: memref<256x128xf32, #tpu.memory_space<vmem>>) attributes {dimension_semantics = [#tpu.dimension_semantics<arbitrary>], iteration_bounds = array<i64: 32>, scalar_prefetch = 0 : i64, scratch_operands = 0 : i64, tpu.core_type = #tpu.core_type<tc>, window_params = [{transform_indices = @transform_0, window_bounds = array<i64: 256, 32>}, {transform_indices = @transform_1, window_bounds = array<i64: 4096, 128>}, {transform_indices = @transform_2, window_bounds = array<i64: 256, 3>}, {transform_indices = @transform_3, window_bounds = array<i64: 256, 128>}, {pipeline_mode = #tpu.pipeline_mode<synchronous>, transform_indices = @transform_4, window_bounds = array<i64: 3, 32>}, {pipeline_mode = #tpu.pipeline_mode<synchronous>, transform_indices = @transform_5, window_bounds = array<i64: 1, 32>}, {pipeline_mode = #tpu.pipeline_mode<synchronous>, transform_indices = @transform_6, window_bounds = array<i64: 32, 32>}, {pipeline_mode = #tpu.pipeline_mode<synchronous>, transform_indices = @transform_7, window_bounds = array<i64: 1, 32>}, {pipeline_mode = #tpu.pipeline_mode<synchronous>, transform_indices = @transform_8, window_bounds = array<i64: 32, 32>}, {pipeline_mode = #tpu.pipeline_mode<synchronous>, transform_indices = @transform_9, window_bounds = array<i64: 1, 32>}, {pipeline_mode = #tpu.pipeline_mode<synchronous>, transform_indices = @transform_10, window_bounds = array<i64: 32, 32>}, {pipeline_mode = #tpu.pipeline_mode<synchronous>, transform_indices = @transform_11, window_bounds = array<i64: 1, 32>}, {pipeline_mode = #tpu.pipeline_mode<synchronous>, transform_indices = @transform_12, window_bounds = array<i64: 32, 128>}, {pipeline_mode = #tpu.pipeline_mode<synchronous>, transform_indices = @transform_13, window_bounds = array<i64: 1, 128>}, {transform_indices = @transform_14, window_bounds = array<i64: 256, 128>}]} {
    %get3A = arith.constant 0 : index
    %get3A_0 = arith.constant 0 : index
    %get3A_1 = vector.load %arg2[%get3A, %get3A_0] : memref<4096x128xf32, #tpu.memory_space<vmem>>, vector<4096x128xf32>
    %reshape3A = vector.shape_cast %get3A_1 : vector<4096x128xf32> to vector<256x16x128xf32>
    %slice3A = vector.extract_strided_slice %reshape3A {offsets = [0, 0, 0], sizes = [256, 16, 32], strides = [1, 1, 1]} : vector<256x16x128xf32> to vector<256x16x32xf32>
    %slice3A_2 = vector.extract_strided_slice %reshape3A {offsets = [0, 0, 32], sizes = [256, 16, 32], strides = [1, 1, 1]} : vector<256x16x128xf32> to vector<256x16x32xf32>
    %get3A_3 = arith.constant 0 : index
    %get3A_4 = arith.constant 0 : index
    %get3A_5 = vector.load %arg3[%get3A_3, %get3A_4] : memref<256x3xf32, #tpu.memory_space<vmem>>, vector<256x3xf32>
    %slice3A_6 = vector.extract_strided_slice %get3A_5 {offsets = [0, 0], sizes = [256, 1], strides = [1, 1]} : vector<256x3xf32> to vector<256x1xf32>
    %broadcast_in_dim3A = vector.shape_cast %slice3A_6 : vector<256x1xf32> to vector<256x1x1xf32>
    %slice3A_7 = vector.extract_strided_slice %reshape3A {offsets = [0, 0, 64], sizes = [256, 16, 1], strides = [1, 1, 1]} : vector<256x16x128xf32> to vector<256x16x1xf32>
    %sub3A = vector.broadcast %broadcast_in_dim3A : vector<256x1x1xf32> to vector<256x16x1xf32>
    %sub3A_8 = arith.subf %sub3A, %slice3A_7 : vector<256x16x1xf32>
    %slice3A_9 = vector.extract_strided_slice %get3A_5 {offsets = [0, 1], sizes = [256, 1], strides = [1, 1]} : vector<256x3xf32> to vector<256x1xf32>
    %broadcast_in_dim3A_10 = vector.shape_cast %slice3A_9 : vector<256x1xf32> to vector<256x1x1xf32>
    %slice3A_11 = vector.extract_strided_slice %reshape3A {offsets = [0, 0, 65], sizes = [256, 16, 1], strides = [1, 1, 1]} : vector<256x16x128xf32> to vector<256x16x1xf32>
    %sub3A_12 = vector.broadcast %broadcast_in_dim3A_10 : vector<256x1x1xf32> to vector<256x16x1xf32>
    %sub3A_13 = arith.subf %sub3A_12, %slice3A_11 : vector<256x16x1xf32>
    %slice3A_14 = vector.extract_strided_slice %get3A_5 {offsets = [0, 2], sizes = [256, 1], strides = [1, 1]} : vector<256x3xf32> to vector<256x1xf32>
    %broadcast_in_dim3A_15 = vector.shape_cast %slice3A_14 : vector<256x1xf32> to vector<256x1x1xf32>
    %slice3A_16 = vector.extract_strided_slice %reshape3A {offsets = [0, 0, 66], sizes = [256, 16, 1], strides = [1, 1, 1]} : vector<256x16x128xf32> to vector<256x16x1xf32>
    %sub3A_17 = vector.broadcast %broadcast_in_dim3A_15 : vector<256x1x1xf32> to vector<256x16x1xf32>
    %sub3A_18 = arith.subf %sub3A_17, %slice3A_16 : vector<256x16x1xf32>
    %get3A_19 = arith.constant 0 : index
    %get3A_20 = arith.constant 0 : index
    %get3A_21 = vector.load %arg5[%get3A_19, %get3A_20] : memref<3x32xf32, #tpu.memory_space<vmem>>, vector<1x32xf32>
    %convert_element_type3A = arith.truncf %get3A_21 : vector<1x32xf32> to vector<1x32xbf16>
    %convert_element_type3A_22 = arith.extf %convert_element_type3A : vector<1x32xbf16> to vector<1x32xf32>
    %get3A_23 = arith.constant 1 : index
    %get3A_24 = arith.constant 0 : index
    %get3A_25 = vector.load %arg5[%get3A_23, %get3A_24] : memref<3x32xf32, #tpu.memory_space<vmem>>, vector<1x32xf32>
    %convert_element_type3A_26 = arith.truncf %get3A_25 : vector<1x32xf32> to vector<1x32xbf16>
    %convert_element_type3A_27 = arith.extf %convert_element_type3A_26 : vector<1x32xbf16> to vector<1x32xf32>
    %get3A_28 = arith.constant 2 : index
    %get3A_29 = arith.constant 0 : index
    %get3A_30 = vector.load %arg5[%get3A_28, %get3A_29] : memref<3x32xf32, #tpu.memory_space<vmem>>, vector<1x32xf32>
    %convert_element_type3A_31 = arith.truncf %get3A_30 : vector<1x32xf32> to vector<1x32xbf16>
    %convert_element_type3A_32 = arith.extf %convert_element_type3A_31 : vector<1x32xbf16> to vector<1x32xf32>
    %convert_element_type3A_33 = arith.truncf %sub3A_8 : vector<256x16x1xf32> to vector<256x16x1xbf16>
    %convert_element_type3A_34 = arith.extf %convert_element_type3A_33 : vector<256x16x1xbf16> to vector<256x16x1xf32>
    %broadcast_in_dim3A_35 = vector.shape_cast %convert_element_type3A_22 : vector<1x32xf32> to vector<1x1x32xf32>
    %mul3A = vector.broadcast %convert_element_type3A_34 : vector<256x16x1xf32> to vector<256x16x32xf32>
    %mul3A_36 = vector.broadcast %broadcast_in_dim3A_35 : vector<1x1x32xf32> to vector<256x16x32xf32>
    %mul3A_37 = arith.mulf %mul3A, %mul3A_36 : vector<256x16x32xf32>
    %convert_element_type3A_38 = arith.truncf %sub3A_13 : vector<256x16x1xf32> to vector<256x16x1xbf16>
    %convert_element_type3A_39 = arith.extf %convert_element_type3A_38 : vector<256x16x1xbf16> to vector<256x16x1xf32>
    %broadcast_in_dim3A_40 = vector.shape_cast %convert_element_type3A_27 : vector<1x32xf32> to vector<1x1x32xf32>
    %mul3A_41 = vector.broadcast %convert_element_type3A_39 : vector<256x16x1xf32> to vector<256x16x32xf32>
    %mul3A_42 = vector.broadcast %broadcast_in_dim3A_40 : vector<1x1x32xf32> to vector<256x16x32xf32>
    %mul3A_43 = arith.mulf %mul3A_41, %mul3A_42 : vector<256x16x32xf32>
    %add3A = arith.addf %mul3A_37, %mul3A_43 : vector<256x16x32xf32>
    %convert_element_type3A_44 = arith.truncf %sub3A_18 : vector<256x16x1xf32> to vector<256x16x1xbf16>
    %convert_element_type3A_45 = arith.extf %convert_element_type3A_44 : vector<256x16x1xbf16> to vector<256x16x1xf32>
    %broadcast_in_dim3A_46 = vector.shape_cast %convert_element_type3A_32 : vector<1x32xf32> to vector<1x1x32xf32>
    %mul3A_47 = vector.broadcast %convert_element_type3A_45 : vector<256x16x1xf32> to vector<256x16x32xf32>
    %mul3A_48 = vector.broadcast %broadcast_in_dim3A_46 : vector<1x1x32xf32> to vector<256x16x32xf32>
    %mul3A_49 = arith.mulf %mul3A_47, %mul3A_48 : vector<256x16x32xf32>
    %add3A_50 = arith.addf %add3A, %mul3A_49 : vector<256x16x32xf32>
    %get3A_51 = arith.constant 0 : index
    %get3A_52 = arith.constant 0 : index
    %get3A_53 = vector.load %arg6[%get3A_51, %get3A_52] : memref<1x32xf32, #tpu.memory_space<vmem>>, vector<1x32xf32>
    %broadcast_in_dim3A_54 = vector.shape_cast %get3A_53 : vector<1x32xf32> to vector<1x1x32xf32>
    %add3A_55 = vector.broadcast %broadcast_in_dim3A_54 : vector<1x1x32xf32> to vector<256x16x32xf32>
    %add3A_56 = arith.addf %add3A_50, %add3A_55 : vector<256x16x32xf32>
    %max3A = arith.constant 0.000000e+00 : f32
    %max3A_57 = vector.broadcast %max3A : f32 to vector<256x16x32xf32>
    %max3A_58 = arith.maximumf %add3A_56, %max3A_57 : vector<256x16x32xf32>
    %reshape3A_59 = vector.shape_cast %max3A_58 : vector<256x16x32xf32> to vector<4096x32xf32>
    %get3A_60 = arith.constant 0 : index
    %get3A_61 = arith.constant 0 : index
    %get3A_62 = vector.load %arg7[%get3A_60, %get3A_61] : memref<32x32xf32, #tpu.memory_space<vmem>>, vector<32x32xf32>
    %convert_element_type3A_63 = arith.truncf %reshape3A_59 : vector<4096x32xf32> to vector<4096x32xbf16>
    %convert_element_type3A_64 = arith.truncf %get3A_62 : vector<32x32xf32> to vector<32x32xbf16>
    %dot_general3A = arith.constant dense<0.000000e+00> : vector<4096x32xf32>
    %dot_general3A_65 = tpu.matmul %convert_element_type3A_63, %convert_element_type3A_64, %dot_general3A {dimension_numbers = #tpu.dot_dimension_numbers<[1], [0], [0], [1], [0, 0, 1, 1], [], []>, transpose_lhs_hint = false} : vector<4096x32xbf16>, vector<32x32xbf16>, vector<4096x32xf32> -> vector<4096x32xf32>
    %get3A_66 = arith.constant 0 : index
    %get3A_67 = arith.constant 0 : index
    %get3A_68 = vector.load %arg8[%get3A_66, %get3A_67] : memref<1x32xf32, #tpu.memory_space<vmem>>, vector<1x32xf32>
    %add3A_69 = vector.broadcast %get3A_68 : vector<1x32xf32> to vector<4096x32xf32>
    %add3A_70 = arith.addf %dot_general3A_65, %add3A_69 : vector<4096x32xf32>
    %reshape3A_71 = vector.shape_cast %add3A_70 : vector<4096x32xf32> to vector<256x16x32xf32>
    %get3A_72 = arith.constant 0 : index
    %get3A_73 = arith.constant 0 : index
    %get3A_74 = vector.load %arg1[%get3A_72, %get3A_73] : memref<256x32xf32, #tpu.memory_space<vmem>>, vector<256x32xf32>
    %broadcast_in_dim3A_75 = vector.shape_cast %get3A_74 : vector<256x32xf32> to vector<256x1x32xf32>
    %sub3A_76 = vector.broadcast %broadcast_in_dim3A_75 : vector<256x1x32xf32> to vector<256x16x32xf32>
    %sub3A_77 = arith.subf %sub3A_76, %slice3A : vector<256x16x32xf32>
    %add3A_78 = arith.addf %sub3A_77, %reshape3A_71 : vector<256x16x32xf32>
    %reshape3A_79 = vector.shape_cast %add3A_78 : vector<256x16x32xf32> to vector<4096x32xf32>
    %get3A_80 = arith.constant 0 : index
    %get3A_81 = arith.constant 0 : index
    %get3A_82 = vector.load %arg9[%get3A_80, %get3A_81] : memref<32x32xf32, #tpu.memory_space<vmem>>, vector<32x32xf32>
    %convert_element_type3A_83 = arith.truncf %reshape3A_79 : vector<4096x32xf32> to vector<4096x32xbf16>
    %convert_element_type3A_84 = arith.truncf %get3A_82 : vector<32x32xf32> to vector<32x32xbf16>
    %dot_general3A_85 = arith.constant dense<0.000000e+00> : vector<4096x32xf32>
    %dot_general3A_86 = tpu.matmul %convert_element_type3A_83, %convert_element_type3A_84, %dot_general3A_85 {dimension_numbers = #tpu.dot_dimension_numbers<[1], [0], [0], [1], [0, 0, 1, 1], [], []>, transpose_lhs_hint = false} : vector<4096x32xbf16>, vector<32x32xbf16>, vector<4096x32xf32> -> vector<4096x32xf32>
    %get3A_87 = arith.constant 0 : index
    %get3A_88 = arith.constant 0 : index
    %get3A_89 = vector.load %arg10[%get3A_87, %get3A_88] : memref<1x32xf32, #tpu.memory_space<vmem>>, vector<1x32xf32>
    %add3A_90 = vector.broadcast %get3A_89 : vector<1x32xf32> to vector<4096x32xf32>
    %add3A_91 = arith.addf %dot_general3A_86, %add3A_90 : vector<4096x32xf32>
    %max3A_92 = arith.constant 0.000000e+00 : f32
    %max3A_93 = vector.broadcast %max3A_92 : f32 to vector<4096x32xf32>
    %max3A_94 = arith.maximumf %add3A_91, %max3A_93 : vector<4096x32xf32>
    %get3A_95 = arith.constant 0 : index
    %get3A_96 = arith.constant 0 : index
    %get3A_97 = vector.load %arg11[%get3A_95, %get3A_96] : memref<32x32xf32, #tpu.memory_space<vmem>>, vector<32x32xf32>
    %convert_element_type3A_98 = arith.truncf %max3A_94 : vector<4096x32xf32> to vector<4096x32xbf16>
    %convert_element_type3A_99 = arith.truncf %get3A_97 : vector<32x32xf32> to vector<32x32xbf16>
    %dot_general3A_100 = arith.constant dense<0.000000e+00> : vector<4096x32xf32>
    %dot_general3A_101 = tpu.matmul %convert_element_type3A_98, %convert_element_type3A_99, %dot_general3A_100 {dimension_numbers = #tpu.dot_dimension_numbers<[1], [0], [0], [1], [0, 0, 1, 1], [], []>, transpose_lhs_hint = false} : vector<4096x32xbf16>, vector<32x32xbf16>, vector<4096x32xf32> -> vector<4096x32xf32>
    %get3A_102 = arith.constant 0 : index
    %get3A_103 = arith.constant 0 : index
    %get3A_104 = vector.load %arg12[%get3A_102, %get3A_103] : memref<1x32xf32, #tpu.memory_space<vmem>>, vector<1x32xf32>
    %add3A_105 = vector.broadcast %get3A_104 : vector<1x32xf32> to vector<4096x32xf32>
    %add3A_106 = arith.addf %dot_general3A_101, %add3A_105 : vector<4096x32xf32>
    %reshape3A_107 = vector.shape_cast %add3A_106 : vector<4096x32xf32> to vector<256x16x32xf32>
    %reduce_max3A = arith.constant dense<0xFF800000> : vector<256x32xf32>
    %reduce_max3A_108 = vector.multi_reduction <maximumf>, %reshape3A_107, %reduce_max3A [1] : vector<256x16x32xf32> to vector<256x32xf32>
    %broadcast_in_dim3A_109 = vector.shape_cast %reduce_max3A_108 : vector<256x32xf32> to vector<256x1x32xf32>
    %sub3A_110 = vector.broadcast %broadcast_in_dim3A_109 : vector<256x1x32xf32> to vector<256x16x32xf32>
    %sub3A_111 = arith.subf %reshape3A_107, %sub3A_110 : vector<256x16x32xf32>
    %exp3A = math.exp %sub3A_111 : vector<256x16x32xf32>
    %reduce_sum3A = arith.constant dense<0.000000e+00> : vector<256x32xf32>
    %reduce_sum3A_112 = vector.multi_reduction <add>, %exp3A, %reduce_sum3A [1] : vector<256x16x32xf32> to vector<256x32xf32>
    %broadcast_in_dim3A_113 = vector.shape_cast %reduce_sum3A_112 : vector<256x32xf32> to vector<256x1x32xf32>
    %div3A = vector.broadcast %broadcast_in_dim3A_113 : vector<256x1x32xf32> to vector<256x16x32xf32>
    %div3A_114 = arith.divf %exp3A, %div3A : vector<256x16x32xf32>
    %add3A_115 = arith.addf %slice3A_2, %reshape3A_71 : vector<256x16x32xf32>
    %mul3A_116 = arith.mulf %div3A_114, %add3A_115 : vector<256x16x32xf32>
    %reduce_sum3A_117 = arith.constant dense<0.000000e+00> : vector<256x32xf32>
    %reduce_sum3A_118 = vector.multi_reduction <add>, %mul3A_116, %reduce_sum3A_117 [1] : vector<256x16x32xf32> to vector<256x32xf32>
    %get3A_119 = arith.constant 0 : index
    %get3A_120 = arith.constant 0 : index
    %get3A_121 = vector.load %arg13[%get3A_119, %get3A_120] : memref<32x128xf32, #tpu.memory_space<vmem>>, vector<32x128xf32>
    %convert_element_type3A_122 = arith.truncf %reduce_sum3A_118 : vector<256x32xf32> to vector<256x32xbf16>
    %convert_element_type3A_123 = arith.truncf %get3A_121 : vector<32x128xf32> to vector<32x128xbf16>
    %dot_general3A_124 = arith.constant dense<0.000000e+00> : vector<256x128xf32>
    %dot_general3A_125 = tpu.matmul %convert_element_type3A_122, %convert_element_type3A_123, %dot_general3A_124 {dimension_numbers = #tpu.dot_dimension_numbers<[1], [0], [0], [1], [0, 0, 1, 1], [], []>, transpose_lhs_hint = false} : vector<256x32xbf16>, vector<32x128xbf16>, vector<256x128xf32> -> vector<256x128xf32>
    %get3A_126 = arith.constant 0 : index
    %get3A_127 = arith.constant 0 : index
    %get3A_128 = vector.load %arg14[%get3A_126, %get3A_127] : memref<1x128xf32, #tpu.memory_space<vmem>>, vector<1x128xf32>
    %add3A_129 = vector.broadcast %get3A_128 : vector<1x128xf32> to vector<256x128xf32>
    %add3A_130 = arith.addf %dot_general3A_125, %add3A_129 : vector<256x128xf32>
    %get3A_131 = arith.constant 0 : index
    %get3A_132 = arith.constant 0 : index
    %get3A_133 = vector.load %arg4[%get3A_131, %get3A_132] : memref<256x128xf32, #tpu.memory_space<vmem>>, vector<256x128xf32>
    %add3A_134 = arith.addf %get3A_133, %add3A_130 : vector<256x128xf32>
    %swap3A = arith.constant 0 : index
    %swap3A_135 = arith.constant 0 : index
    %swap3A_136 = vector.load %arg15[%swap3A, %swap3A_135] : memref<256x128xf32, #tpu.memory_space<vmem>>, vector<256x128xf32>
    tpu.vector_store %arg15[%swap3A, %swap3A_135], %add3A_134 {strides = array<i32>} : memref<256x128xf32, #tpu.memory_space<vmem>>, vector<256x128xf32>,
    return
  }
  func.func @transform_0(%arg0: i32) -> (i32, i32) {
    %c0_i32 = arith.constant 0 : i32
    %c0_i32_0 = arith.constant 0 : i32
    return %arg0, %c0_i32 : i32, i32
  }
  func.func @transform_1(%arg0: i32) -> (i32, i32) {
    %c0_i32 = arith.constant 0 : i32
    %c0_i32_0 = arith.constant 0 : i32
    return %arg0, %c0_i32 : i32, i32
  }
  func.func @transform_2(%arg0: i32) -> (i32, i32) {
    %c0_i32 = arith.constant 0 : i32
    %c0_i32_0 = arith.constant 0 : i32
    return %arg0, %c0_i32 : i32, i32
  }
  func.func @transform_3(%arg0: i32) -> (i32, i32) {
    %c0_i32 = arith.constant 0 : i32
    %c0_i32_0 = arith.constant 0 : i32
    return %arg0, %c0_i32 : i32, i32
  }
  func.func @transform_4(%arg0: i32) -> (i32, i32) {
    %c0_i32 = arith.constant 0 : i32
    %c0_i32_0 = arith.constant 0 : i32
    %c0_i32_1 = arith.constant 0 : i32
    return %c0_i32, %c0_i32_0 : i32, i32
  }
  func.func @transform_5(%arg0: i32) -> (i32, i32) {
    %c0_i32 = arith.constant 0 : i32
    %c0_i32_0 = arith.constant 0 : i32
    %c0_i32_1 = arith.constant 0 : i32
    return %c0_i32, %c0_i32_0 : i32, i32
  }
  func.func @transform_6(%arg0: i32) -> (i32, i32) {
    %c0_i32 = arith.constant 0 : i32
    %c0_i32_0 = arith.constant 0 : i32
    %c0_i32_1 = arith.constant 0 : i32
    return %c0_i32, %c0_i32_0 : i32, i32
  }
  func.func @transform_7(%arg0: i32) -> (i32, i32) {
    %c0_i32 = arith.constant 0 : i32
    %c0_i32_0 = arith.constant 0 : i32
    %c0_i32_1 = arith.constant 0 : i32
    return %c0_i32, %c0_i32_0 : i32, i32
  }
  func.func @transform_8(%arg0: i32) -> (i32, i32) {
    %c0_i32 = arith.constant 0 : i32
    %c0_i32_0 = arith.constant 0 : i32
    %c0_i32_1 = arith.constant 0 : i32
    return %c0_i32, %c0_i32_0 : i32, i32
  }
  func.func @transform_9(%arg0: i32) -> (i32, i32) {
    %c0_i32 = arith.constant 0 : i32
    %c0_i32_0 = arith.constant 0 : i32
    %c0_i32_1 = arith.constant 0 : i32
    return %c0_i32, %c0_i32_0 : i32, i32
  }
  func.func @transform_10(%arg0: i32) -> (i32, i32) {
    %c0_i32 = arith.constant 0 : i32
    %c0_i32_0 = arith.constant 0 : i32
    %c0_i32_1 = arith.constant 0 : i32
    return %c0_i32, %c0_i32_0 : i32, i32
  }
  func.func @transform_11(%arg0: i32) -> (i32, i32) {
    %c0_i32 = arith.constant 0 : i32
    %c0_i32_0 = arith.constant 0 : i32
    %c0_i32_1 = arith.constant 0 : i32
    return %c0_i32, %c0_i32_0 : i32, i32
  }
  func.func @transform_12(%arg0: i32) -> (i32, i32) {
    %c0_i32 = arith.constant 0 : i32
    %c0_i32_0 = arith.constant 0 : i32
    %c0_i32_1 = arith.constant 0 : i32
    return %c0_i32, %c0_i32_0 : i32, i32
  }
  func.func @transform_13(%arg0: i32) -> (i32, i32) {
    %c0_i32 = arith.constant 0 : i32
    %c0_i32_0 = arith.constant 0 : i32
    %c0_i32_1 = arith.constant 0 : i32
    return %c0_i32, %c0_i32_0 : i32, i32
  }
  func.func @transform_14(%arg0: i32) -> (i32, i32) {
    %c0_i32 = arith.constant 0 : i32
    %c0_i32_0 = arith.constant 0 : i32
    return %arg0, %c0_i32 : i32, i32
  }
}

</mosaic_0001>

<sc_bundles>
// kernel: kernel.11.cloned.1.call-start
scs
__scs_entry_jumppad:
0x0: {  	(pc) =	sbr.rel $0x88, $3  }
0x1: {  	(tag) =	ssettag $0x0;
	lr =	simm.s32 $0x1  }
0x2: {  	[smem:$0x3F8C] =	sst lr;
	_ =	strace $0xD0000000  }
0x3: {  	_ = 	snop  }
0x4: {  	_ = 	snop  }
0x5: {  	_ = 	snop  }
0x6: {  	_ = 	snop  }
0x7: {  	_ = 	snop  }
__scs_overlays_trampoline_lowered:
0x8: {  	[smem:$0x3F9B] =	sst s0  }
0x9: {  	[smem:$0x3F9C] =	sst s1  }
0xa: {  	[smem:$0x3F9D] =	sst s2  }
0xb: {  	[smem:$0x3F9E] =	sst s3  }
0xc: {  	[smem:$0x3F9F] =	sst s4  }
0xd: {  	[smem:$0x3FA0] =	sst s5  }
0xe: {  	[smem:$0x3FA1] =	sst s6  }
0xf: {  	[smem:$0x3FA2] =	sst s7  }
0x10: {  	[smem:$0x3FA3] =	sst s8  }
0x11: {  	[smem:$0x3FA4] =	sst s9;
	s0 =	simm.s32 @!p0 $0x0  }
0x12: {  	s1 =	sld [smem:$0x3F8A];
	s0 =	simm.s32 @p0 $0x1  }
0x13: {  	[smem:$0x3FA5] =	sst s0;
	s0 =	simm.s32 @!p1 $0x0  }
0x14: {  	s2 =	sld [smem:$0x3F89];
	s0 =	simm.s32 @p1 $0x1  }
0x15: {  	[smem:$0x3FA6] =	sst s0;
	s0 =	simm.s32 @!p2 $0x0  }
0x16: {  	s3 =	sld [smem:$0x3FDB];
	s0 =	simm.s32 @p2 $0x1  }
0x17: {  	s4 =	simm.s32 $0x1BF5;
	[smem:$0x3FA8] =	sst s0  }
0x18: {  	s0 =	sld [smem:$0x3F8B];
	_ =	swait.ge [sflag:s4], $0x0  }
0x19: {  	s7 =	sld [smem:$0x3F8C]  }
0x1a: {  	s8 =	sadd.s32 $0xFFFFE003, lr  }
0x1b: {  	s9 =	sadd.s32 $0xFFFFFEF7, lr;
	s5 =	simm.s32 $0xFFFFFFFF;
	p2 =	slt.u32 s8, $0xFFFFF086  }
0x1c: {  	p1 =	slt.u32 s9, $0xF7A;
	s5 =	simm.s32 @!p2 $0x0  }
0x1d: {  	s5 =	simm.s32 @p1 $0x1;
	p0 =	seq.s32 s7, s2  }
0x1e: {  	s7 =	smul.u32 @!p0 $0xF7A, s2;
	p2 =	seq.s32 @!p0 s5, $0x0  }
0x1f: {  	s9 =	smul.u32 $0xF7A, s1;
	s8 =	simm.s32 @!p0 $0x1BF5;
	p2 =	por !p2, p0  }
0x20: {  	[sflag:s8] =	ssyncset.s32 @!p0 $0xFFFFF086;
	s6 =	sadd.s32 @!p0 s3, s7;
	s7 =	simm.s32 @!p0 $0x108  }
0x21: {  	s3 =	sadd.s32 s3, s9;
	s6 =	sadd.s32 @!p0 $0x88, s6;
	s7 =	simm.s32 @p2 $0x1082  }
0x22: {  	[simem:s7], [sflag:s8] =	dma.local @!p0 [hbm:s6], $0xF7A  }
0x23: {  	s9 =	sor.u32 $0xD0000000, s2;
	s6 =	simm.s32 $0x108;
	_ =	swait.ge @!p0 [sflag:s8], $0x0  }
0x24: {  	s3 =	sadd.s32 $0x88, s3;
	s6 =	simm.s32 @!p1 $0x1082;
	[sflag:s4] =	ssyncset.s32 $0xFFFFF086  }
0x25: {  	[simem:s6], [sflag:s4] =	dma.local [hbm:s3], $0xF7A  }
0x26: {  	[smem:$0x3F8C] =	sst s1;
	(tag) =	ssettag s2;
	_ =	strace s9  }
0x27: {  	s1 =	sld [smem:$0x3F9C]  }
0x28: {  	s2 =	sld [smem:$0x3F9D]  }
0x29: {  	s4 =	sld [smem:$0x3F9F]  }
0x2a: {  	p0 =	seq.s32 s5, $0x0;
	s5 =	sld [smem:$0x3FA0]  }
0x2b: {  	s6 =	sld [smem:$0x3FA1]  }
0x2c: {  	s7 =	sld [smem:$0x3FA2]  }
0x2d: {  	s3 =	simm.s32 $0x108;
	s8 =	sld [smem:$0x3FA3]  }
0x2e: {  	s3 =	simm.s32 @!p0 $0x1082;
	s9 =	sld [smem:$0x3FA4]  }
0x2f: {  	lr =	sadd.s32 s0, s3;
	s0 =	sld [smem:$0x3F9B]  }
0x30: {  	s3 =	sld [smem:$0x3F9E]  }
0x31: {  	[smem:$0x3FA7] =	sst s10  }
0x32: {  	s10 =	sld [smem:$0x3FA5];
	_ =	sdelay $0x3  }
0x33: {  	p0 =	seq.s32 s10, $0x1;
	s10 =	sld [smem:$0x3FA7];
	_ =	sdelay $0x3  }
0x34: {  	[smem:$0x3FA7] =	sst s10  }
0x35: {  	s10 =	sld [smem:$0x3FA6];
	_ =	sdelay $0x3  }
0x36: {  	p1 =	seq.s32 s10, $0x1;
	s10 =	sld [smem:$0x3FA7];
	_ =	sdelay $0x3  }
0x37: {  	[smem:$0x3FA7] =	sst s10  }
0x38: {  	s10 =	sld [smem:$0x3FA8]  }
0x39: {  	_ = 	snop;
	(pc) =	sbr.ind lr, $3  }
0x3a: {  	_ = 	snop  }
0x3b: {  	_ = 	snop  }
0x3c: {  	p2 =	seq.s32 s10, $0x1;
	s10 =	sld [smem:$0x3FA7]  }
0x3d: {  	_ =	shalt  }
0x3e: {  	_ =	shalt  }
0x3f: {  	_ =	shalt  }
0x40: {  	_ =	shalt  }
0x41: {  	_ =	shalt  }
0x42: {  	_ =	shalt  }
0x43: {  	_ =	shalt  }
0x44: {  	_ =	shalt  }
0x45: {  	_ =	shalt  }
0x46: {  	_ =	shalt  }
0x47: {  	_ =	shalt  }
0x48: {  	_ =	shalt  }
0x49: {  	_ =	shalt  }
0x4a: {  	_ =	shalt  }
0x4b: {  	_ =	shalt  }
0x4c: {  	_ =	shalt  }
0x4d: {  	_ =	shalt  }
0x4e: {  	_ =	shalt  }
0x4f: {  	_ =	shalt  }
0x50: {  	_ =	shalt  }
0x51: {  	_ =	shalt  }
0x52: {  	_ =	shalt  }
0x53: {  	_ =	shalt  }
0x54: {  	_ =	shalt  }
0x55: {  	_ =	shalt  }
0x56: {  	_ =	shalt  }
0x57: {  	_ =	shalt  }
0x58: {  	_ =	shalt  }
0x59: {  	_ =	shalt  }
0x5a: {  	_ =	shalt  }
0x5b: {  	_ =	shalt  }
0x5c: {  	_ =	shalt  }
0x5d: {  	_ =	shalt  }
0x5e: {  	_ =	shalt  }
0x5f: {  	_ =	shalt  }
0x60: {  	_ =	shalt  }
0x61: {  	_ =	shalt  }
0x62: {  	_ =	shalt  }
0x63: {  	_ =	shalt  }
0x64: {  	_ =	shalt  }
0x65: {  	_ =	shalt  }
0x66: {  	_ =	shalt  }
0x67: {  	_ =	shalt  }
0x68: {  	_ =	shalt  }
0x69: {  	_ =	shalt  }
0x6a: {  	_ =	shalt  }
0x6b: {  	_ =	shalt  }
0x6c: {  	_ =	shalt  }
0x6d: {  	_ =	shalt  }
0x6e: {  	_ =	shalt  }
0x6f: {  	_ =	shalt  }
0x70: {  	_ =	shalt  }
0x71: {  	_ =	shalt  }
0x72: {  	_ =	shalt  }
0x73: {  	_ =	shalt  }
0x74: {  	_ =	shalt  }
0x75: {  	_ =	shalt  }
0x76: {  	_ =	shalt  }
0x77: {  	_ =	shalt  }
0x78: {  	_ =	shalt  }
0x79: {  	_ =	shalt  }
0x7a: {  	_ =	shalt  }
0x7b: {  	_ =	shalt  }
0x7c: {  	_ =	shalt  }
0x7d: {  	_ =	shalt  }
0x7e: {  	_ =	shalt  }
0x7f: {  	_ =	shalt  }
0x80: {  	_ =	shalt  }
0x81: {  	_ =	shalt  }
0x82: {  	_ =	shalt  }
0x83: {  	_ =	shalt  }
0x84: {  	_ =	shalt  }
0x85: {  	_ =	shalt  }
0x86: {  	_ =	shalt  }
0x87: {  	_ =	shalt  }
.Lfunc_end0:
.L_simem_size_0:
called_computation.1_lowered:
.L_overlay_start_0:
0x88: {  	s2 =	sld [smem:$0x3FD9]  }
0x89: {  	s3 =	sld [smem:$0x3FFE];
	_ =	sdelay $0x1  }
0x8a: {  	s1 =	srdreg.scid  }
0x8b: {  	s0 =	sand.u32 $0x1, s1  }
0x8c: {  	s16 =	sshll.u32 s0, $0xA;
	s2 =	sadd.s32 s3, s2  }
0x8d: {  	s2 =	sadd.s32 s2, s16  }
0x8e: {  	[smem:$0x3FB3] =	sst s2  }
0x8f: {  	_ = 	snop  }
0x90: {  	(tm) =	ssettm $0x1  }
0x91: {  	s17 =	sld [smem:$0x3FFB];
	_ =	sdelay $0x3  }
0x92: {  	_ =	strace s17  }
0x93: {  	s2 =	sld [smem:$0x3FFC];
	_ =	sdelay $0x3  }
0x94: {  	_ =	strace s2  }
0x95: {  	s2 =	sld [smem:$0x3FFD];
	_ =	sdelay $0x3  }
0x96: {  	_ =	strace s2  }
0x97: {  	_ =	strace $0x8FFFFFFF  }
0x98: {  	s18 =	sld [smem:$0x3FDB];
	_ =	sdelay $0x1  }
0x99: {  	s19 =	simm.s32 $_scs_section_size  }
0x9a: {  	s4 =	simm.s32 $_size__tile_overlayer_lowered;
	s5 =	simm.s32 $_tile_overlayer_lowered  }
0x9b: {  	s22 =	simm.s32 $0x1BFF;
	s21 =	sshll.u32 s5, $0x1;
	s2 =	sadd.s32 s19, s18  }
0x9c: {  	s6 =	simm.s32 $0x0;
	s20 =	sshll.u32 s4, $0x1;
	s4 =	sadd.s32 s21, s2  }
0x9d: {  	[timem:s6], [sflag:s22] =	dma.local [hbm:s4], s20  }
0x9e: {  	_ =	swait.ge [sflag:s22], s20  }
0x9f: {  	s3 =	ssub.s32 $0x0, s20;
	[sflag:s22] =	ssyncset.done $0x0  }
0xa0: {  	[sflag:s22] =	ssyncadd.s32 s3;
	_ =	sdelay $0x1  }
0xa1: {  	s23 =	simm.s32 $0x1B8B  }
0xa2: {  	_ =	swait.ge [sflag:s23], $0x1  }
0xa3: {  	[sflag:s23] =	ssyncset.done $0x0  }
0xa4: {  	s25 =	simm.s32 $0x1B8E;
	s24 =	sld [smem:$0x3FFE];
	[sflag:s23] =	ssyncadd.s32 $0xFFFFFFFF  }
0xa5: {  	s26 =	simm.s32 $execute0_lowered;
	[smem:$0x3FD2] =	sst s25  }
0xa6: {  	s4 =	sshll.u32 s26, $0x1;
	_ =	strace $0x80000046;
	[dreg:$0x1] =	wrdreg $0xFFFFFFFF  }
0xa7: {  	s28 =	simm.s32 $_size_execute0_lowered;
	s2 =	sadd.s32 s2, s4;
	[dreg:$0x0] =	wrdreg $0x0  }
0xa8: {  	s4 =	sshll.u32 s28, $0x1;
	[dreg:$0x2] =	wrdreg s2  }
0xa9: {  	[dreg:$0x3] =	wrdreg s4  }
0xaa: {  	[dreg:$0x4] =	wrdreg $0xC0  }
0xab: {  	_ =	task [dreg:s6], $0x5FFFF  }
0xac: {  	[dreg:$0x1] =	wrdreg $0xFFFFFFFF  }
0xad: {  	[dreg:$0x0] =	wrdreg $0x60  }
0xae: {  	[dreg:$0x2] =	wrdreg s24  }
0xaf: {  	[dreg:$0x3] =	wrdreg $0xA  }
0xb0: {  	_ =	task.clear_ibuf [dreg:s6], $0x4FFFF;
	_ =	strace $0x90000046  }
0xb1: {  	s29 =	simm.s32 $0xA;
	_ =	strace $0x80000048  }
0xb2: {  	_ =	swait.ge [sflag:s29], $0x1  }
0xb3: {  	[sflag:s29] =	ssyncadd.s32 $0xFFFFFFFF  }
0xb4: {  	_ =	strace $0x90000048  }
0xb5: {  	_ =	sfence  }
0xb6: {  	s30 =	sld [smem:$0x0];
	_ =	sdelay $0x2  }
0xb7: {  	s31 =	sshll.u32 s1, $0xD;
	s1 =	sshrl.u32 s1, $0x2  }
0xb8: {  	s3 =	sand.u32 $0x4000, s31;
	s1 =	sadd.s32 s1, s30  }
0xb9: {  	s0 =	sor.u32 s3, s0;
	s1 =	sshll.u32 s1, $0x11  }
0xba: {  	s0 =	sor.u32 s1, s0  }
0xbb: {  	s0 =	sadd.s32 $0x8F2B, s0  }
0xbc: {  	[sflag:s0] =	ssyncadd.remote.s32 $0x1  }
0xbd: {  	_ =	sfence.sel $0xFFFF  }
0xbe: {  	[dreg:$0x0] =	wrdreg $0xFFFFFFFF;
	(pc) =	sbr.abs _section_cstart, $3  }
0xbf: {  	[dreg:$0x1] =	wrdreg $0xFFFFFFFF  }
0xc0: {  	_ =	task.clear_ibuf [dreg:s6], $0x2FFFF;
	_ =	strace $0x9FFFFFFF  }
0xc1: {  	(tm) =	ssettm $0x7FFFFFFF  }
tec
execute0_lowered:
.L_overlay_start_1:
0x0: {  	(tag) =	ssettag $0x1  }
0x1: {  	s4 =	rddreg [dreg:$0x0]  }
0x2: {  	s0 =	rddreg [dreg:$0x1];
	s2 =	simm.s32 $0x0;
	s3 =	srdreg.scid  }
0x3: {  	s1 =	stileid.u32;
	s10 =	simm.s32 $0x0;
	[smem:$0x7FF] =	sst s2  }
0x4: {  	s5 =	sand.u32 $0x1, s3;
	s6 =	sshll.u32 s1, $0xD;
	s3 =	sadd.s32 $0x44E00, s4  }
0x5: {  	s8 =	sshll.u32 s1, $0x11;
	_ =	strace $0x80000047;
	s7 =	sshll.u32 s5, $0xC  }
0x6: {  	s31 =	ssub.s32 $0x2, s5;
	s8 =	sadd.s32 s8, s4;
	s5 =	sshll.u32 s5, $0x10  }
0x7: {  	s6 =	sor.u32 s7, s6;
	s9 =	sshrl.u32 s31, $0x1;
	s5 =	sadd.s32 s5, s8  }
0x8: {  	s8 =	simm.s32 $0x80;
	s6 =	sshrl.u32 s6, $0x3;
	s7 =	ssub.s32 s31, s9  }
0x9: {  	s5 =	sadd.s32 $0x68E00, s5;
	s9 =	simm.s32 $0x1;
	s6 =	sadd.s32 s6, s4  }
0xa: {  	s4 =	smax.u32 s7, $0x1;
	s7 =	simm.s32 $0x2;
	s6 =	sadd.s32 $0x64E00, s6  }
.LBB2_1:
0xb: {  	s11 =	sadd.s32 $0x0, s6  }
0xc: {  	[tilespmem:s2], [sflag:$0x2] =	stream.linear.gather [hbm4b:s11+s2], $0x80, $0x38;
	[tilespmem:$0x4080] =	vst v63  }
0xd: {  	_ =	swait.ge [sflag:s7], $0x80  }
0xe: {  	[sflag:s7] =	ssyncset.done $0x0  }
0xf: {  	[sflag:s7] =	ssyncadd.s32 $0xFFFFFF80  }
0x10: {  	[tilespmem:s8], [sflag:$0x1] =	stream.indirect.gather [hbm4b:s3+s8], $0x80, s2, s8, $0xb8;
	[tilespmem:$0x4080] =	vst v63  }
0x11: {  	_ =	swait.ge [sflag:s9], $0x4000  }
0x12: {  	[sflag:s9] =	ssyncset.done $0x0  }
0x13: {  	[sflag:s9] =	ssyncadd.s32 $0xFFFFC000  }
0x14: {  	[hbm4b:s5+s2] =	stream.linear.scatter [tilespmem:s8], [sflag:$0x2], $0x4000, $0x38;
	[tilespmem:$0x4080] =	vst v63  }
0x15: {  	s12 =	simm.s32 $0x10;
	_ =	swait.ge [sflag:s7], $0x4000  }
0x16: {  	s13 =	simm.s32 $0x20;
	s11 =	sadd.s32 $0x800, s5;
	[sflag:s7] =	ssyncset.done $0x0  }
.LBB2_2:
0x17: {  	s14 =	sadd.s32 s12, s6  }
0x18: {  	[sflag:s7] =	ssyncadd.s32 $0xFFFFC000;
	s12 =	smov.u32 s13;
	s15 =	sadd.s32 $0x10, s13  }
0x19: {  	[tilespmem:s2], [sflag:$0x2] =	stream.linear.gather [hbm4b:s14+s2], $0x80, $0x38;
	[tilespmem:$0x4080] =	vst v63  }
0x1a: {  	p0 =	sne.s32 s13, $0x1F0;
	_ =	swait.ge [sflag:s7], $0x80  }
0x1b: {  	[sflag:s7] =	ssyncset.done $0x0  }
0x1c: {  	[sflag:s7] =	ssyncadd.s32 $0xFFFFFF80  }
0x1d: {  	[tilespmem:s8], [sflag:$0x1] =	stream.indirect.gather [hbm4b:s3+s8], $0x80, s2, s8, $0xb8;
	[tilespmem:$0x4080] =	vst v63  }
0x1e: {  	_ =	swait.ge [sflag:s9], $0x4000  }
.Ltmp0:
0x1f: {  	[sflag:s9] =	ssyncset.done $0x0;
	(pc) =	sbr.rel @p0 .LBB2_2-.Ltmp0, $4  }
0x20: {  	[sflag:s9] =	ssyncadd.s32 $0xFFFFC000  }
0x21: {  	[hbm4b:s11+s2] =	stream.linear.scatter [tilespmem:s8], [sflag:$0x2], $0x4000, $0x38;
	[tilespmem:$0x4080] =	vst v63  }
0x22: {  	_ =	swait.ge [sflag:s7], $0x4000  }
0x23: {  	s13 =	smov.u32 s15;
	s11 =	sadd.s32 $0x800, s11;
	[sflag:s7] =	ssyncset.done $0x0  }
0x24: {  	s12 =	sadd.s32 s12, s6;
	[sflag:s7] =	ssyncadd.s32 $0xFFFFC000  }
0x25: {  	[tilespmem:s2], [sflag:$0x2] =	stream.linear.gather [hbm4b:s12+s2], $0x80, $0x38;
	[tilespmem:$0x4080] =	vst v63  }
0x26: {  	_ =	swait.ge [sflag:s7], $0x80  }
0x27: {  	[sflag:s7] =	ssyncset.done $0x0  }
0x28: {  	[sflag:s7] =	ssyncadd.s32 $0xFFFFFF80  }
0x29: {  	[tilespmem:s8], [sflag:$0x1] =	stream.indirect.gather [hbm4b:s3+s8], $0x80, s2, s8, $0xb8;
	[tilespmem:$0x4080] =	vst v63  }
0x2a: {  	s10 =	sadd.s32 $0x1, s10;
	_ =	swait.ge [sflag:s9], $0x4000  }
0x2b: {  	p0 =	sne.s32 s10, s4;
	[sflag:s9] =	ssyncset.done $0x0  }
.Ltmp1:
0x2c: {  	[sflag:s9] =	ssyncadd.s32 $0xFFFFC000;
	(pc) =	sbr.rel @p0 .LBB2_1-.Ltmp1, $4  }
0x2d: {  	[hbm4b:s11+s2] =	stream.linear.scatter [tilespmem:s8], [sflag:$0x2], $0x4000, $0x38;
	[tilespmem:$0x4080] =	vst v63  }
0x2e: {  	_ =	swait.ge [sflag:s7], $0x4000  }
0x2f: {  	[sflag:s7] =	ssyncset.done $0x0  }
0x30: {  	[sflag:s7] =	ssyncadd.s32 $0xFFFFC000  }
0x31: {  	_ =	sfence.sel $0x180000  }
0x32: {  	[bflag:$0x0] =	sbarrier.arrive $0xFFFF  }
0x33: {  	p0 =	sne.s32 s1, $0x0;
	_ =	strace $0x90000047  }
0x34: {  	s0 =	sadd.s32 @!p0 $0x100000, s0;
	[bflag:$0x2] =	sbarrier.arrive $0xFFFF  }
0x35: {  	[sflag:s0] =	ssyncadd.tile.s32 @!p0 $0x1;
	_ =	shalt  }
.Lfunc_end2:
_tile_overlayer_lowered:
.L_overlay_start_2:
0x36: {  	(tag) =	ssettag $0x2  }
0x37: {  	s0 =	rddreg [dreg:$0x0];
	s2 =	stileid.u32  }
0x38: {  	s1 =	rddreg [dreg:$0x1];
	p0 =	sne.s32 s2, $0x0  }
0x39: {  	s3 =	rddreg [dreg:$0x2];
	[bflag:$0x3] =	sbarrier.arrive $0xFFFF;
	s2 =	simm.s32 @!p0 $0x1C02  }
0x3a: {  	[timem:s3], [sflag:s2] =	dma.local @!p0 [hbm:s0], s1  }
0x3b: {  	s0 =	simm.s32 @!p0 $0x2  }
0x3c: {  	_ =	swait.ge @!p0 [sflag:s0], s1  }
0x3d: {  	s1 =	ssub.s32 @!p0 $0x0, s1;
	[sflag:s0] =	ssyncset.done @!p0 $0x0  }
0x3e: {  	[sflag:s0] =	ssyncadd.s32 @!p0 s1  }
0x3f: {  	[bflag:$0x3] =	sbarrier.arrive $0xFFFF  }
0x40: {  	_ =	shalt  }

// kernel: kernel.8.cloned.1.call-start
scs
__scs_entry_jumppad:
0x0: {  	(pc) =	sbr.rel $0x88, $3  }
0x1: {  	(tag) =	ssettag $0x0;
	lr =	simm.s32 $0x1  }
0x2: {  	[smem:$0x3F8C] =	sst lr;
	_ =	strace $0xD0000000  }
0x3: {  	_ = 	snop  }
0x4: {  	_ = 	snop  }
0x5: {  	_ = 	snop  }
0x6: {  	_ = 	snop  }
0x7: {  	_ = 	snop  }
__scs_overlays_trampoline_lowered:
0x8: {  	[smem:$0x3F9B] =	sst s0  }
0x9: {  	[smem:$0x3F9C] =	sst s1  }
0xa: {  	[smem:$0x3F9D] =	sst s2  }
0xb: {  	[smem:$0x3F9E] =	sst s3  }
0xc: {  	[smem:$0x3F9F] =	sst s4  }
0xd: {  	[smem:$0x3FA0] =	sst s5  }
0xe: {  	[smem:$0x3FA1] =	sst s6  }
0xf: {  	[smem:$0x3FA2] =	sst s7  }
0x10: {  	[smem:$0x3FA3] =	sst s8  }
0x11: {  	[smem:$0x3FA4] =	sst s9;
	s0 =	simm.s32 @!p0 $0x0  }
0x12: {  	s1 =	sld [smem:$0x3F8A];
	s0 =	simm.s32 @p0 $0x1  }
0x13: {  	[smem:$0x3FA5] =	sst s0;
	s0 =	simm.s32 @!p1 $0x0  }
0x14: {  	s2 =	sld [smem:$0x3F89];
	s0 =	simm.s32 @p1 $0x1  }
0x15: {  	[smem:$0x3FA6] =	sst s0;
	s0 =	simm.s32 @!p2 $0x0  }
0x16: {  	s3 =	sld [smem:$0x3FDB];
	s0 =	simm.s32 @p2 $0x1  }
0x17: {  	s4 =	simm.s32 $0x1BF5;
	[smem:$0x3FA8] =	sst s0  }
0x18: {  	s0 =	sld [smem:$0x3F8B];
	_ =	swait.ge [sflag:s4], $0x0  }
0x19: {  	s7 =	sld [smem:$0x3F8C]  }
0x1a: {  	s8 =	sadd.s32 $0xFFFFE003, lr  }
0x1b: {  	s9 =	sadd.s32 $0xFFFFFEF7, lr;
	s5 =	simm.s32 $0xFFFFFFFF;
	p2 =	slt.u32 s8, $0xFFFFF086  }
0x1c: {  	p1 =	slt.u32 s9, $0xF7A;
	s5 =	simm.s32 @!p2 $0x0  }
0x1d: {  	s5 =	simm.s32 @p1 $0x1;
	p0 =	seq.s32 s7, s2  }
0x1e: {  	s7 =	smul.u32 @!p0 $0xF7A, s2;
	p2 =	seq.s32 @!p0 s5, $0x0  }
0x1f: {  	s9 =	smul.u32 $0xF7A, s1;
	s8 =	simm.s32 @!p0 $0x1BF5;
	p2 =	por !p2, p0  }
0x20: {  	[sflag:s8] =	ssyncset.s32 @!p0 $0xFFFFF086;
	s6 =	sadd.s32 @!p0 s3, s7;
	s7 =	simm.s32 @!p0 $0x108  }
0x21: {  	s3 =	sadd.s32 s3, s9;
	s6 =	sadd.s32 @!p0 $0x88, s6;
	s7 =	simm.s32 @p2 $0x1082  }
0x22: {  	[simem:s7], [sflag:s8] =	dma.local @!p0 [hbm:s6], $0xF7A  }
0x23: {  	s9 =	sor.u32 $0xD0000000, s2;
	s6 =	simm.s32 $0x108;
	_ =	swait.ge @!p0 [sflag:s8], $0x0  }
0x24: {  	s3 =	sadd.s32 $0x88, s3;
	s6 =	simm.s32 @!p1 $0x1082;
	[sflag:s4] =	ssyncset.s32 $0xFFFFF086  }
0x25: {  	[simem:s6], [sflag:s4] =	dma.local [hbm:s3], $0xF7A  }
0x26: {  	[smem:$0x3F8C] =	sst s1;
	(tag) =	ssettag s2;
	_ =	strace s9  }
0x27: {  	s1 =	sld [smem:$0x3F9C]  }
0x28: {  	s2 =	sld [smem:$0x3F9D]  }
0x29: {  	s4 =	sld [smem:$0x3F9F]  }
0x2a: {  	p0 =	seq.s32 s5, $0x0;
	s5 =	sld [smem:$0x3FA0]  }
0x2b: {  	s6 =	sld [smem:$0x3FA1]  }
0x2c: {  	s7 =	sld [smem:$0x3FA2]  }
0x2d: {  	s3 =	simm.s32 $0x108;
	s8 =	sld [smem:$0x3FA3]  }
0x2e: {  	s3 =	simm.s32 @!p0 $0x1082;
	s9 =	sld [smem:$0x3FA4]  }
0x2f: {  	lr =	sadd.s32 s0, s3;
	s0 =	sld [smem:$0x3F9B]  }
0x30: {  	s3 =	sld [smem:$0x3F9E]  }
0x31: {  	[smem:$0x3FA7] =	sst s10  }
0x32: {  	s10 =	sld [smem:$0x3FA5];
	_ =	sdelay $0x3  }
0x33: {  	p0 =	seq.s32 s10, $0x1;
	s10 =	sld [smem:$0x3FA7];
	_ =	sdelay $0x3  }
0x34: {  	[smem:$0x3FA7] =	sst s10  }
0x35: {  	s10 =	sld [smem:$0x3FA6];
	_ =	sdelay $0x3  }
0x36: {  	p1 =	seq.s32 s10, $0x1;
	s10 =	sld [smem:$0x3FA7];
	_ =	sdelay $0x3  }
0x37: {  	[smem:$0x3FA7] =	sst s10  }
0x38: {  	s10 =	sld [smem:$0x3FA8]  }
0x39: {  	_ = 	snop;
	(pc) =	sbr.ind lr, $3  }
0x3a: {  	_ = 	snop  }
0x3b: {  	_ = 	snop  }
0x3c: {  	p2 =	seq.s32 s10, $0x1;
	s10 =	sld [smem:$0x3FA7]  }
0x3d: {  	_ =	shalt  }
0x3e: {  	_ =	shalt  }
0x3f: {  	_ =	shalt  }
0x40: {  	_ =	shalt  }
0x41: {  	_ =	shalt  }
0x42: {  	_ =	shalt  }
0x43: {  	_ =	shalt  }
0x44: {  	_ =	shalt  }
0x45: {  	_ =	shalt  }
0x46: {  	_ =	shalt  }
0x47: {  	_ =	shalt  }
0x48: {  	_ =	shalt  }
0x49: {  	_ =	shalt  }
0x4a: {  	_ =	shalt  }
0x4b: {  	_ =	shalt  }
0x4c: {  	_ =	shalt  }
0x4d: {  	_ =	shalt  }
0x4e: {  	_ =	shalt  }
0x4f: {  	_ =	shalt  }
0x50: {  	_ =	shalt  }
0x51: {  	_ =	shalt  }
0x52: {  	_ =	shalt  }
0x53: {  	_ =	shalt  }
0x54: {  	_ =	shalt  }
0x55: {  	_ =	shalt  }
0x56: {  	_ =	shalt  }
0x57: {  	_ =	shalt  }
0x58: {  	_ =	shalt  }
0x59: {  	_ =	shalt  }
0x5a: {  	_ =	shalt  }
0x5b: {  	_ =	shalt  }
0x5c: {  	_ =	shalt  }
0x5d: {  	_ =	shalt  }
0x5e: {  	_ =	shalt  }
0x5f: {  	_ =	shalt  }
0x60: {  	_ =	shalt  }
0x61: {  	_ =	shalt  }
0x62: {  	_ =	shalt  }
0x63: {  	_ =	shalt  }
0x64: {  	_ =	shalt  }
0x65: {  	_ =	shalt  }
0x66: {  	_ =	shalt  }
0x67: {  	_ =	shalt  }
0x68: {  	_ =	shalt  }
0x69: {  	_ =	shalt  }
0x6a: {  	_ =	shalt  }
0x6b: {  	_ =	shalt  }
0x6c: {  	_ =	shalt  }
0x6d: {  	_ =	shalt  }
0x6e: {  	_ =	shalt  }
0x6f: {  	_ =	shalt  }
0x70: {  	_ =	shalt  }
0x71: {  	_ =	shalt  }
0x72: {  	_ =	shalt  }
0x73: {  	_ =	shalt  }
0x74: {  	_ =	shalt  }
0x75: {  	_ =	shalt  }
0x76: {  	_ =	shalt  }
0x77: {  	_ =	shalt  }
0x78: {  	_ =	shalt  }
0x79: {  	_ =	shalt  }
0x7a: {  	_ =	shalt  }
0x7b: {  	_ =	shalt  }
0x7c: {  	_ =	shalt  }
0x7d: {  	_ =	shalt  }
0x7e: {  	_ =	shalt  }
0x7f: {  	_ =	shalt  }
0x80: {  	_ =	shalt  }
0x81: {  	_ =	shalt  }
0x82: {  	_ =	shalt  }
0x83: {  	_ =	shalt  }
0x84: {  	_ =	shalt  }
0x85: {  	_ =	shalt  }
0x86: {  	_ =	shalt  }
0x87: {  	_ =	shalt  }
.Lfunc_end0:
.L_simem_size_0:
called_computation_lowered:
.L_overlay_start_0:
0x88: {  	s2 =	sld [smem:$0x3FD9]  }
0x89: {  	s3 =	sld [smem:$0x3FFE];
	_ =	sdelay $0x1  }
0x8a: {  	s1 =	srdreg.scid  }
0x8b: {  	s0 =	sand.u32 $0x1, s1  }
0x8c: {  	s17 =	sshll.u32 s0, $0xA;
	s2 =	sadd.s32 s3, s2  }
0x8d: {  	s2 =	sadd.s32 s2, s17  }
0x8e: {  	[smem:$0x3FB3] =	sst s2  }
0x8f: {  	_ = 	snop  }
0x90: {  	(tm) =	ssettm $0x1  }
0x91: {  	s18 =	sld [smem:$0x3FFB];
	_ =	sdelay $0x3  }
0x92: {  	_ =	strace s18  }
0x93: {  	s2 =	sld [smem:$0x3FFC];
	_ =	sdelay $0x3  }
0x94: {  	_ =	strace s2  }
0x95: {  	s2 =	sld [smem:$0x3FFD];
	_ =	sdelay $0x3  }
0x96: {  	_ =	strace s2  }
0x97: {  	_ =	strace $0x8FFFFFFF  }
0x98: {  	s19 =	sld [smem:$0x3FDB];
	_ =	sdelay $0x1  }
0x99: {  	s20 =	simm.s32 $_scs_section_size  }
0x9a: {  	s4 =	simm.s32 $_size__tile_overlayer_lowered;
	s5 =	simm.s32 $_tile_overlayer_lowered  }
0x9b: {  	s6 =	simm.s32 $0x1BFF;
	s21 =	sshll.u32 s5, $0x1;
	s3 =	sadd.s32 s20, s19  }
0x9c: {  	s22 =	simm.s32 $0x0;
	s4 =	sshll.u32 s4, $0x1;
	s5 =	sadd.s32 s21, s3  }
0x9d: {  	[timem:s22], [sflag:s6] =	dma.local [hbm:s5], s4  }
0x9e: {  	_ =	swait.ge [sflag:s6], s4  }
0x9f: {  	s4 =	ssub.s32 $0x0, s4;
	[sflag:s6] =	ssyncset.done $0x0  }
0xa0: {  	[sflag:s6] =	ssyncadd.s32 s4;
	_ =	sdelay $0x1  }
0xa1: {  	s23 =	simm.s32 $0x1B8B  }
0xa2: {  	_ =	swait.ge [sflag:s23], $0x1  }
0xa3: {  	[sflag:s23] =	ssyncset.done $0x0  }
0xa4: {  	[sflag:s23] =	ssyncadd.s32 $0xFFFFFFFF  }
0xa5: {  	s4 =	sld [smem:$0x0]  }
0xa6: {  	s5 =	sand.u32 $0xFFFFFFFE, s1  }
0xa7: {  	p0 =	sne.s32 s1, s5  }
0xa8: {  	s5 =	sshll.u32 @p0 s5, $0xE  }
0xa9: {  	s5 =	sadd.s32 @p0 $0x11B8D, s5;
	s6 =	sshll.u32 @p0 s4, $0x11  }
0xaa: {  	s5 =	sor.u32 @p0 s6, s5  }
0xab: {  	[sflag:s5] =	ssyncadd.remote.s32 @p0 $0x1;
	_ =	sdelay $0x1  }
0xac: {  	s5 =	simm.s32 @p0 $0x1B8D  }
0xad: {  	_ =	swait.eq @p0 [sflag:s5], $0x1  }
0xae: {  	[sflag:s5] =	ssyncadd.s32 @p0 $0xFFFFFFFF  }
0xaf: {  	s6 =	sshll.u32 @!p0 s1, $0xE  }
0xb0: {  	s6 =	sor.u32 @!p0 $0x4000, s6;
	s5 =	simm.s32 @!p0 $0x1B8D  }
0xb1: {  	s4 =	sshll.u32 @!p0 s4, $0x11;
	s6 =	sadd.s32 @!p0 $0x11B8D, s6;
	_ =	swait.eq @!p0 [sflag:s5], $0x1  }
0xb2: {  	s4 =	sor.u32 @!p0 s4, s6;
	[sflag:s5] =	ssyncadd.s32 @!p0 $0xFFFFFFFF  }
0xb3: {  	s25 =	simm.s32 $0x1B8E;
	s24 =	sld [smem:$0x3FFE];
	[sflag:s4] =	ssyncadd.remote.s32 @!p0 $0x1  }
0xb4: {  	s26 =	simm.s32 $execute0_lowered;
	[smem:$0x3FD2] =	sst s25  }
0xb5: {  	s5 =	sshll.u32 s26, $0x1;
	_ =	strace $0x80000049;
	[dreg:$0x1] =	wrdreg $0xFFFFFFFF  }
0xb6: {  	s28 =	simm.s32 $_size_execute0_lowered;
	s3 =	sadd.s32 s3, s5;
	[dreg:$0x0] =	wrdreg $0x0  }
0xb7: {  	s5 =	sshll.u32 s28, $0x1;
	[dreg:$0x2] =	wrdreg s3  }
0xb8: {  	[dreg:$0x3] =	wrdreg s5  }
0xb9: {  	[dreg:$0x4] =	wrdreg $0xC0  }
0xba: {  	_ =	task [dreg:s22], $0x5FFFF  }
0xbb: {  	[dreg:$0x1] =	wrdreg $0xFFFFFFFF  }
0xbc: {  	[dreg:$0x0] =	wrdreg $0x60  }
0xbd: {  	[dreg:$0x2] =	wrdreg s24  }
0xbe: {  	[dreg:$0x3] =	wrdreg $0x9  }
0xbf: {  	_ =	task.clear_ibuf [dreg:s22], $0x4FFFF;
	_ =	strace $0x90000049  }
0xc0: {  	s29 =	simm.s32 $0x9;
	_ =	strace $0x8000004B  }
0xc1: {  	_ =	swait.ge [sflag:s29], $0x1  }
0xc2: {  	[sflag:s29] =	ssyncadd.s32 $0xFFFFFFFF  }
0xc3: {  	_ =	strace $0x9000004B  }
0xc4: {  	_ =	sfence  }
0xc5: {  	s30 =	sld [smem:$0x0];
	_ =	sdelay $0x2  }
0xc6: {  	s31 =	sshll.u32 s1, $0xD;
	s1 =	sshrl.u32 s1, $0x2  }
0xc7: {  	s4 =	sand.u32 $0x4000, s31;
	s1 =	sadd.s32 s1, s30  }
0xc8: {  	s0 =	sor.u32 s4, s0;
	s1 =	sshll.u32 s1, $0x11  }
0xc9: {  	s0 =	sor.u32 s1, s0  }
0xca: {  	s0 =	sadd.s32 $0x8F2B, s0  }
0xcb: {  	[sflag:s0] =	ssyncadd.remote.s32 $0x1  }
0xcc: {  	_ =	sfence.sel $0xFFFF  }
0xcd: {  	[dreg:$0x0] =	wrdreg $0xFFFFFFFF;
	(pc) =	sbr.abs _section_cstart, $3  }
0xce: {  	[dreg:$0x1] =	wrdreg $0xFFFFFFFF  }
0xcf: {  	_ =	task.clear_ibuf [dreg:s22], $0x2FFFF;
	_ =	strace $0x9FFFFFFF  }
0xd0: {  	(tm) =	ssettm $0x7FFFFFFF  }
0xd1: {  	_ =	shalt  }
tec
execute0_lowered:
.L_overlay_start_1:
0x0: {  	(tag) =	ssettag $0x1  }
0x1: {  	s4 =	rddreg [dreg:$0x0]  }
0x2: {  	s0 =	rddreg [dreg:$0x1];
	s2 =	simm.s32 $0x0;
	s3 =	srdreg.scid  }
0x3: {  	s1 =	stileid.u32;
	s10 =	simm.s32 $0x0;
	[smem:$0x7FF] =	sst s2  }
0x4: {  	s5 =	sand.u32 $0x1, s3;
	s6 =	sshll.u32 s1, $0xD;
	s3 =	sadd.s32 $0x268E00, s4  }
0x5: {  	s8 =	sshll.u32 s1, $0x11;
	_ =	strace $0x8000004A;
	s7 =	sshll.u32 s5, $0xC  }
0x6: {  	s31 =	ssub.s32 $0x2, s5;
	s8 =	sadd.s32 s8, s4;
	s5 =	sshll.u32 s5, $0x10  }
0x7: {  	s6 =	sor.u32 s7, s6;
	s9 =	sshrl.u32 s31, $0x1;
	s5 =	sadd.s32 s5, s8  }
0x8: {  	s8 =	simm.s32 $0x80;
	s6 =	sshrl.u32 s6, $0x3;
	s7 =	ssub.s32 s31, s9  }
0x9: {  	s5 =	sadd.s32 $0x2ACE00, s5;
	s9 =	simm.s32 $0x1;
	s6 =	sadd.s32 s6, s4  }
0xa: {  	s4 =	smax.u32 s7, $0x1;
	s7 =	simm.s32 $0x2;
	s6 =	sadd.s32 $0x2A8E00, s6  }
.LBB2_1:
0xb: {  	s11 =	sadd.s32 $0x0, s6  }
0xc: {  	[tilespmem:s2], [sflag:$0x2] =	stream.linear.gather [hbm4b:s11+s2], $0x80, $0x38;
	[tilespmem:$0x4080] =	vst v63  }
0xd: {  	_ =	swait.ge [sflag:s7], $0x80  }
0xe: {  	[sflag:s7] =	ssyncset.done $0x0  }
0xf: {  	[sflag:s7] =	ssyncadd.s32 $0xFFFFFF80  }
0x10: {  	[tilespmem:s8], [sflag:$0x1] =	stream.indirect.gather [hbm4b:s3+s8], $0x80, s2, s8, $0xb8;
	[tilespmem:$0x4080] =	vst v63  }
0x11: {  	_ =	swait.ge [sflag:s9], $0x4000  }
0x12: {  	[sflag:s9] =	ssyncset.done $0x0  }
0x13: {  	[sflag:s9] =	ssyncadd.s32 $0xFFFFC000  }
0x14: {  	[hbm4b:s5+s2] =	stream.linear.scatter [tilespmem:s8], [sflag:$0x2], $0x4000, $0x38;
	[tilespmem:$0x4080] =	vst v63  }
0x15: {  	s12 =	simm.s32 $0x10;
	_ =	swait.ge [sflag:s7], $0x4000  }
0x16: {  	s13 =	simm.s32 $0x20;
	s11 =	sadd.s32 $0x800, s5;
	[sflag:s7] =	ssyncset.done $0x0  }
.LBB2_2:
0x17: {  	s14 =	sadd.s32 s12, s6  }
0x18: {  	[sflag:s7] =	ssyncadd.s32 $0xFFFFC000;
	s12 =	smov.u32 s13;
	s15 =	sadd.s32 $0x10, s13  }
0x19: {  	[tilespmem:s2], [sflag:$0x2] =	stream.linear.gather [hbm4b:s14+s2], $0x80, $0x38;
	[tilespmem:$0x4080] =	vst v63  }
0x1a: {  	p0 =	sne.s32 s13, $0x1F0;
	_ =	swait.ge [sflag:s7], $0x80  }
0x1b: {  	[sflag:s7] =	ssyncset.done $0x0  }
0x1c: {  	[sflag:s7] =	ssyncadd.s32 $0xFFFFFF80  }
0x1d: {  	[tilespmem:s8], [sflag:$0x1] =	stream.indirect.gather [hbm4b:s3+s8], $0x80, s2, s8, $0xb8;
	[tilespmem:$0x4080] =	vst v63  }
0x1e: {  	_ =	swait.ge [sflag:s9], $0x4000  }
.Ltmp0:
0x1f: {  	[sflag:s9] =	ssyncset.done $0x0;
	(pc) =	sbr.rel @p0 .LBB2_2-.Ltmp0, $4  }
0x20: {  	[sflag:s9] =	ssyncadd.s32 $0xFFFFC000  }
0x21: {  	[hbm4b:s11+s2] =	stream.linear.scatter [tilespmem:s8], [sflag:$0x2], $0x4000, $0x38;
	[tilespmem:$0x4080] =	vst v63  }
0x22: {  	_ =	swait.ge [sflag:s7], $0x4000  }
0x23: {  	s13 =	smov.u32 s15;
	s11 =	sadd.s32 $0x800, s11;
	[sflag:s7] =	ssyncset.done $0x0  }
0x24: {  	s12 =	sadd.s32 s12, s6;
	[sflag:s7] =	ssyncadd.s32 $0xFFFFC000  }
0x25: {  	[tilespmem:s2], [sflag:$0x2] =	stream.linear.gather [hbm4b:s12+s2], $0x80, $0x38;
	[tilespmem:$0x4080] =	vst v63  }
0x26: {  	_ =	swait.ge [sflag:s7], $0x80  }
0x27: {  	[sflag:s7] =	ssyncset.done $0x0  }
0x28: {  	[sflag:s7] =	ssyncadd.s32 $0xFFFFFF80  }
0x29: {  	[tilespmem:s8], [sflag:$0x1] =	stream.indirect.gather [hbm4b:s3+s8], $0x80, s2, s8, $0xb8;
	[tilespmem:$0x4080] =	vst v63  }
0x2a: {  	s10 =	sadd.s32 $0x1, s10;
	_ =	swait.ge [sflag:s9], $0x4000  }
0x2b: {  	p0 =	sne.s32 s10, s4;
	[sflag:s9] =	ssyncset.done $0x0  }
.Ltmp1:
0x2c: {  	[sflag:s9] =	ssyncadd.s32 $0xFFFFC000;
	(pc) =	sbr.rel @p0 .LBB2_1-.Ltmp1, $4  }
0x2d: {  	[hbm4b:s11+s2] =	stream.linear.scatter [tilespmem:s8], [sflag:$0x2], $0x4000, $0x38;
	[tilespmem:$0x4080] =	vst v63  }
0x2e: {  	_ =	swait.ge [sflag:s7], $0x4000  }
0x2f: {  	[sflag:s7] =	ssyncset.done $0x0  }
0x30: {  	[sflag:s7] =	ssyncadd.s32 $0xFFFFC000  }
0x31: {  	_ =	sfence.sel $0x180000  }
0x32: {  	[bflag:$0x0] =	sbarrier.arrive $0xFFFF  }
0x33: {  	p0 =	sne.s32 s1, $0x0;
	_ =	strace $0x9000004A  }
0x34: {  	s0 =	sadd.s32 @!p0 $0x100000, s0;
	[bflag:$0x2] =	sbarrier.arrive $0xFFFF  }
0x35: {  	[sflag:s0] =	ssyncadd.tile.s32 @!p0 $0x1;
	_ =	shalt  }
.Lfunc_end2:
_tile_overlayer_lowered:
.L_overlay_start_2:
0x36: {  	(tag) =	ssettag $0x2  }
0x37: {  	s0 =	rddreg [dreg:$0x0];
	s2 =	stileid.u32  }
0x38: {  	s1 =	rddreg [dreg:$0x1];
	p0 =	sne.s32 s2, $0x0  }
0x39: {  	s3 =	rddreg [dreg:$0x2];
	[bflag:$0x3] =	sbarrier.arrive $0xFFFF;
	s2 =	simm.s32 @!p0 $0x1C02  }
0x3a: {  	[timem:s3], [sflag:s2] =	dma.local @!p0 [hbm:s0], s1  }
0x3b: {  	s0 =	simm.s32 @!p0 $0x2  }
0x3c: {  	_ =	swait.ge @!p0 [sflag:s0], s1  }
0x3d: {  	s1 =	ssub.s32 @!p0 $0x0, s1;
	[sflag:s0] =	ssyncset.done @!p0 $0x0  }
0x3e: {  	[sflag:s0] =	ssyncadd.s32 @!p0 s1  }
0x3f: {  	[bflag:$0x3] =	sbarrier.arrive $0xFFFF  }
0x40: {  	_ =	shalt  }

</sc_bundles>
